<compile_context>
chip_gen: v7x
topology: tpu7x:2x2x1
jax: 0.10.2.dev20260603
libtpu: 0.0.44.dev20260713+nightly
codegen_flags: <defaults>
</compile_context>

<pallas_src>
import functools

import jax
import jax.numpy as jnp
from jax import lax
from jax.experimental import pallas as pl
from jax.experimental.pallas import tpu as pltpu
from jax.experimental.pallas import tpu_sc as plsc

N = 10000
D = 128
E = 320000
NC = 2
NS = 16
NW = NC * NS
N_P = 10240
ROWS_PT = N_P // NS
CHUNK = 128
CPT = 80
DH = D // 2
QTR = CPT // 5
E_PT = CPT * CHUNK
E_P = NW * E_PT
CPTS = 79
E_PTS = CPTS * CHUNK
E_PS = NW * E_PTS
PAD_IDX = N
BM = 128

_sc_mesh = plsc.VectorSubcoreMesh(core_axis_name="c", subcore_axis_name="s")


def _sc_scatter_body(g_hbm, src_hbm, dst_hbm, zrows_hbm, out_hbm,
                     srcv, dstv, rows, agg_sh, gsem):
    c = lax.axis_index("c")
    s = lax.axis_index("s")
    wid = s * NC + c
    pltpu.sync_copy(zrows_hbm, rows)
    for k in range(ROWS_PT // CHUNK):
        pltpu.sync_copy(rows, agg_sh.at[pl.ds(s * ROWS_PT + k * CHUNK, CHUNK)])
    plsc.subcore_barrier()
    ebase = wid * E_PTS

    def step(i, carry):
        base = ebase + i * CHUNK
        pltpu.sync_copy(src_hbm.at[pl.ds(base, CHUNK)], srcv)
        pltpu.async_copy(g_hbm.at[srcv], rows, gsem).wait()
        pltpu.sync_copy(dst_hbm.at[pl.ds(base, CHUNK)], dstv)
        pltpu.sync_copy(rows, agg_sh.at[dstv], add=True)
        return carry

    lax.fori_loop(0, CPTS, step, 0)
    plsc.subcore_barrier()
    for k in range(ROWS_PT // CHUNK):
        sl = pl.ds(s * ROWS_PT + k * CHUNK, CHUNK)
        pltpu.sync_copy(agg_sh.at[sl], rows)
        pltpu.sync_copy(rows, out_hbm.at[c, sl])


_sc_scatter = pl.kernel(
    _sc_scatter_body,
    out_type=jax.ShapeDtypeStruct((NC, N_P, D), jnp.float32),
    mesh=_sc_mesh,
    scratch_types=[
        pltpu.VMEM((CHUNK,), jnp.int32),
        pltpu.VMEM((CHUNK,), jnp.int32),
        pltpu.VMEM((CHUNK, D), jnp.float32),
        pltpu.VMEM_SHARED((N_P, D), jnp.float32),
        pltpu.SemaphoreType.DMA,
    ],
)


def _sc_deg_body(dst_hbm, ones_hbm, zrows_hbm, out_hbm, dst_all, onesv, buf, deg_sh):
    c = lax.axis_index("c")
    s = lax.axis_index("s")
    wid = s * NC + c
    pltpu.sync_copy(dst_hbm.at[wid], dst_all)
    pltpu.sync_copy(zrows_hbm, buf)
    for k in range(ROWS_PT // CHUNK):
        pltpu.sync_copy(buf, deg_sh.at[pl.ds(s * ROWS_PT + k * CHUNK, CHUNK)])
    pltpu.sync_copy(ones_hbm, onesv)
    plsc.subcore_barrier()

    def step(i, carry):
        pltpu.sync_copy(onesv, deg_sh.at[dst_all.at[i]], add=True)
        return carry

    lax.fori_loop(0, CPT, step, 0)
    plsc.subcore_barrier()
    for k in range(ROWS_PT // CHUNK):
        sl = pl.ds(s * ROWS_PT + k * CHUNK, CHUNK)
        pltpu.sync_copy(deg_sh.at[sl], buf)
        pltpu.sync_copy(buf, out_hbm.at[c, sl])


_sc_deg = pl.kernel(
    _sc_deg_body,
    out_type=jax.ShapeDtypeStruct((NC, N_P, D), jnp.float32),
    mesh=_sc_mesh,
    scratch_types=[
        pltpu.VMEM((CPT, CHUNK), jnp.int32),
        pltpu.VMEM((CHUNK, D), jnp.float32),
        pltpu.VMEM((CHUNK, D), jnp.float32),
        pltpu.VMEM_SHARED((N_P, D), jnp.float32),
    ],
)


def _dis_block(da_ref, db_ref):
    deg = da_ref[:, 0:1] + db_ref[:, 0:1] + 1.0
    return lax.rsqrt(deg)


def _mm(a, w_ref):
    return lax.dot_general(a, w_ref[...], (((1,), (0,)), ((), ())),
                           precision=lax.Precision.HIGHEST,
                           preferred_element_type=jnp.float32)


def _t0_body(x_ref, w_ref, da_ref, db_ref, g_ref):
    g_ref[...] = _dis_block(da_ref, db_ref) * _mm(x_ref[...], w_ref)


def _tmid_body(aa_ref, ab_ref, g_ref, da_ref, db_ref, b_ref, w_ref, gn_ref,
               *, relu):
    dis = _dis_block(da_ref, db_ref)
    o = dis * (aa_ref[...] + ab_ref[...] + g_ref[...]) + b_ref[...]
    if relu:
        o = jnp.maximum(o, 0.0)
    gn_ref[...] = dis * _mm(o, w_ref)


def _t3_body(aa_ref, ab_ref, g_ref, da_ref, db_ref, b_ref, out_ref):
    dis = _dis_block(da_ref, db_ref)
    out_ref[...] = dis * (aa_ref[...] + ab_ref[...] + g_ref[...]) + b_ref[...]


_row_spec = pl.BlockSpec((BM, D), lambda i: (i, 0))
_w_spec = pl.BlockSpec((D, D), lambda i: (0, 0))
_deg_spec = pl.BlockSpec((BM, D), lambda i: (i, 0))
_b_spec = pl.BlockSpec((1, D), lambda i: (0, 0))
_row_out = jax.ShapeDtypeStruct((N_P, D), jnp.float32)

_t0 = pl.pallas_call(
    _t0_body, grid=(N_P // BM,),
    in_specs=[_row_spec, _w_spec, _deg_spec, _deg_spec],
    out_specs=_row_spec, out_shape=_row_out)

_t1 = pl.pallas_call(
    functools.partial(_tmid_body, relu=True), grid=(N_P // BM,),
    in_specs=[_row_spec, _row_spec, _row_spec, _deg_spec, _deg_spec,
              _b_spec, _w_spec],
    out_specs=_row_spec, out_shape=_row_out)

_t2 = pl.pallas_call(
    functools.partial(_tmid_body, relu=False), grid=(N_P // BM,),
    in_specs=[_row_spec, _row_spec, _row_spec, _deg_spec, _deg_spec,
              _b_spec, _w_spec],
    out_specs=_row_spec, out_shape=_row_out)

_t3 = pl.pallas_call(
    _t3_body, grid=(N_P // BM,),
    in_specs=[_row_spec, _row_spec, _row_spec, _deg_spec, _deg_spec, _b_spec],
    out_specs=_row_spec, out_shape=_row_out)


def kernel(x, edge_index, W0, b0, W1, b1, W2, b2):
    src = edge_index[0].astype(jnp.int32)
    dst = edge_index[1].astype(jnp.int32)
    pad = jnp.full((E_PS - E,), PAD_IDX, jnp.int32)
    src_p = jnp.concatenate([src, pad])
    dst_p = jnp.concatenate([dst, pad])
    pad3 = jnp.full((E_P - E,), PAD_IDX, jnp.int32)
    dst3 = jnp.concatenate([dst, pad3]).reshape(NW, CPT, CHUNK)
    x_p = jnp.pad(x, ((0, N_P - N), (0, 0)))
    zrows = jnp.zeros((CHUNK, D), jnp.float32)
    onerows = jnp.ones((CHUNK, D), jnp.float32)

    degp = _sc_deg(dst3, onerows, zrows)
    da, db = degp[0], degp[1]
    g0 = _t0(x_p, W0, da, db)
    agg0 = _sc_scatter(g0, src_p, dst_p, zrows)
    g1 = _t1(agg0[0], agg0[1], g0, da, db, b0.reshape(1, D), W1)
    agg1 = _sc_scatter(g1, src_p, dst_p, zrows)
    g2 = _t2(agg1[0], agg1[1], g1, da, db, b1.reshape(1, D), W2)
    agg2 = _sc_scatter(g2, src_p, dst_p, zrows)
    out = _t3(agg2[0], agg2[1], g2, da, db, b2.reshape(1, D))
    return out[:N]

# --- scband reference (transcript-rebuilt; emitter-appended) ---
"""Pipeline reference for scband-gcn-53635551592803 (READ-ONLY COPY).

The authoritative reference and input builder live on the scoring server;
editing this copy changes nothing except your own understanding.
"""

import jax, jax.numpy as jnp
import numpy as np

N_NODES = 10000
N_EDGES = 320000
D_IN = 128
D_HID = 128
D_OUT = 128


def _glorot(key, fan_in, fan_out):
    limit = np.sqrt(6.0 / (fan_in + fan_out))
    return jax.random.uniform(key, (fan_in, fan_out), jnp.float32, -limit, limit)


def setup_inputs(seed: int = 0) -> dict:
    key = jax.random.key(seed)
    ks = jax.random.split(key, 8)
    x = jax.random.normal(ks[0], (N_NODES, D_IN), jnp.float32)
    edge_index = jax.random.randint(ks[1], (2, N_EDGES), 0, N_NODES)
    W0 = _glorot(ks[2], D_IN, D_HID)
    b0 = jnp.zeros((D_HID,), jnp.float32)
    W1 = _glorot(ks[3], D_HID, D_HID)
    b1 = jnp.zeros((D_HID,), jnp.float32)
    W2 = _glorot(ks[4], D_HID, D_OUT)
    b2 = jnp.zeros((D_OUT,), jnp.float32)
    return {"x": x, "edge_index": edge_index, "W0": W0, "b0": b0, "W1": W1, "b1": b1, "W2": W2, "b2": b2}


def gcn_conv(x, edge_index, W, b):
    # GCNConv: out = D^{-1/2} (A + I) D^{-1/2} X W + b
    num_nodes = x.shape[0]
    self_loops = jnp.arange(num_nodes, dtype=edge_index.dtype)
    src = jnp.concatenate([edge_index[0], self_loops])
    dst = jnp.concatenate([edge_index[1], self_loops])
    deg = jnp.zeros((num_nodes,), x.dtype).at[dst].add(1.0)
    deg_inv_sqrt = jnp.where(deg > 0, jax.lax.rsqrt(jnp.maximum(deg, 1e-12)), 0.0)
    norm = deg_inv_sqrt[src] * deg_inv_sqrt[dst]
    h = x @ W
    msgs = h[src] * norm[:, None]
    out = jnp.zeros((num_nodes, h.shape[1]), h.dtype).at[dst].add(msgs)
    return out + b


def reference(x, edge_index, W0, b0, W1, b1, W2, b2):
    # num_layers=2 -> 3 GCNConv layers; relu applied only for i < num_layers-1 (i.e. after layer 0)
    h = gcn_conv(x, edge_index, W0, b0)
    h = jax.nn.relu(h)
    h = gcn_conv(h, edge_index, W1, b1)
    h = gcn_conv(h, edge_index, W2, b2)
    return h

if __name__ == "__main__":
    import jax
    _d = setup_inputs()
    print(jax.jit(kernel)(*tuple(_d.values())))

</pallas_src>

<mosaic_0001>
#map = affine_map<(d0, d1) -> (0, 0, 0)>
#map1 = affine_map<(d0, d1) -> (0, 0)>
module attributes {stable_mosaic.version = 14 : i64} {
  func.func @_sc_deg_body(%arg0: i32, %arg1: i32, %arg2: memref<32x80x128xi32, #tpu.memory_space<hbm>>, %arg3: memref<128x128xf32, #tpu.memory_space<hbm>>, %arg4: memref<128x128xf32, #tpu.memory_space<hbm>>, %arg5: memref<2x10240x128xf32, #tpu.memory_space<hbm>>, %arg6: memref<80x128xi32, #tpu.memory_space<vmem>>, %arg7: memref<128x128xf32, #tpu.memory_space<vmem>>, %arg8: memref<128x128xf32, #tpu.memory_space<vmem>>, %arg9: memref<10240x128xf32, #tpu.memory_space<vmem_shared>>) attributes {dimension_semantics = [#tpu.dimension_semantics<core_parallel>, #tpu.dimension_semantics<subcore_parallel>], iteration_bounds = array<i64: 2, 16>, scalar_prefetch = 0 : i64, scratch_operands = 4 : i64, tpu.core_type = #tpu.core_type<sc_vector_subcore>, window_params = [{transform_indices = #map}, {transform_indices = #map1}, {transform_indices = #map1}, {transform_indices = #map}]} {
    %mul3A = arith.constant 2 : i32
    %mul3A_0 = arith.muli %arg1, %mul3A : i32
    %add3A = arith.addi %mul3A_0, %arg0 : i32
    "tpu.region"() ({
      %run_scoped3A = tpu.sem_alloc : memref<!tpu.dma_semaphore, #tpu.memory_space<semaphore_mem>>
      %dma_start3A = arith.constant 0 : i32
      %dma_start3A_47 = arith.constant 0 : i32
      %dma_start3A_48 = tpu.memref_slice %arg2[%add3A, %dma_start3A, %dma_start3A_47] : memref<32x80x128xi32, #tpu.memory_space<hbm>> -> memref<1x80x128xi32, #tpu.memory_space<hbm>>
      %dma_start3A_49 = tpu.memref_squeeze %dma_start3A_48 : memref<1x80x128xi32, #tpu.memory_space<hbm>> -> memref<80x128xi32, #tpu.memory_space<hbm>>
      %dma_start3A_50 = arith.constant 0 : i32
      %dma_start3A_51 = arith.constant 0 : i32
      %dma_start3A_52 = tpu.memref_slice %arg2[%add3A, %dma_start3A_50, %dma_start3A_51] : memref<32x80x128xi32, #tpu.memory_space<hbm>> -> memref<1x80x128xi32, #tpu.memory_space<hbm>>
      %dma_start3A_53 = tpu.memref_squeeze %dma_start3A_52 : memref<1x80x128xi32, #tpu.memory_space<hbm>> -> memref<80x128xi32, #tpu.memory_space<hbm>>
      tpu.enqueue_dma source(%dma_start3A_53 : memref<80x128xi32, #tpu.memory_space<hbm>>) target(%arg6 : memref<80x128xi32, #tpu.memory_space<vmem>>) target_semaphore(%run_scoped3A : memref<!tpu.dma_semaphore, #tpu.memory_space<semaphore_mem>>)
      %dma_wait3A = arith.constant 0 : i32
      %dma_wait3A_54 = arith.constant 0 : i32
      %dma_wait3A_55 = tpu.memref_slice %arg2[%add3A, %dma_wait3A, %dma_wait3A_54] : memref<32x80x128xi32, #tpu.memory_space<hbm>> -> memref<1x80x128xi32, #tpu.memory_space<hbm>>
      %dma_wait3A_56 = tpu.memref_squeeze %dma_wait3A_55 : memref<1x80x128xi32, #tpu.memory_space<hbm>> -> memref<80x128xi32, #tpu.memory_space<hbm>>
      %dma_wait3A_57 = arith.constant 0 : i32
      %dma_wait3A_58 = arith.constant 0 : i32
      %dma_wait3A_59 = tpu.memref_slice %arg2[%add3A, %dma_wait3A_57, %dma_wait3A_58] : memref<32x80x128xi32, #tpu.memory_space<hbm>> -> memref<1x80x128xi32, #tpu.memory_space<hbm>>
      %dma_wait3A_60 = tpu.memref_squeeze %dma_wait3A_59 : memref<1x80x128xi32, #tpu.memory_space<hbm>> -> memref<80x128xi32, #tpu.memory_space<hbm>>
      tpu.wait_dma2 semaphore(%run_scoped3A : memref<!tpu.dma_semaphore, #tpu.memory_space<semaphore_mem>>) src(%dma_wait3A_60 : memref<80x128xi32, #tpu.memory_space<hbm>>) dst(%arg6 : memref<80x128xi32, #tpu.memory_space<vmem>>)
      tpu.yield
    }) : () -> ()
    "tpu.region"() ({
      %run_scoped3A = tpu.sem_alloc : memref<!tpu.dma_semaphore, #tpu.memory_space<semaphore_mem>>
      tpu.enqueue_dma source(%arg4 : memref<128x128xf32, #tpu.memory_space<hbm>>) target(%arg8 : memref<128x128xf32, #tpu.memory_space<vmem>>) target_semaphore(%run_scoped3A : memref<!tpu.dma_semaphore, #tpu.memory_space<semaphore_mem>>)
      tpu.wait_dma2 semaphore(%run_scoped3A : memref<!tpu.dma_semaphore, #tpu.memory_space<semaphore_mem>>) src(%arg4 : memref<128x128xf32, #tpu.memory_space<hbm>>) dst(%arg8 : memref<128x128xf32, #tpu.memory_space<vmem>>)
      tpu.yield
    }) : () -> ()
    %mul3A_1 = arith.constant 640 : i32
    %mul3A_2 = arith.muli %arg1, %mul3A_1 : i32
    %add3A_3 = arith.constant 0 : i32
    %add3A_4 = arith.addi %mul3A_2, %add3A_3 : i32
    "tpu.region"() ({
      %run_scoped3A = tpu.sem_alloc : memref<!tpu.dma_semaphore, #tpu.memory_space<semaphore_mem>>
      %dma_start3A = arith.constant 0 : i32
      %dma_start3A_47 = tpu.memref_slice %arg9[%add3A_4, %dma_start3A] : memref<10240x128xf32, #tpu.memory_space<vmem_shared>> -> memref<128x128xf32, #tpu.memory_space<vmem_shared>>
      %dma_start3A_48 = arith.constant 0 : i32
      %dma_start3A_49 = tpu.memref_slice %arg9[%add3A_4, %dma_start3A_48] : memref<10240x128xf32, #tpu.memory_space<vmem_shared>> -> memref<128x128xf32, #tpu.memory_space<vmem_shared>>
      tpu.enqueue_dma source(%arg8 : memref<128x128xf32, #tpu.memory_space<vmem>>) target(%dma_start3A_49 : memref<128x128xf32, #tpu.memory_space<vmem_shared>>) target_semaphore(%run_scoped3A : memref<!tpu.dma_semaphore, #tpu.memory_space<semaphore_mem>>)
      %dma_wait3A = arith.constant 0 : i32
      %dma_wait3A_50 = tpu.memref_slice %arg9[%add3A_4, %dma_wait3A] : memref<10240x128xf32, #tpu.memory_space<vmem_shared>> -> memref<128x128xf32, #tpu.memory_space<vmem_shared>>
      %dma_wait3A_51 = arith.constant 0 : i32
      %dma_wait3A_52 = tpu.memref_slice %arg9[%add3A_4, %dma_wait3A_51] : memref<10240x128xf32, #tpu.memory_space<vmem_shared>> -> memref<128x128xf32, #tpu.memory_space<vmem_shared>>
      tpu.wait_dma2 semaphore(%run_scoped3A : memref<!tpu.dma_semaphore, #tpu.memory_space<semaphore_mem>>) src(%arg8 : memref<128x128xf32, #tpu.memory_space<vmem>>) dst(%dma_wait3A_52 : memref<128x128xf32, #tpu.memory_space<vmem_shared>>)
      tpu.yield
    }) : () -> ()
    %mul3A_5 = arith.constant 640 : i32
    %mul3A_6 = arith.muli %arg1, %mul3A_5 : i32
    %add3A_7 = arith.constant 128 : i32
    %add3A_8 = arith.addi %mul3A_6, %add3A_7 : i32
    "tpu.region"() ({
      %run_scoped3A = tpu.sem_alloc : memref<!tpu.dma_semaphore, #tpu.memory_space<semaphore_mem>>
      %dma_start3A = arith.constant 0 : i32
      %dma_start3A_47 = tpu.memref_slice %arg9[%add3A_8, %dma_start3A] : memref<10240x128xf32, #tpu.memory_space<vmem_shared>> -> memref<128x128xf32, #tpu.memory_space<vmem_shared>>
      %dma_start3A_48 = arith.constant 0 : i32
      %dma_start3A_49 = tpu.memref_slice %arg9[%add3A_8, %dma_start3A_48] : memref<10240x128xf32, #tpu.memory_space<vmem_shared>> -> memref<128x128xf32, #tpu.memory_space<vmem_shared>>
      tpu.enqueue_dma source(%arg8 : memref<128x128xf32, #tpu.memory_space<vmem>>) target(%dma_start3A_49 : memref<128x128xf32, #tpu.memory_space<vmem_shared>>) target_semaphore(%run_scoped3A : memref<!tpu.dma_semaphore, #tpu.memory_space<semaphore_mem>>)
      %dma_wait3A = arith.constant 0 : i32
      %dma_wait3A_50 = tpu.memref_slice %arg9[%add3A_8, %dma_wait3A] : memref<10240x128xf32, #tpu.memory_space<vmem_shared>> -> memref<128x128xf32, #tpu.memory_space<vmem_shared>>
      %dma_wait3A_51 = arith.constant 0 : i32
      %dma_wait3A_52 = tpu.memref_slice %arg9[%add3A_8, %dma_wait3A_51] : memref<10240x128xf32, #tpu.memory_space<vmem_shared>> -> memref<128x128xf32, #tpu.memory_space<vmem_shared>>
      tpu.wait_dma2 semaphore(%run_scoped3A : memref<!tpu.dma_semaphore, #tpu.memory_space<semaphore_mem>>) src(%arg8 : memref<128x128xf32, #tpu.memory_space<vmem>>) dst(%dma_wait3A_52 : memref<128x128xf32, #tpu.memory_space<vmem_shared>>)
      tpu.yield
    }) : () -> ()
    %mul3A_9 = arith.constant 640 : i32
    %mul3A_10 = arith.muli %arg1, %mul3A_9 : i32
    %add3A_11 = arith.constant 256 : i32
    %add3A_12 = arith.addi %mul3A_10, %add3A_11 : i32
    "tpu.region"() ({
      %run_scoped3A = tpu.sem_alloc : memref<!tpu.dma_semaphore, #tpu.memory_space<semaphore_mem>>
      %dma_start3A = arith.constant 0 : i32
      %dma_start3A_47 = tpu.memref_slice %arg9[%add3A_12, %dma_start3A] : memref<10240x128xf32, #tpu.memory_space<vmem_shared>> -> memref<128x128xf32, #tpu.memory_space<vmem_shared>>
      %dma_start3A_48 = arith.constant 0 : i32
      %dma_start3A_49 = tpu.memref_slice %arg9[%add3A_12, %dma_start3A_48] : memref<10240x128xf32, #tpu.memory_space<vmem_shared>> -> memref<128x128xf32, #tpu.memory_space<vmem_shared>>
      tpu.enqueue_dma source(%arg8 : memref<128x128xf32, #tpu.memory_space<vmem>>) target(%dma_start3A_49 : memref<128x128xf32, #tpu.memory_space<vmem_shared>>) target_semaphore(%run_scoped3A : memref<!tpu.dma_semaphore, #tpu.memory_space<semaphore_mem>>)
      %dma_wait3A = arith.constant 0 : i32
      %dma_wait3A_50 = tpu.memref_slice %arg9[%add3A_12, %dma_wait3A] : memref<10240x128xf32, #tpu.memory_space<vmem_shared>> -> memref<128x128xf32, #tpu.memory_space<vmem_shared>>
      %dma_wait3A_51 = arith.constant 0 : i32
      %dma_wait3A_52 = tpu.memref_slice %arg9[%add3A_12, %dma_wait3A_51] : memref<10240x128xf32, #tpu.memory_space<vmem_shared>> -> memref<128x128xf32, #tpu.memory_space<vmem_shared>>
      tpu.wait_dma2 semaphore(%run_scoped3A : memref<!tpu.dma_semaphore, #tpu.memory_space<semaphore_mem>>) src(%arg8 : memref<128x128xf32, #tpu.memory_space<vmem>>) dst(%dma_wait3A_52 : memref<128x128xf32, #tpu.memory_space<vmem_shared>>)
      tpu.yield
    }) : () -> ()
    %mul3A_13 = arith.constant 640 : i32
    %mul3A_14 = arith.muli %arg1, %mul3A_13 : i32
    %add3A_15 = arith.constant 384 : i32
    %add3A_16 = arith.addi %mul3A_14, %add3A_15 : i32
    "tpu.region"() ({
      %run_scoped3A = tpu.sem_alloc : memref<!tpu.dma_semaphore, #tpu.memory_space<semaphore_mem>>
      %dma_start3A = arith.constant 0 : i32
      %dma_start3A_47 = tpu.memref_slice %arg9[%add3A_16, %dma_start3A] : memref<10240x128xf32, #tpu.memory_space<vmem_shared>> -> memref<128x128xf32, #tpu.memory_space<vmem_shared>>
      %dma_start3A_48 = arith.constant 0 : i32
      %dma_start3A_49 = tpu.memref_slice %arg9[%add3A_16, %dma_start3A_48] : memref<10240x128xf32, #tpu.memory_space<vmem_shared>> -> memref<128x128xf32, #tpu.memory_space<vmem_shared>>
      tpu.enqueue_dma source(%arg8 : memref<128x128xf32, #tpu.memory_space<vmem>>) target(%dma_start3A_49 : memref<128x128xf32, #tpu.memory_space<vmem_shared>>) target_semaphore(%run_scoped3A : memref<!tpu.dma_semaphore, #tpu.memory_space<semaphore_mem>>)
      %dma_wait3A = arith.constant 0 : i32
      %dma_wait3A_50 = tpu.memref_slice %arg9[%add3A_16, %dma_wait3A] : memref<10240x128xf32, #tpu.memory_space<vmem_shared>> -> memref<128x128xf32, #tpu.memory_space<vmem_shared>>
      %dma_wait3A_51 = arith.constant 0 : i32
      %dma_wait3A_52 = tpu.memref_slice %arg9[%add3A_16, %dma_wait3A_51] : memref<10240x128xf32, #tpu.memory_space<vmem_shared>> -> memref<128x128xf32, #tpu.memory_space<vmem_shared>>
      tpu.wait_dma2 semaphore(%run_scoped3A : memref<!tpu.dma_semaphore, #tpu.memory_space<semaphore_mem>>) src(%arg8 : memref<128x128xf32, #tpu.memory_space<vmem>>) dst(%dma_wait3A_52 : memref<128x128xf32, #tpu.memory_space<vmem_shared>>)
      tpu.yield
    }) : () -> ()
    %mul3A_17 = arith.constant 640 : i32
    %mul3A_18 = arith.muli %arg1, %mul3A_17 : i32
    %add3A_19 = arith.constant 512 : i32
    %add3A_20 = arith.addi %mul3A_18, %add3A_19 : i32
    "tpu.region"() ({
      %run_scoped3A = tpu.sem_alloc : memref<!tpu.dma_semaphore, #tpu.memory_space<semaphore_mem>>
      %dma_start3A = arith.constant 0 : i32
      %dma_start3A_47 = tpu.memref_slice %arg9[%add3A_20, %dma_start3A] : memref<10240x128xf32, #tpu.memory_space<vmem_shared>> -> memref<128x128xf32, #tpu.memory_space<vmem_shared>>
      %dma_start3A_48 = arith.constant 0 : i32
      %dma_start3A_49 = tpu.memref_slice %arg9[%add3A_20, %dma_start3A_48] : memref<10240x128xf32, #tpu.memory_space<vmem_shared>> -> memref<128x128xf32, #tpu.memory_space<vmem_shared>>
      tpu.enqueue_dma source(%arg8 : memref<128x128xf32, #tpu.memory_space<vmem>>) target(%dma_start3A_49 : memref<128x128xf32, #tpu.memory_space<vmem_shared>>) target_semaphore(%run_scoped3A : memref<!tpu.dma_semaphore, #tpu.memory_space<semaphore_mem>>)
      %dma_wait3A = arith.constant 0 : i32
      %dma_wait3A_50 = tpu.memref_slice %arg9[%add3A_20, %dma_wait3A] : memref<10240x128xf32, #tpu.memory_space<vmem_shared>> -> memref<128x128xf32, #tpu.memory_space<vmem_shared>>
      %dma_wait3A_51 = arith.constant 0 : i32
      %dma_wait3A_52 = tpu.memref_slice %arg9[%add3A_20, %dma_wait3A_51] : memref<10240x128xf32, #tpu.memory_space<vmem_shared>> -> memref<128x128xf32, #tpu.memory_space<vmem_shared>>
      tpu.wait_dma2 semaphore(%run_scoped3A : memref<!tpu.dma_semaphore, #tpu.memory_space<semaphore_mem>>) src(%arg8 : memref<128x128xf32, #tpu.memory_space<vmem>>) dst(%dma_wait3A_52 : memref<128x128xf32, #tpu.memory_space<vmem_shared>>)
      tpu.yield
    }) : () -> ()
    "tpu.region"() ({
      %run_scoped3A = tpu.sem_alloc : memref<!tpu.dma_semaphore, #tpu.memory_space<semaphore_mem>>
      tpu.enqueue_dma source(%arg3 : memref<128x128xf32, #tpu.memory_space<hbm>>) target(%arg7 : memref<128x128xf32, #tpu.memory_space<vmem>>) target_semaphore(%run_scoped3A : memref<!tpu.dma_semaphore, #tpu.memory_space<semaphore_mem>>)
      tpu.wait_dma2 semaphore(%run_scoped3A : memref<!tpu.dma_semaphore, #tpu.memory_space<semaphore_mem>>) src(%arg3 : memref<128x128xf32, #tpu.memory_space<hbm>>) dst(%arg7 : memref<128x128xf32, #tpu.memory_space<vmem>>)
      tpu.yield
    }) : () -> ()
    %barrier3A = arith.constant 0 : index
    tpu.barrier barrier_id(%barrier3A)
    %scan3A = arith.constant 0 : i32
    %scan3A_21 = arith.constant 0 : i32
    %scan3A_22 = arith.constant 80 : i32
    %scan3A_23 = arith.addi %scan3A_21, %scan3A_22 : i32
    %scan3A_24 = arith.constant 1 : i32
    scf.for %scan3A_47 = %scan3A_21 to %scan3A_23 step %scan3A_24  : i32 {
      "tpu.region"() ({
        %run_scoped3A = tpu.sem_alloc : memref<!tpu.dma_semaphore, #tpu.memory_space<semaphore_mem>>
        %dma_start3A = arith.constant 0 : i32
        %dma_start3A_48 = tpu.memref_slice %arg6[%scan3A_47, %dma_start3A] : memref<80x128xi32, #tpu.memory_space<vmem>> -> memref<1x128xi32, #tpu.memory_space<vmem>>
        %dma_start3A_49 = tpu.memref_squeeze %dma_start3A_48 : memref<1x128xi32, #tpu.memory_space<vmem>> -> memref<128xi32, #tpu.memory_space<vmem>>
        %dma_start3A_50 = arith.constant 0 : i32
        %dma_start3A_51 = arith.constant 0 : i32
        %dma_start3A_52 = tpu.memref_slice %arg9[%dma_start3A_50, %dma_start3A_51] : memref<10240x128xf32, #tpu.memory_space<vmem_shared>> -> memref<10240x128xf32, #tpu.memory_space<vmem_shared>>
        tpu.enqueue_indirect_dma source(%arg7 : memref<128x128xf32, #tpu.memory_space<vmem>>) target(%dma_start3A_52 : memref<10240x128xf32, #tpu.memory_space<vmem_shared>>) offsets(%dma_start3A_49 : memref<128xi32, #tpu.memory_space<vmem>>) semaphore(%run_scoped3A : memref<!tpu.dma_semaphore, #tpu.memory_space<semaphore_mem>>) {add = true}
        %dma_wait3A = arith.constant 0 : i32
        %dma_wait3A_53 = tpu.memref_slice %arg6[%scan3A_47, %dma_wait3A] : memref<80x128xi32, #tpu.memory_space<vmem>> -> memref<1x128xi32, #tpu.memory_space<vmem>>
        %dma_wait3A_54 = tpu.memref_squeeze %dma_wait3A_53 : memref<1x128xi32, #tpu.memory_space<vmem>> -> memref<128xi32, #tpu.memory_space<vmem>>
        %dma_wait3A_55 = arith.constant 0 : i32
        %dma_wait3A_56 = arith.constant 0 : i32
        %dma_wait3A_57 = tpu.memref_slice %arg9[%dma_wait3A_55, %dma_wait3A_56] : memref<10240x128xf32, #tpu.memory_space<vmem_shared>> -> memref<10240x128xf32, #tpu.memory_space<vmem_shared>>
        tpu.wait_indirect_dma semaphore(%run_scoped3A : memref<!tpu.dma_semaphore, #tpu.memory_space<semaphore_mem>>) src(%arg7 : memref<128x128xf32, #tpu.memory_space<vmem>>) dst(%dma_wait3A_57 : memref<10240x128xf32, #tpu.memory_space<vmem_shared>>)
        tpu.yield
      }) : () -> ()
    }
    %scan3A_25 = arith.constant 80 : i32
    %barrier3A_26 = arith.constant 0 : index
    tpu.barrier barrier_id(%barrier3A_26)
    %mul3A_27 = arith.constant 640 : i32
    %mul3A_28 = arith.muli %arg1, %mul3A_27 : i32
    %add3A_29 = arith.constant 0 : i32
    %add3A_30 = arith.addi %mul3A_28, %add3A_29 : i32
    "tpu.region"() ({
      %run_scoped3A = tpu.sem_alloc : memref<!tpu.dma_semaphore, #tpu.memory_space<semaphore_mem>>
      %dma_start3A = arith.constant 0 : i32
      %dma_start3A_47 = tpu.memref_slice %arg9[%add3A_30, %dma_start3A] : memref<10240x128xf32, #tpu.memory_space<vmem_shared>> -> memref<128x128xf32, #tpu.memory_space<vmem_shared>>
      %dma_start3A_48 = arith.constant 0 : i32
      %dma_start3A_49 = tpu.memref_slice %arg9[%add3A_30, %dma_start3A_48] : memref<10240x128xf32, #tpu.memory_space<vmem_shared>> -> memref<128x128xf32, #tpu.memory_space<vmem_shared>>
      tpu.enqueue_dma source(%dma_start3A_49 : memref<128x128xf32, #tpu.memory_space<vmem_shared>>) target(%arg8 : memref<128x128xf32, #tpu.memory_space<vmem>>) target_semaphore(%run_scoped3A : memref<!tpu.dma_semaphore, #tpu.memory_space<semaphore_mem>>)
      %dma_wait3A = arith.constant 0 : i32
      %dma_wait3A_50 = tpu.memref_slice %arg9[%add3A_30, %dma_wait3A] : memref<10240x128xf32, #tpu.memory_space<vmem_shared>> -> memref<128x128xf32, #tpu.memory_space<vmem_shared>>
      %dma_wait3A_51 = arith.constant 0 : i32
      %dma_wait3A_52 = tpu.memref_slice %arg9[%add3A_30, %dma_wait3A_51] : memref<10240x128xf32, #tpu.memory_space<vmem_shared>> -> memref<128x128xf32, #tpu.memory_space<vmem_shared>>
      tpu.wait_dma2 semaphore(%run_scoped3A : memref<!tpu.dma_semaphore, #tpu.memory_space<semaphore_mem>>) src(%dma_wait3A_52 : memref<128x128xf32, #tpu.memory_space<vmem_shared>>) dst(%arg8 : memref<128x128xf32, #tpu.memory_space<vmem>>)
      tpu.yield
    }) : () -> ()
    "tpu.region"() ({
      %run_scoped3A = tpu.sem_alloc : memref<!tpu.dma_semaphore, #tpu.memory_space<semaphore_mem>>
      %dma_start3A = arith.constant 0 : i32
      %dma_start3A_47 = tpu.memref_slice %arg5[%arg0, %add3A_30, %dma_start3A] : memref<2x10240x128xf32, #tpu.memory_space<hbm>> -> memref<1x128x128xf32, #tpu.memory_space<hbm>>
      %dma_start3A_48 = tpu.memref_squeeze %dma_start3A_47 : memref<1x128x128xf32, #tpu.memory_space<hbm>> -> memref<128x128xf32, #tpu.memory_space<hbm>>
      %dma_start3A_49 = arith.constant 0 : i32
      %dma_start3A_50 = tpu.memref_slice %arg5[%arg0, %add3A_30, %dma_start3A_49] : memref<2x10240x128xf32, #tpu.memory_space<hbm>> -> memref<1x128x128xf32, #tpu.memory_space<hbm>>
      %dma_start3A_51 = tpu.memref_squeeze %dma_start3A_50 : memref<1x128x128xf32, #tpu.memory_space<hbm>> -> memref<128x128xf32, #tpu.memory_space<hbm>>
      tpu.enqueue_dma source(%arg8 : memref<128x128xf32, #tpu.memory_space<vmem>>) target(%dma_start3A_51 : memref<128x128xf32, #tpu.memory_space<hbm>>) target_semaphore(%run_scoped3A : memref<!tpu.dma_semaphore, #tpu.memory_space<semaphore_mem>>)
      %dma_wait3A = arith.constant 0 : i32
      %dma_wait3A_52 = tpu.memref_slice %arg5[%arg0, %add3A_30, %dma_wait3A] : memref<2x10240x128xf32, #tpu.memory_space<hbm>> -> memref<1x128x128xf32, #tpu.memory_space<hbm>>
      %dma_wait3A_53 = tpu.memref_squeeze %dma_wait3A_52 : memref<1x128x128xf32, #tpu.memory_space<hbm>> -> memref<128x128xf32, #tpu.memory_space<hbm>>
      %dma_wait3A_54 = arith.constant 0 : i32
      %dma_wait3A_55 = tpu.memref_slice %arg5[%arg0, %add3A_30, %dma_wait3A_54] : memref<2x10240x128xf32, #tpu.memory_space<hbm>> -> memref<1x128x128xf32, #tpu.memory_space<hbm>>
      %dma_wait3A_56 = tpu.memref_squeeze %dma_wait3A_55 : memref<1x128x128xf32, #tpu.memory_space<hbm>> -> memref<128x128xf32, #tpu.memory_space<hbm>>
      tpu.wait_dma2 semaphore(%run_scoped3A : memref<!tpu.dma_semaphore, #tpu.memory_space<semaphore_mem>>) src(%arg8 : memref<128x128xf32, #tpu.memory_space<vmem>>) dst(%dma_wait3A_56 : memref<128x128xf32, #tpu.memory_space<hbm>>)
      tpu.yield
    }) : () -> ()
    %mul3A_31 = arith.constant 640 : i32
    %mul3A_32 = arith.muli %arg1, %mul3A_31 : i32
    %add3A_33 = arith.constant 128 : i32
    %add3A_34 = arith.addi %mul3A_32, %add3A_33 : i32
    "tpu.region"() ({
      %run_scoped3A = tpu.sem_alloc : memref<!tpu.dma_semaphore, #tpu.memory_space<semaphore_mem>>
      %dma_start3A = arith.constant 0 : i32
      %dma_start3A_47 = tpu.memref_slice %arg9[%add3A_34, %dma_start3A] : memref<10240x128xf32, #tpu.memory_space<vmem_shared>> -> memref<128x128xf32, #tpu.memory_space<vmem_shared>>
      %dma_start3A_48 = arith.constant 0 : i32
      %dma_start3A_49 = tpu.memref_slice %arg9[%add3A_34, %dma_start3A_48] : memref<10240x128xf32, #tpu.memory_space<vmem_shared>> -> memref<128x128xf32, #tpu.memory_space<vmem_shared>>
      tpu.enqueue_dma source(%dma_start3A_49 : memref<128x128xf32, #tpu.memory_space<vmem_shared>>) target(%arg8 : memref<128x128xf32, #tpu.memory_space<vmem>>) target_semaphore(%run_scoped3A : memref<!tpu.dma_semaphore, #tpu.memory_space<semaphore_mem>>)
      %dma_wait3A = arith.constant 0 : i32
      %dma_wait3A_50 = tpu.memref_slice %arg9[%add3A_34, %dma_wait3A] : memref<10240x128xf32, #tpu.memory_space<vmem_shared>> -> memref<128x128xf32, #tpu.memory_space<vmem_shared>>
      %dma_wait3A_51 = arith.constant 0 : i32
      %dma_wait3A_52 = tpu.memref_slice %arg9[%add3A_34, %dma_wait3A_51] : memref<10240x128xf32, #tpu.memory_space<vmem_shared>> -> memref<128x128xf32, #tpu.memory_space<vmem_shared>>
      tpu.wait_dma2 semaphore(%run_scoped3A : memref<!tpu.dma_semaphore, #tpu.memory_space<semaphore_mem>>) src(%dma_wait3A_52 : memref<128x128xf32, #tpu.memory_space<vmem_shared>>) dst(%arg8 : memref<128x128xf32, #tpu.memory_space<vmem>>)
      tpu.yield
    }) : () -> ()
    "tpu.region"() ({
      %run_scoped3A = tpu.sem_alloc : memref<!tpu.dma_semaphore, #tpu.memory_space<semaphore_mem>>
      %dma_start3A = arith.constant 0 : i32
      %dma_start3A_47 = tpu.memref_slice %arg5[%arg0, %add3A_34, %dma_start3A] : memref<2x10240x128xf32, #tpu.memory_space<hbm>> -> memref<1x128x128xf32, #tpu.memory_space<hbm>>
      %dma_start3A_48 = tpu.memref_squeeze %dma_start3A_47 : memref<1x128x128xf32, #tpu.memory_space<hbm>> -> memref<128x128xf32, #tpu.memory_space<hbm>>
      %dma_start3A_49 = arith.constant 0 : i32
      %dma_start3A_50 = tpu.memref_slice %arg5[%arg0, %add3A_34, %dma_start3A_49] : memref<2x10240x128xf32, #tpu.memory_space<hbm>> -> memref<1x128x128xf32, #tpu.memory_space<hbm>>
      %dma_start3A_51 = tpu.memref_squeeze %dma_start3A_50 : memref<1x128x128xf32, #tpu.memory_space<hbm>> -> memref<128x128xf32, #tpu.memory_space<hbm>>
      tpu.enqueue_dma source(%arg8 : memref<128x128xf32, #tpu.memory_space<vmem>>) target(%dma_start3A_51 : memref<128x128xf32, #tpu.memory_space<hbm>>) target_semaphore(%run_scoped3A : memref<!tpu.dma_semaphore, #tpu.memory_space<semaphore_mem>>)
      %dma_wait3A = arith.constant 0 : i32
      %dma_wait3A_52 = tpu.memref_slice %arg5[%arg0, %add3A_34, %dma_wait3A] : memref<2x10240x128xf32, #tpu.memory_space<hbm>> -> memref<1x128x128xf32, #tpu.memory_space<hbm>>
      %dma_wait3A_53 = tpu.memref_squeeze %dma_wait3A_52 : memref<1x128x128xf32, #tpu.memory_space<hbm>> -> memref<128x128xf32, #tpu.memory_space<hbm>>
      %dma_wait3A_54 = arith.constant 0 : i32
      %dma_wait3A_55 = tpu.memref_slice %arg5[%arg0, %add3A_34, %dma_wait3A_54] : memref<2x10240x128xf32, #tpu.memory_space<hbm>> -> memref<1x128x128xf32, #tpu.memory_space<hbm>>
      %dma_wait3A_56 = tpu.memref_squeeze %dma_wait3A_55 : memref<1x128x128xf32, #tpu.memory_space<hbm>> -> memref<128x128xf32, #tpu.memory_space<hbm>>
      tpu.wait_dma2 semaphore(%run_scoped3A : memref<!tpu.dma_semaphore, #tpu.memory_space<semaphore_mem>>) src(%arg8 : memref<128x128xf32, #tpu.memory_space<vmem>>) dst(%dma_wait3A_56 : memref<128x128xf32, #tpu.memory_space<hbm>>)
      tpu.yield
    }) : () -> ()
    %mul3A_35 = arith.constant 640 : i32
    %mul3A_36 = arith.muli %arg1, %mul3A_35 : i32
    %add3A_37 = arith.constant 256 : i32
    %add3A_38 = arith.addi %mul3A_36, %add3A_37 : i32
    "tpu.region"() ({
      %run_scoped3A = tpu.sem_alloc : memref<!tpu.dma_semaphore, #tpu.memory_space<semaphore_mem>>
      %dma_start3A = arith.constant 0 : i32
      %dma_start3A_47 = tpu.memref_slice %arg9[%add3A_38, %dma_start3A] : memref<10240x128xf32, #tpu.memory_space<vmem_shared>> -> memref<128x128xf32, #tpu.memory_space<vmem_shared>>
      %dma_start3A_48 = arith.constant 0 : i32
      %dma_start3A_49 = tpu.memref_slice %arg9[%add3A_38, %dma_start3A_48] : memref<10240x128xf32, #tpu.memory_space<vmem_shared>> -> memref<128x128xf32, #tpu.memory_space<vmem_shared>>
      tpu.enqueue_dma source(%dma_start3A_49 : memref<128x128xf32, #tpu.memory_space<vmem_shared>>) target(%arg8 : memref<128x128xf32, #tpu.memory_space<vmem>>) target_semaphore(%run_scoped3A : memref<!tpu.dma_semaphore, #tpu.memory_space<semaphore_mem>>)
      %dma_wait3A = arith.constant 0 : i32
      %dma_wait3A_50 = tpu.memref_slice %arg9[%add3A_38, %dma_wait3A] : memref<10240x128xf32, #tpu.memory_space<vmem_shared>> -> memref<128x128xf32, #tpu.memory_space<vmem_shared>>
      %dma_wait3A_51 = arith.constant 0 : i32
      %dma_wait3A_52 = tpu.memref_slice %arg9[%add3A_38, %dma_wait3A_51] : memref<10240x128xf32, #tpu.memory_space<vmem_shared>> -> memref<128x128xf32, #tpu.memory_space<vmem_shared>>
      tpu.wait_dma2 semaphore(%run_scoped3A : memref<!tpu.dma_semaphore, #tpu.memory_space<semaphore_mem>>) src(%dma_wait3A_52 : memref<128x128xf32, #tpu.memory_space<vmem_shared>>) dst(%arg8 : memref<128x128xf32, #tpu.memory_space<vmem>>)
      tpu.yield
    }) : () -> ()
    "tpu.region"() ({
      %run_scoped3A = tpu.sem_alloc : memref<!tpu.dma_semaphore, #tpu.memory_space<semaphore_mem>>
      %dma_start3A = arith.constant 0 : i32
      %dma_start3A_47 = tpu.memref_slice %arg5[%arg0, %add3A_38, %dma_start3A] : memref<2x10240x128xf32, #tpu.memory_space<hbm>> -> memref<1x128x128xf32, #tpu.memory_space<hbm>>
      %dma_start3A_48 = tpu.memref_squeeze %dma_start3A_47 : memref<1x128x128xf32, #tpu.memory_space<hbm>> -> memref<128x128xf32, #tpu.memory_space<hbm>>
      %dma_start3A_49 = arith.constant 0 : i32
      %dma_start3A_50 = tpu.memref_slice %arg5[%arg0, %add3A_38, %dma_start3A_49] : memref<2x10240x128xf32, #tpu.memory_space<hbm>> -> memref<1x128x128xf32, #tpu.memory_space<hbm>>
      %dma_start3A_51 = tpu.memref_squeeze %dma_start3A_50 : memref<1x128x128xf32, #tpu.memory_space<hbm>> -> memref<128x128xf32, #tpu.memory_space<hbm>>
      tpu.enqueue_dma source(%arg8 : memref<128x128xf32, #tpu.memory_space<vmem>>) target(%dma_start3A_51 : memref<128x128xf32, #tpu.memory_space<hbm>>) target_semaphore(%run_scoped3A : memref<!tpu.dma_semaphore, #tpu.memory_space<semaphore_mem>>)
      %dma_wait3A = arith.constant 0 : i32
      %dma_wait3A_52 = tpu.memref_slice %arg5[%arg0, %add3A_38, %dma_wait3A] : memref<2x10240x128xf32, #tpu.memory_space<hbm>> -> memref<1x128x128xf32, #tpu.memory_space<hbm>>
      %dma_wait3A_53 = tpu.memref_squeeze %dma_wait3A_52 : memref<1x128x128xf32, #tpu.memory_space<hbm>> -> memref<128x128xf32, #tpu.memory_space<hbm>>
      %dma_wait3A_54 = arith.constant 0 : i32
      %dma_wait3A_55 = tpu.memref_slice %arg5[%arg0, %add3A_38, %dma_wait3A_54] : memref<2x10240x128xf32, #tpu.memory_space<hbm>> -> memref<1x128x128xf32, #tpu.memory_space<hbm>>
      %dma_wait3A_56 = tpu.memref_squeeze %dma_wait3A_55 : memref<1x128x128xf32, #tpu.memory_space<hbm>> -> memref<128x128xf32, #tpu.memory_space<hbm>>
      tpu.wait_dma2 semaphore(%run_scoped3A : memref<!tpu.dma_semaphore, #tpu.memory_space<semaphore_mem>>) src(%arg8 : memref<128x128xf32, #tpu.memory_space<vmem>>) dst(%dma_wait3A_56 : memref<128x128xf32, #tpu.memory_space<hbm>>)
      tpu.yield
    }) : () -> ()
    %mul3A_39 = arith.constant 640 : i32
    %mul3A_40 = arith.muli %arg1, %mul3A_39 : i32
    %add3A_41 = arith.constant 384 : i32
    %add3A_42 = arith.addi %mul3A_40, %add3A_41 : i32
    "tpu.region"() ({
      %run_scoped3A = tpu.sem_alloc : memref<!tpu.dma_semaphore, #tpu.memory_space<semaphore_mem>>
      %dma_start3A = arith.constant 0 : i32
      %dma_start3A_47 = tpu.memref_slice %arg9[%add3A_42, %dma_start3A] : memref<10240x128xf32, #tpu.memory_space<vmem_shared>> -> memref<128x128xf32, #tpu.memory_space<vmem_shared>>
      %dma_start3A_48 = arith.constant 0 : i32
      %dma_start3A_49 = tpu.memref_slice %arg9[%add3A_42, %dma_start3A_48] : memref<10240x128xf32, #tpu.memory_space<vmem_shared>> -> memref<128x128xf32, #tpu.memory_space<vmem_shared>>
      tpu.enqueue_dma source(%dma_start3A_49 : memref<128x128xf32, #tpu.memory_space<vmem_shared>>) target(%arg8 : memref<128x128xf32, #tpu.memory_space<vmem>>) target_semaphore(%run_scoped3A : memref<!tpu.dma_semaphore, #tpu.memory_space<semaphore_mem>>)
      %dma_wait3A = arith.constant 0 : i32
      %dma_wait3A_50 = tpu.memref_slice %arg9[%add3A_42, %dma_wait3A] : memref<10240x128xf32, #tpu.memory_space<vmem_shared>> -> memref<128x128xf32, #tpu.memory_space<vmem_shared>>
      %dma_wait3A_51 = arith.constant 0 : i32
      %dma_wait3A_52 = tpu.memref_slice %arg9[%add3A_42, %dma_wait3A_51] : memref<10240x128xf32, #tpu.memory_space<vmem_shared>> -> memref<128x128xf32, #tpu.memory_space<vmem_shared>>
      tpu.wait_dma2 semaphore(%run_scoped3A : memref<!tpu.dma_semaphore, #tpu.memory_space<semaphore_mem>>) src(%dma_wait3A_52 : memref<128x128xf32, #tpu.memory_space<vmem_shared>>) dst(%arg8 : memref<128x128xf32, #tpu.memory_space<vmem>>)
      tpu.yield
    }) : () -> ()
    "tpu.region"() ({
      %run_scoped3A = tpu.sem_alloc : memref<!tpu.dma_semaphore, #tpu.memory_space<semaphore_mem>>
      %dma_start3A = arith.constant 0 : i32
      %dma_start3A_47 = tpu.memref_slice %arg5[%arg0, %add3A_42, %dma_start3A] : memref<2x10240x128xf32, #tpu.memory_space<hbm>> -> memref<1x128x128xf32, #tpu.memory_space<hbm>>
      %dma_start3A_48 = tpu.memref_squeeze %dma_start3A_47 : memref<1x128x128xf32, #tpu.memory_space<hbm>> -> memref<128x128xf32, #tpu.memory_space<hbm>>
      %dma_start3A_49 = arith.constant 0 : i32
      %dma_start3A_50 = tpu.memref_slice %arg5[%arg0, %add3A_42, %dma_start3A_49] : memref<2x10240x128xf32, #tpu.memory_space<hbm>> -> memref<1x128x128xf32, #tpu.memory_space<hbm>>
      %dma_start3A_51 = tpu.memref_squeeze %dma_start3A_50 : memref<1x128x128xf32, #tpu.memory_space<hbm>> -> memref<128x128xf32, #tpu.memory_space<hbm>>
      tpu.enqueue_dma source(%arg8 : memref<128x128xf32, #tpu.memory_space<vmem>>) target(%dma_start3A_51 : memref<128x128xf32, #tpu.memory_space<hbm>>) target_semaphore(%run_scoped3A : memref<!tpu.dma_semaphore, #tpu.memory_space<semaphore_mem>>)
      %dma_wait3A = arith.constant 0 : i32
      %dma_wait3A_52 = tpu.memref_slice %arg5[%arg0, %add3A_42, %dma_wait3A] : memref<2x10240x128xf32, #tpu.memory_space<hbm>> -> memref<1x128x128xf32, #tpu.memory_space<hbm>>
      %dma_wait3A_53 = tpu.memref_squeeze %dma_wait3A_52 : memref<1x128x128xf32, #tpu.memory_space<hbm>> -> memref<128x128xf32, #tpu.memory_space<hbm>>
      %dma_wait3A_54 = arith.constant 0 : i32
      %dma_wait3A_55 = tpu.memref_slice %arg5[%arg0, %add3A_42, %dma_wait3A_54] : memref<2x10240x128xf32, #tpu.memory_space<hbm>> -> memref<1x128x128xf32, #tpu.memory_space<hbm>>
      %dma_wait3A_56 = tpu.memref_squeeze %dma_wait3A_55 : memref<1x128x128xf32, #tpu.memory_space<hbm>> -> memref<128x128xf32, #tpu.memory_space<hbm>>
      tpu.wait_dma2 semaphore(%run_scoped3A : memref<!tpu.dma_semaphore, #tpu.memory_space<semaphore_mem>>) src(%arg8 : memref<128x128xf32, #tpu.memory_space<vmem>>) dst(%dma_wait3A_56 : memref<128x128xf32, #tpu.memory_space<hbm>>)
      tpu.yield
    }) : () -> ()
    %mul3A_43 = arith.constant 640 : i32
    %mul3A_44 = arith.muli %arg1, %mul3A_43 : i32
    %add3A_45 = arith.constant 512 : i32
    %add3A_46 = arith.addi %mul3A_44, %add3A_45 : i32
    "tpu.region"() ({
      %run_scoped3A = tpu.sem_alloc : memref<!tpu.dma_semaphore, #tpu.memory_space<semaphore_mem>>
      %dma_start3A = arith.constant 0 : i32
      %dma_start3A_47 = tpu.memref_slice %arg9[%add3A_46, %dma_start3A] : memref<10240x128xf32, #tpu.memory_space<vmem_shared>> -> memref<128x128xf32, #tpu.memory_space<vmem_shared>>
      %dma_start3A_48 = arith.constant 0 : i32
      %dma_start3A_49 = tpu.memref_slice %arg9[%add3A_46, %dma_start3A_48] : memref<10240x128xf32, #tpu.memory_space<vmem_shared>> -> memref<128x128xf32, #tpu.memory_space<vmem_shared>>
      tpu.enqueue_dma source(%dma_start3A_49 : memref<128x128xf32, #tpu.memory_space<vmem_shared>>) target(%arg8 : memref<128x128xf32, #tpu.memory_space<vmem>>) target_semaphore(%run_scoped3A : memref<!tpu.dma_semaphore, #tpu.memory_space<semaphore_mem>>)
      %dma_wait3A = arith.constant 0 : i32
      %dma_wait3A_50 = tpu.memref_slice %arg9[%add3A_46, %dma_wait3A] : memref<10240x128xf32, #tpu.memory_space<vmem_shared>> -> memref<128x128xf32, #tpu.memory_space<vmem_shared>>
      %dma_wait3A_51 = arith.constant 0 : i32
      %dma_wait3A_52 = tpu.memref_slice %arg9[%add3A_46, %dma_wait3A_51] : memref<10240x128xf32, #tpu.memory_space<vmem_shared>> -> memref<128x128xf32, #tpu.memory_space<vmem_shared>>
      tpu.wait_dma2 semaphore(%run_scoped3A : memref<!tpu.dma_semaphore, #tpu.memory_space<semaphore_mem>>) src(%dma_wait3A_52 : memref<128x128xf32, #tpu.memory_space<vmem_shared>>) dst(%arg8 : memref<128x128xf32, #tpu.memory_space<vmem>>)
      tpu.yield
    }) : () -> ()
    "tpu.region"() ({
      %run_scoped3A = tpu.sem_alloc : memref<!tpu.dma_semaphore, #tpu.memory_space<semaphore_mem>>
      %dma_start3A = arith.constant 0 : i32
      %dma_start3A_47 = tpu.memref_slice %arg5[%arg0, %add3A_46, %dma_start3A] : memref<2x10240x128xf32, #tpu.memory_space<hbm>> -> memref<1x128x128xf32, #tpu.memory_space<hbm>>
      %dma_start3A_48 = tpu.memref_squeeze %dma_start3A_47 : memref<1x128x128xf32, #tpu.memory_space<hbm>> -> memref<128x128xf32, #tpu.memory_space<hbm>>
      %dma_start3A_49 = arith.constant 0 : i32
      %dma_start3A_50 = tpu.memref_slice %arg5[%arg0, %add3A_46, %dma_start3A_49] : memref<2x10240x128xf32, #tpu.memory_space<hbm>> -> memref<1x128x128xf32, #tpu.memory_space<hbm>>
      %dma_start3A_51 = tpu.memref_squeeze %dma_start3A_50 : memref<1x128x128xf32, #tpu.memory_space<hbm>> -> memref<128x128xf32, #tpu.memory_space<hbm>>
      tpu.enqueue_dma source(%arg8 : memref<128x128xf32, #tpu.memory_space<vmem>>) target(%dma_start3A_51 : memref<128x128xf32, #tpu.memory_space<hbm>>) target_semaphore(%run_scoped3A : memref<!tpu.dma_semaphore, #tpu.memory_space<semaphore_mem>>)
      %dma_wait3A = arith.constant 0 : i32
      %dma_wait3A_52 = tpu.memref_slice %arg5[%arg0, %add3A_46, %dma_wait3A] : memref<2x10240x128xf32, #tpu.memory_space<hbm>> -> memref<1x128x128xf32, #tpu.memory_space<hbm>>
      %dma_wait3A_53 = tpu.memref_squeeze %dma_wait3A_52 : memref<1x128x128xf32, #tpu.memory_space<hbm>> -> memref<128x128xf32, #tpu.memory_space<hbm>>
      %dma_wait3A_54 = arith.constant 0 : i32
      %dma_wait3A_55 = tpu.memref_slice %arg5[%arg0, %add3A_46, %dma_wait3A_54] : memref<2x10240x128xf32, #tpu.memory_space<hbm>> -> memref<1x128x128xf32, #tpu.memory_space<hbm>>
      %dma_wait3A_56 = tpu.memref_squeeze %dma_wait3A_55 : memref<1x128x128xf32, #tpu.memory_space<hbm>> -> memref<128x128xf32, #tpu.memory_space<hbm>>
      tpu.wait_dma2 semaphore(%run_scoped3A : memref<!tpu.dma_semaphore, #tpu.memory_space<semaphore_mem>>) src(%arg8 : memref<128x128xf32, #tpu.memory_space<vmem>>) dst(%dma_wait3A_56 : memref<128x128xf32, #tpu.memory_space<hbm>>)
      tpu.yield
    }) : () -> ()
    return
  }
}

#map = affine_map<(d0, d1) -> (0, 0)>
#map1 = affine_map<(d0, d1) -> (0)>
#map2 = affine_map<(d0, d1) -> (0, 0, 0)>
module attributes {stable_mosaic.version = 14 : i64} {
  func.func @_sc_scatter_body(%arg0: i32, %arg1: i32, %arg2: memref<10240x128xf32, #tpu.memory_space<hbm>>, %arg3: memref<323584xi32, #tpu.memory_space<hbm>>, %arg4: memref<323584xi32, #tpu.memory_space<hbm>>, %arg5: memref<128x128xf32, #tpu.memory_space<hbm>>, %arg6: memref<2x10240x128xf32, #tpu.memory_space<hbm>>, %arg7: memref<128xi32, #tpu.memory_space<vmem>>, %arg8: memref<128xi32, #tpu.memory_space<vmem>>, %arg9: memref<128x128xf32, #tpu.memory_space<vmem>>, %arg10: memref<10240x128xf32, #tpu.memory_space<vmem_shared>>, %arg11: memref<!tpu.dma_semaphore, #tpu.memory_space<semaphore_mem>>) attributes {dimension_semantics = [#tpu.dimension_semantics<core_parallel>, #tpu.dimension_semantics<subcore_parallel>], iteration_bounds = array<i64: 2, 16>, scalar_prefetch = 0 : i64, scratch_operands = 5 : i64, tpu.core_type = #tpu.core_type<sc_vector_subcore>, window_params = [{transform_indices = #map}, {transform_indices = #map1}, {transform_indices = #map1}, {transform_indices = #map}, {transform_indices = #map2}]} {
    %mul3A = arith.constant 2 : i32
    %mul3A_0 = arith.muli %arg1, %mul3A : i32
    %add3A = arith.addi %mul3A_0, %arg0 : i32
    "tpu.region"() ({
      %run_scoped3A = tpu.sem_alloc : memref<!tpu.dma_semaphore, #tpu.memory_space<semaphore_mem>>
      tpu.enqueue_dma source(%arg5 : memref<128x128xf32, #tpu.memory_space<hbm>>) target(%arg9 : memref<128x128xf32, #tpu.memory_space<vmem>>) target_semaphore(%run_scoped3A : memref<!tpu.dma_semaphore, #tpu.memory_space<semaphore_mem>>)
      tpu.wait_dma2 semaphore(%run_scoped3A : memref<!tpu.dma_semaphore, #tpu.memory_space<semaphore_mem>>) src(%arg5 : memref<128x128xf32, #tpu.memory_space<hbm>>) dst(%arg9 : memref<128x128xf32, #tpu.memory_space<vmem>>)
      tpu.yield
    }) : () -> ()
    %mul3A_1 = arith.constant 640 : i32
    %mul3A_2 = arith.muli %arg1, %mul3A_1 : i32
    %add3A_3 = arith.constant 0 : i32
    %add3A_4 = arith.addi %mul3A_2, %add3A_3 : i32
    "tpu.region"() ({
      %run_scoped3A = tpu.sem_alloc : memref<!tpu.dma_semaphore, #tpu.memory_space<semaphore_mem>>
      %dma_start3A = arith.constant 0 : i32
      %dma_start3A_49 = tpu.memref_slice %arg10[%add3A_4, %dma_start3A] : memref<10240x128xf32, #tpu.memory_space<vmem_shared>> -> memref<128x128xf32, #tpu.memory_space<vmem_shared>>
      %dma_start3A_50 = arith.constant 0 : i32
      %dma_start3A_51 = tpu.memref_slice %arg10[%add3A_4, %dma_start3A_50] : memref<10240x128xf32, #tpu.memory_space<vmem_shared>> -> memref<128x128xf32, #tpu.memory_space<vmem_shared>>
      tpu.enqueue_dma source(%arg9 : memref<128x128xf32, #tpu.memory_space<vmem>>) target(%dma_start3A_51 : memref<128x128xf32, #tpu.memory_space<vmem_shared>>) target_semaphore(%run_scoped3A : memref<!tpu.dma_semaphore, #tpu.memory_space<semaphore_mem>>)
      %dma_wait3A = arith.constant 0 : i32
      %dma_wait3A_52 = tpu.memref_slice %arg10[%add3A_4, %dma_wait3A] : memref<10240x128xf32, #tpu.memory_space<vmem_shared>> -> memref<128x128xf32, #tpu.memory_space<vmem_shared>>
      %dma_wait3A_53 = arith.constant 0 : i32
      %dma_wait3A_54 = tpu.memref_slice %arg10[%add3A_4, %dma_wait3A_53] : memref<10240x128xf32, #tpu.memory_space<vmem_shared>> -> memref<128x128xf32, #tpu.memory_space<vmem_shared>>
      tpu.wait_dma2 semaphore(%run_scoped3A : memref<!tpu.dma_semaphore, #tpu.memory_space<semaphore_mem>>) src(%arg9 : memref<128x128xf32, #tpu.memory_space<vmem>>) dst(%dma_wait3A_54 : memref<128x128xf32, #tpu.memory_space<vmem_shared>>)
      tpu.yield
    }) : () -> ()
    %mul3A_5 = arith.constant 640 : i32
    %mul3A_6 = arith.muli %arg1, %mul3A_5 : i32
    %add3A_7 = arith.constant 128 : i32
    %add3A_8 = arith.addi %mul3A_6, %add3A_7 : i32
    "tpu.region"() ({
      %run_scoped3A = tpu.sem_alloc : memref<!tpu.dma_semaphore, #tpu.memory_space<semaphore_mem>>
      %dma_start3A = arith.constant 0 : i32
      %dma_start3A_49 = tpu.memref_slice %arg10[%add3A_8, %dma_start3A] : memref<10240x128xf32, #tpu.memory_space<vmem_shared>> -> memref<128x128xf32, #tpu.memory_space<vmem_shared>>
      %dma_start3A_50 = arith.constant 0 : i32
      %dma_start3A_51 = tpu.memref_slice %arg10[%add3A_8, %dma_start3A_50] : memref<10240x128xf32, #tpu.memory_space<vmem_shared>> -> memref<128x128xf32, #tpu.memory_space<vmem_shared>>
      tpu.enqueue_dma source(%arg9 : memref<128x128xf32, #tpu.memory_space<vmem>>) target(%dma_start3A_51 : memref<128x128xf32, #tpu.memory_space<vmem_shared>>) target_semaphore(%run_scoped3A : memref<!tpu.dma_semaphore, #tpu.memory_space<semaphore_mem>>)
      %dma_wait3A = arith.constant 0 : i32
      %dma_wait3A_52 = tpu.memref_slice %arg10[%add3A_8, %dma_wait3A] : memref<10240x128xf32, #tpu.memory_space<vmem_shared>> -> memref<128x128xf32, #tpu.memory_space<vmem_shared>>
      %dma_wait3A_53 = arith.constant 0 : i32
      %dma_wait3A_54 = tpu.memref_slice %arg10[%add3A_8, %dma_wait3A_53] : memref<10240x128xf32, #tpu.memory_space<vmem_shared>> -> memref<128x128xf32, #tpu.memory_space<vmem_shared>>
      tpu.wait_dma2 semaphore(%run_scoped3A : memref<!tpu.dma_semaphore, #tpu.memory_space<semaphore_mem>>) src(%arg9 : memref<128x128xf32, #tpu.memory_space<vmem>>) dst(%dma_wait3A_54 : memref<128x128xf32, #tpu.memory_space<vmem_shared>>)
      tpu.yield
    }) : () -> ()
    %mul3A_9 = arith.constant 640 : i32
    %mul3A_10 = arith.muli %arg1, %mul3A_9 : i32
    %add3A_11 = arith.constant 256 : i32
    %add3A_12 = arith.addi %mul3A_10, %add3A_11 : i32
    "tpu.region"() ({
      %run_scoped3A = tpu.sem_alloc : memref<!tpu.dma_semaphore, #tpu.memory_space<semaphore_mem>>
      %dma_start3A = arith.constant 0 : i32
      %dma_start3A_49 = tpu.memref_slice %arg10[%add3A_12, %dma_start3A] : memref<10240x128xf32, #tpu.memory_space<vmem_shared>> -> memref<128x128xf32, #tpu.memory_space<vmem_shared>>
      %dma_start3A_50 = arith.constant 0 : i32
      %dma_start3A_51 = tpu.memref_slice %arg10[%add3A_12, %dma_start3A_50] : memref<10240x128xf32, #tpu.memory_space<vmem_shared>> -> memref<128x128xf32, #tpu.memory_space<vmem_shared>>
      tpu.enqueue_dma source(%arg9 : memref<128x128xf32, #tpu.memory_space<vmem>>) target(%dma_start3A_51 : memref<128x128xf32, #tpu.memory_space<vmem_shared>>) target_semaphore(%run_scoped3A : memref<!tpu.dma_semaphore, #tpu.memory_space<semaphore_mem>>)
      %dma_wait3A = arith.constant 0 : i32
      %dma_wait3A_52 = tpu.memref_slice %arg10[%add3A_12, %dma_wait3A] : memref<10240x128xf32, #tpu.memory_space<vmem_shared>> -> memref<128x128xf32, #tpu.memory_space<vmem_shared>>
      %dma_wait3A_53 = arith.constant 0 : i32
      %dma_wait3A_54 = tpu.memref_slice %arg10[%add3A_12, %dma_wait3A_53] : memref<10240x128xf32, #tpu.memory_space<vmem_shared>> -> memref<128x128xf32, #tpu.memory_space<vmem_shared>>
      tpu.wait_dma2 semaphore(%run_scoped3A : memref<!tpu.dma_semaphore, #tpu.memory_space<semaphore_mem>>) src(%arg9 : memref<128x128xf32, #tpu.memory_space<vmem>>) dst(%dma_wait3A_54 : memref<128x128xf32, #tpu.memory_space<vmem_shared>>)
      tpu.yield
    }) : () -> ()
    %mul3A_13 = arith.constant 640 : i32
    %mul3A_14 = arith.muli %arg1, %mul3A_13 : i32
    %add3A_15 = arith.constant 384 : i32
    %add3A_16 = arith.addi %mul3A_14, %add3A_15 : i32
    "tpu.region"() ({
      %run_scoped3A = tpu.sem_alloc : memref<!tpu.dma_semaphore, #tpu.memory_space<semaphore_mem>>
      %dma_start3A = arith.constant 0 : i32
      %dma_start3A_49 = tpu.memref_slice %arg10[%add3A_16, %dma_start3A] : memref<10240x128xf32, #tpu.memory_space<vmem_shared>> -> memref<128x128xf32, #tpu.memory_space<vmem_shared>>
      %dma_start3A_50 = arith.constant 0 : i32
      %dma_start3A_51 = tpu.memref_slice %arg10[%add3A_16, %dma_start3A_50] : memref<10240x128xf32, #tpu.memory_space<vmem_shared>> -> memref<128x128xf32, #tpu.memory_space<vmem_shared>>
      tpu.enqueue_dma source(%arg9 : memref<128x128xf32, #tpu.memory_space<vmem>>) target(%dma_start3A_51 : memref<128x128xf32, #tpu.memory_space<vmem_shared>>) target_semaphore(%run_scoped3A : memref<!tpu.dma_semaphore, #tpu.memory_space<semaphore_mem>>)
      %dma_wait3A = arith.constant 0 : i32
      %dma_wait3A_52 = tpu.memref_slice %arg10[%add3A_16, %dma_wait3A] : memref<10240x128xf32, #tpu.memory_space<vmem_shared>> -> memref<128x128xf32, #tpu.memory_space<vmem_shared>>
      %dma_wait3A_53 = arith.constant 0 : i32
      %dma_wait3A_54 = tpu.memref_slice %arg10[%add3A_16, %dma_wait3A_53] : memref<10240x128xf32, #tpu.memory_space<vmem_shared>> -> memref<128x128xf32, #tpu.memory_space<vmem_shared>>
      tpu.wait_dma2 semaphore(%run_scoped3A : memref<!tpu.dma_semaphore, #tpu.memory_space<semaphore_mem>>) src(%arg9 : memref<128x128xf32, #tpu.memory_space<vmem>>) dst(%dma_wait3A_54 : memref<128x128xf32, #tpu.memory_space<vmem_shared>>)
      tpu.yield
    }) : () -> ()
    %mul3A_17 = arith.constant 640 : i32
    %mul3A_18 = arith.muli %arg1, %mul3A_17 : i32
    %add3A_19 = arith.constant 512 : i32
    %add3A_20 = arith.addi %mul3A_18, %add3A_19 : i32
    "tpu.region"() ({
      %run_scoped3A = tpu.sem_alloc : memref<!tpu.dma_semaphore, #tpu.memory_space<semaphore_mem>>
      %dma_start3A = arith.constant 0 : i32
      %dma_start3A_49 = tpu.memref_slice %arg10[%add3A_20, %dma_start3A] : memref<10240x128xf32, #tpu.memory_space<vmem_shared>> -> memref<128x128xf32, #tpu.memory_space<vmem_shared>>
      %dma_start3A_50 = arith.constant 0 : i32
      %dma_start3A_51 = tpu.memref_slice %arg10[%add3A_20, %dma_start3A_50] : memref<10240x128xf32, #tpu.memory_space<vmem_shared>> -> memref<128x128xf32, #tpu.memory_space<vmem_shared>>
      tpu.enqueue_dma source(%arg9 : memref<128x128xf32, #tpu.memory_space<vmem>>) target(%dma_start3A_51 : memref<128x128xf32, #tpu.memory_space<vmem_shared>>) target_semaphore(%run_scoped3A : memref<!tpu.dma_semaphore, #tpu.memory_space<semaphore_mem>>)
      %dma_wait3A = arith.constant 0 : i32
      %dma_wait3A_52 = tpu.memref_slice %arg10[%add3A_20, %dma_wait3A] : memref<10240x128xf32, #tpu.memory_space<vmem_shared>> -> memref<128x128xf32, #tpu.memory_space<vmem_shared>>
      %dma_wait3A_53 = arith.constant 0 : i32
      %dma_wait3A_54 = tpu.memref_slice %arg10[%add3A_20, %dma_wait3A_53] : memref<10240x128xf32, #tpu.memory_space<vmem_shared>> -> memref<128x128xf32, #tpu.memory_space<vmem_shared>>
      tpu.wait_dma2 semaphore(%run_scoped3A : memref<!tpu.dma_semaphore, #tpu.memory_space<semaphore_mem>>) src(%arg9 : memref<128x128xf32, #tpu.memory_space<vmem>>) dst(%dma_wait3A_54 : memref<128x128xf32, #tpu.memory_space<vmem_shared>>)
      tpu.yield
    }) : () -> ()
    %barrier3A = arith.constant 0 : index
    tpu.barrier barrier_id(%barrier3A)
    %mul3A_21 = arith.constant 10112 : i32
    %mul3A_22 = arith.muli %add3A, %mul3A_21 : i32
    %scan3A = arith.constant 0 : i32
    %scan3A_23 = arith.constant 0 : i32
    %scan3A_24 = arith.constant 79 : i32
    %scan3A_25 = arith.addi %scan3A_23, %scan3A_24 : i32
    %scan3A_26 = arith.constant 1 : i32
    scf.for %scan3A_49 = %scan3A_23 to %scan3A_25 step %scan3A_26  : i32 {
      %mul3A_50 = arith.constant 128 : i32
      %mul3A_51 = arith.muli %scan3A_49, %mul3A_50 : i32
      %add3A_52 = arith.addi %mul3A_22, %mul3A_51 : i32
      "tpu.region"() ({
        %run_scoped3A = tpu.sem_alloc : memref<!tpu.dma_semaphore, #tpu.memory_space<semaphore_mem>>
        %dma_start3A_57 = tpu.memref_slice %arg3[%add3A_52] : memref<323584xi32, #tpu.memory_space<hbm>> -> memref<128xi32, #tpu.memory_space<hbm>>
        %dma_start3A_58 = tpu.memref_slice %arg3[%add3A_52] : memref<323584xi32, #tpu.memory_space<hbm>> -> memref<128xi32, #tpu.memory_space<hbm>>
        tpu.enqueue_dma source(%dma_start3A_58 : memref<128xi32, #tpu.memory_space<hbm>>) target(%arg7 : memref<128xi32, #tpu.memory_space<vmem>>) target_semaphore(%run_scoped3A : memref<!tpu.dma_semaphore, #tpu.memory_space<semaphore_mem>>)
        %dma_wait3A_59 = tpu.memref_slice %arg3[%add3A_52] : memref<323584xi32, #tpu.memory_space<hbm>> -> memref<128xi32, #tpu.memory_space<hbm>>
        %dma_wait3A_60 = tpu.memref_slice %arg3[%add3A_52] : memref<323584xi32, #tpu.memory_space<hbm>> -> memref<128xi32, #tpu.memory_space<hbm>>
        tpu.wait_dma2 semaphore(%run_scoped3A : memref<!tpu.dma_semaphore, #tpu.memory_space<semaphore_mem>>) src(%dma_wait3A_60 : memref<128xi32, #tpu.memory_space<hbm>>) dst(%arg7 : memref<128xi32, #tpu.memory_space<vmem>>)
        tpu.yield
      }) : () -> ()
      %dma_start3A = arith.constant 0 : i32
      %dma_start3A_53 = arith.constant 0 : i32
      %dma_start3A_54 = tpu.memref_slice %arg2[%dma_start3A, %dma_start3A_53] : memref<10240x128xf32, #tpu.memory_space<hbm>> -> memref<10240x128xf32, #tpu.memory_space<hbm>>
      tpu.enqueue_indirect_dma source(%dma_start3A_54 : memref<10240x128xf32, #tpu.memory_space<hbm>>) target(%arg9 : memref<128x128xf32, #tpu.memory_space<vmem>>) offsets(%arg7 : memref<128xi32, #tpu.memory_space<vmem>>) semaphore(%arg11 : memref<!tpu.dma_semaphore, #tpu.memory_space<semaphore_mem>>)
      %dma_wait3A = arith.constant 0 : i32
      %dma_wait3A_55 = arith.constant 0 : i32
      %dma_wait3A_56 = tpu.memref_slice %arg2[%dma_wait3A, %dma_wait3A_55] : memref<10240x128xf32, #tpu.memory_space<hbm>> -> memref<10240x128xf32, #tpu.memory_space<hbm>>
      tpu.wait_indirect_dma semaphore(%arg11 : memref<!tpu.dma_semaphore, #tpu.memory_space<semaphore_mem>>) src(%dma_wait3A_56 : memref<10240x128xf32, #tpu.memory_space<hbm>>) dst(%arg9 : memref<128x128xf32, #tpu.memory_space<vmem>>)
      "tpu.region"() ({
        %run_scoped3A = tpu.sem_alloc : memref<!tpu.dma_semaphore, #tpu.memory_space<semaphore_mem>>
        %dma_start3A_57 = tpu.memref_slice %arg4[%add3A_52] : memref<323584xi32, #tpu.memory_space<hbm>> -> memref<128xi32, #tpu.memory_space<hbm>>
        %dma_start3A_58 = tpu.memref_slice %arg4[%add3A_52] : memref<323584xi32, #tpu.memory_space<hbm>> -> memref<128xi32, #tpu.memory_space<hbm>>
        tpu.enqueue_dma source(%dma_start3A_58 : memref<128xi32, #tpu.memory_space<hbm>>) target(%arg8 : memref<128xi32, #tpu.memory_space<vmem>>) target_semaphore(%run_scoped3A : memref<!tpu.dma_semaphore, #tpu.memory_space<semaphore_mem>>)
        %dma_wait3A_59 = tpu.memref_slice %arg4[%add3A_52] : memref<323584xi32, #tpu.memory_space<hbm>> -> memref<128xi32, #tpu.memory_space<hbm>>
        %dma_wait3A_60 = tpu.memref_slice %arg4[%add3A_52] : memref<323584xi32, #tpu.memory_space<hbm>> -> memref<128xi32, #tpu.memory_space<hbm>>
        tpu.wait_dma2 semaphore(%run_scoped3A : memref<!tpu.dma_semaphore, #tpu.memory_space<semaphore_mem>>) src(%dma_wait3A_60 : memref<128xi32, #tpu.memory_space<hbm>>) dst(%arg8 : memref<128xi32, #tpu.memory_space<vmem>>)
        tpu.yield
      }) : () -> ()
      "tpu.region"() ({
        %run_scoped3A = tpu.sem_alloc : memref<!tpu.dma_semaphore, #tpu.memory_space<semaphore_mem>>
        %dma_start3A_57 = arith.constant 0 : i32
        %dma_start3A_58 = arith.constant 0 : i32
        %dma_start3A_59 = tpu.memref_slice %arg10[%dma_start3A_57, %dma_start3A_58] : memref<10240x128xf32, #tpu.memory_space<vmem_shared>> -> memref<10240x128xf32, #tpu.memory_space<vmem_shared>>
        tpu.enqueue_indirect_dma source(%arg9 : memref<128x128xf32, #tpu.memory_space<vmem>>) target(%dma_start3A_59 : memref<10240x128xf32, #tpu.memory_space<vmem_shared>>) offsets(%arg8 : memref<128xi32, #tpu.memory_space<vmem>>) semaphore(%run_scoped3A : memref<!tpu.dma_semaphore, #tpu.memory_space<semaphore_mem>>) {add = true}
        %dma_wait3A_60 = arith.constant 0 : i32
        %dma_wait3A_61 = arith.constant 0 : i32
        %dma_wait3A_62 = tpu.memref_slice %arg10[%dma_wait3A_60, %dma_wait3A_61] : memref<10240x128xf32, #tpu.memory_space<vmem_shared>> -> memref<10240x128xf32, #tpu.memory_space<vmem_shared>>
        tpu.wait_indirect_dma semaphore(%run_scoped3A : memref<!tpu.dma_semaphore, #tpu.memory_space<semaphore_mem>>) src(%arg9 : memref<128x128xf32, #tpu.memory_space<vmem>>) dst(%dma_wait3A_62 : memref<10240x128xf32, #tpu.memory_space<vmem_shared>>)
        tpu.yield
      }) : () -> ()
    }
    %scan3A_27 = arith.constant 79 : i32
    %barrier3A_28 = arith.constant 0 : index
    tpu.barrier barrier_id(%barrier3A_28)
    %mul3A_29 = arith.constant 640 : i32
    %mul3A_30 = arith.muli %arg1, %mul3A_29 : i32
    %add3A_31 = arith.constant 0 : i32
    %add3A_32 = arith.addi %mul3A_30, %add3A_31 : i32
    "tpu.region"() ({
      %run_scoped3A = tpu.sem_alloc : memref<!tpu.dma_semaphore, #tpu.memory_space<semaphore_mem>>
      %dma_start3A = arith.constant 0 : i32
      %dma_start3A_49 = tpu.memref_slice %arg10[%add3A_32, %dma_start3A] : memref<10240x128xf32, #tpu.memory_space<vmem_shared>> -> memref<128x128xf32, #tpu.memory_space<vmem_shared>>
      %dma_start3A_50 = arith.constant 0 : i32
      %dma_start3A_51 = tpu.memref_slice %arg10[%add3A_32, %dma_start3A_50] : memref<10240x128xf32, #tpu.memory_space<vmem_shared>> -> memref<128x128xf32, #tpu.memory_space<vmem_shared>>
      tpu.enqueue_dma source(%dma_start3A_51 : memref<128x128xf32, #tpu.memory_space<vmem_shared>>) target(%arg9 : memref<128x128xf32, #tpu.memory_space<vmem>>) target_semaphore(%run_scoped3A : memref<!tpu.dma_semaphore, #tpu.memory_space<semaphore_mem>>)
      %dma_wait3A = arith.constant 0 : i32
      %dma_wait3A_52 = tpu.memref_slice %arg10[%add3A_32, %dma_wait3A] : memref<10240x128xf32, #tpu.memory_space<vmem_shared>> -> memref<128x128xf32, #tpu.memory_space<vmem_shared>>
      %dma_wait3A_53 = arith.constant 0 : i32
      %dma_wait3A_54 = tpu.memref_slice %arg10[%add3A_32, %dma_wait3A_53] : memref<10240x128xf32, #tpu.memory_space<vmem_shared>> -> memref<128x128xf32, #tpu.memory_space<vmem_shared>>
      tpu.wait_dma2 semaphore(%run_scoped3A : memref<!tpu.dma_semaphore, #tpu.memory_space<semaphore_mem>>) src(%dma_wait3A_54 : memref<128x128xf32, #tpu.memory_space<vmem_shared>>) dst(%arg9 : memref<128x128xf32, #tpu.memory_space<vmem>>)
      tpu.yield
    }) : () -> ()
    "tpu.region"() ({
      %run_scoped3A = tpu.sem_alloc : memref<!tpu.dma_semaphore, #tpu.memory_space<semaphore_mem>>
      %dma_start3A = arith.constant 0 : i32
      %dma_start3A_49 = tpu.memref_slice %arg6[%arg0, %add3A_32, %dma_start3A] : memref<2x10240x128xf32, #tpu.memory_space<hbm>> -> memref<1x128x128xf32, #tpu.memory_space<hbm>>
      %dma_start3A_50 = tpu.memref_squeeze %dma_start3A_49 : memref<1x128x128xf32, #tpu.memory_space<hbm>> -> memref<128x128xf32, #tpu.memory_space<hbm>>
      %dma_start3A_51 = arith.constant 0 : i32
      %dma_start3A_52 = tpu.memref_slice %arg6[%arg0, %add3A_32, %dma_start3A_51] : memref<2x10240x128xf32, #tpu.memory_space<hbm>> -> memref<1x128x128xf32, #tpu.memory_space<hbm>>
      %dma_start3A_53 = tpu.memref_squeeze %dma_start3A_52 : memref<1x128x128xf32, #tpu.memory_space<hbm>> -> memref<128x128xf32, #tpu.memory_space<hbm>>
      tpu.enqueue_dma source(%arg9 : memref<128x128xf32, #tpu.memory_space<vmem>>) target(%dma_start3A_53 : memref<128x128xf32, #tpu.memory_space<hbm>>) target_semaphore(%run_scoped3A : memref<!tpu.dma_semaphore, #tpu.memory_space<semaphore_mem>>)
      %dma_wait3A = arith.constant 0 : i32
      %dma_wait3A_54 = tpu.memref_slice %arg6[%arg0, %add3A_32, %dma_wait3A] : memref<2x10240x128xf32, #tpu.memory_space<hbm>> -> memref<1x128x128xf32, #tpu.memory_space<hbm>>
      %dma_wait3A_55 = tpu.memref_squeeze %dma_wait3A_54 : memref<1x128x128xf32, #tpu.memory_space<hbm>> -> memref<128x128xf32, #tpu.memory_space<hbm>>
      %dma_wait3A_56 = arith.constant 0 : i32
      %dma_wait3A_57 = tpu.memref_slice %arg6[%arg0, %add3A_32, %dma_wait3A_56] : memref<2x10240x128xf32, #tpu.memory_space<hbm>> -> memref<1x128x128xf32, #tpu.memory_space<hbm>>
      %dma_wait3A_58 = tpu.memref_squeeze %dma_wait3A_57 : memref<1x128x128xf32, #tpu.memory_space<hbm>> -> memref<128x128xf32, #tpu.memory_space<hbm>>
      tpu.wait_dma2 semaphore(%run_scoped3A : memref<!tpu.dma_semaphore, #tpu.memory_space<semaphore_mem>>) src(%arg9 : memref<128x128xf32, #tpu.memory_space<vmem>>) dst(%dma_wait3A_58 : memref<128x128xf32, #tpu.memory_space<hbm>>)
      tpu.yield
    }) : () -> ()
    %mul3A_33 = arith.constant 640 : i32
    %mul3A_34 = arith.muli %arg1, %mul3A_33 : i32
    %add3A_35 = arith.constant 128 : i32
    %add3A_36 = arith.addi %mul3A_34, %add3A_35 : i32
    "tpu.region"() ({
      %run_scoped3A = tpu.sem_alloc : memref<!tpu.dma_semaphore, #tpu.memory_space<semaphore_mem>>
      %dma_start3A = arith.constant 0 : i32
      %dma_start3A_49 = tpu.memref_slice %arg10[%add3A_36, %dma_start3A] : memref<10240x128xf32, #tpu.memory_space<vmem_shared>> -> memref<128x128xf32, #tpu.memory_space<vmem_shared>>
      %dma_start3A_50 = arith.constant 0 : i32
      %dma_start3A_51 = tpu.memref_slice %arg10[%add3A_36, %dma_start3A_50] : memref<10240x128xf32, #tpu.memory_space<vmem_shared>> -> memref<128x128xf32, #tpu.memory_space<vmem_shared>>
      tpu.enqueue_dma source(%dma_start3A_51 : memref<128x128xf32, #tpu.memory_space<vmem_shared>>) target(%arg9 : memref<128x128xf32, #tpu.memory_space<vmem>>) target_semaphore(%run_scoped3A : memref<!tpu.dma_semaphore, #tpu.memory_space<semaphore_mem>>)
      %dma_wait3A = arith.constant 0 : i32
      %dma_wait3A_52 = tpu.memref_slice %arg10[%add3A_36, %dma_wait3A] : memref<10240x128xf32, #tpu.memory_space<vmem_shared>> -> memref<128x128xf32, #tpu.memory_space<vmem_shared>>
      %dma_wait3A_53 = arith.constant 0 : i32
      %dma_wait3A_54 = tpu.memref_slice %arg10[%add3A_36, %dma_wait3A_53] : memref<10240x128xf32, #tpu.memory_space<vmem_shared>> -> memref<128x128xf32, #tpu.memory_space<vmem_shared>>
      tpu.wait_dma2 semaphore(%run_scoped3A : memref<!tpu.dma_semaphore, #tpu.memory_space<semaphore_mem>>) src(%dma_wait3A_54 : memref<128x128xf32, #tpu.memory_space<vmem_shared>>) dst(%arg9 : memref<128x128xf32, #tpu.memory_space<vmem>>)
      tpu.yield
    }) : () -> ()
    "tpu.region"() ({
      %run_scoped3A = tpu.sem_alloc : memref<!tpu.dma_semaphore, #tpu.memory_space<semaphore_mem>>
      %dma_start3A = arith.constant 0 : i32
      %dma_start3A_49 = tpu.memref_slice %arg6[%arg0, %add3A_36, %dma_start3A] : memref<2x10240x128xf32, #tpu.memory_space<hbm>> -> memref<1x128x128xf32, #tpu.memory_space<hbm>>
      %dma_start3A_50 = tpu.memref_squeeze %dma_start3A_49 : memref<1x128x128xf32, #tpu.memory_space<hbm>> -> memref<128x128xf32, #tpu.memory_space<hbm>>
      %dma_start3A_51 = arith.constant 0 : i32
      %dma_start3A_52 = tpu.memref_slice %arg6[%arg0, %add3A_36, %dma_start3A_51] : memref<2x10240x128xf32, #tpu.memory_space<hbm>> -> memref<1x128x128xf32, #tpu.memory_space<hbm>>
      %dma_start3A_53 = tpu.memref_squeeze %dma_start3A_52 : memref<1x128x128xf32, #tpu.memory_space<hbm>> -> memref<128x128xf32, #tpu.memory_space<hbm>>
      tpu.enqueue_dma source(%arg9 : memref<128x128xf32, #tpu.memory_space<vmem>>) target(%dma_start3A_53 : memref<128x128xf32, #tpu.memory_space<hbm>>) target_semaphore(%run_scoped3A : memref<!tpu.dma_semaphore, #tpu.memory_space<semaphore_mem>>)
      %dma_wait3A = arith.constant 0 : i32
      %dma_wait3A_54 = tpu.memref_slice %arg6[%arg0, %add3A_36, %dma_wait3A] : memref<2x10240x128xf32, #tpu.memory_space<hbm>> -> memref<1x128x128xf32, #tpu.memory_space<hbm>>
      %dma_wait3A_55 = tpu.memref_squeeze %dma_wait3A_54 : memref<1x128x128xf32, #tpu.memory_space<hbm>> -> memref<128x128xf32, #tpu.memory_space<hbm>>
      %dma_wait3A_56 = arith.constant 0 : i32
      %dma_wait3A_57 = tpu.memref_slice %arg6[%arg0, %add3A_36, %dma_wait3A_56] : memref<2x10240x128xf32, #tpu.memory_space<hbm>> -> memref<1x128x128xf32, #tpu.memory_space<hbm>>
      %dma_wait3A_58 = tpu.memref_squeeze %dma_wait3A_57 : memref<1x128x128xf32, #tpu.memory_space<hbm>> -> memref<128x128xf32, #tpu.memory_space<hbm>>
      tpu.wait_dma2 semaphore(%run_scoped3A : memref<!tpu.dma_semaphore, #tpu.memory_space<semaphore_mem>>) src(%arg9 : memref<128x128xf32, #tpu.memory_space<vmem>>) dst(%dma_wait3A_58 : memref<128x128xf32, #tpu.memory_space<hbm>>)
      tpu.yield
    }) : () -> ()
    %mul3A_37 = arith.constant 640 : i32
    %mul3A_38 = arith.muli %arg1, %mul3A_37 : i32
    %add3A_39 = arith.constant 256 : i32
    %add3A_40 = arith.addi %mul3A_38, %add3A_39 : i32
    "tpu.region"() ({
      %run_scoped3A = tpu.sem_alloc : memref<!tpu.dma_semaphore, #tpu.memory_space<semaphore_mem>>
      %dma_start3A = arith.constant 0 : i32
      %dma_start3A_49 = tpu.memref_slice %arg10[%add3A_40, %dma_start3A] : memref<10240x128xf32, #tpu.memory_space<vmem_shared>> -> memref<128x128xf32, #tpu.memory_space<vmem_shared>>
      %dma_start3A_50 = arith.constant 0 : i32
      %dma_start3A_51 = tpu.memref_slice %arg10[%add3A_40, %dma_start3A_50] : memref<10240x128xf32, #tpu.memory_space<vmem_shared>> -> memref<128x128xf32, #tpu.memory_space<vmem_shared>>
      tpu.enqueue_dma source(%dma_start3A_51 : memref<128x128xf32, #tpu.memory_space<vmem_shared>>) target(%arg9 : memref<128x128xf32, #tpu.memory_space<vmem>>) target_semaphore(%run_scoped3A : memref<!tpu.dma_semaphore, #tpu.memory_space<semaphore_mem>>)
      %dma_wait3A = arith.constant 0 : i32
      %dma_wait3A_52 = tpu.memref_slice %arg10[%add3A_40, %dma_wait3A] : memref<10240x128xf32, #tpu.memory_space<vmem_shared>> -> memref<128x128xf32, #tpu.memory_space<vmem_shared>>
      %dma_wait3A_53 = arith.constant 0 : i32
      %dma_wait3A_54 = tpu.memref_slice %arg10[%add3A_40, %dma_wait3A_53] : memref<10240x128xf32, #tpu.memory_space<vmem_shared>> -> memref<128x128xf32, #tpu.memory_space<vmem_shared>>
      tpu.wait_dma2 semaphore(%run_scoped3A : memref<!tpu.dma_semaphore, #tpu.memory_space<semaphore_mem>>) src(%dma_wait3A_54 : memref<128x128xf32, #tpu.memory_space<vmem_shared>>) dst(%arg9 : memref<128x128xf32, #tpu.memory_space<vmem>>)
      tpu.yield
    }) : () -> ()
    "tpu.region"() ({
      %run_scoped3A = tpu.sem_alloc : memref<!tpu.dma_semaphore, #tpu.memory_space<semaphore_mem>>
      %dma_start3A = arith.constant 0 : i32
      %dma_start3A_49 = tpu.memref_slice %arg6[%arg0, %add3A_40, %dma_start3A] : memref<2x10240x128xf32, #tpu.memory_space<hbm>> -> memref<1x128x128xf32, #tpu.memory_space<hbm>>
      %dma_start3A_50 = tpu.memref_squeeze %dma_start3A_49 : memref<1x128x128xf32, #tpu.memory_space<hbm>> -> memref<128x128xf32, #tpu.memory_space<hbm>>
      %dma_start3A_51 = arith.constant 0 : i32
      %dma_start3A_52 = tpu.memref_slice %arg6[%arg0, %add3A_40, %dma_start3A_51] : memref<2x10240x128xf32, #tpu.memory_space<hbm>> -> memref<1x128x128xf32, #tpu.memory_space<hbm>>
      %dma_start3A_53 = tpu.memref_squeeze %dma_start3A_52 : memref<1x128x128xf32, #tpu.memory_space<hbm>> -> memref<128x128xf32, #tpu.memory_space<hbm>>
      tpu.enqueue_dma source(%arg9 : memref<128x128xf32, #tpu.memory_space<vmem>>) target(%dma_start3A_53 : memref<128x128xf32, #tpu.memory_space<hbm>>) target_semaphore(%run_scoped3A : memref<!tpu.dma_semaphore, #tpu.memory_space<semaphore_mem>>)
      %dma_wait3A = arith.constant 0 : i32
      %dma_wait3A_54 = tpu.memref_slice %arg6[%arg0, %add3A_40, %dma_wait3A] : memref<2x10240x128xf32, #tpu.memory_space<hbm>> -> memref<1x128x128xf32, #tpu.memory_space<hbm>>
      %dma_wait3A_55 = tpu.memref_squeeze %dma_wait3A_54 : memref<1x128x128xf32, #tpu.memory_space<hbm>> -> memref<128x128xf32, #tpu.memory_space<hbm>>
      %dma_wait3A_56 = arith.constant 0 : i32
      %dma_wait3A_57 = tpu.memref_slice %arg6[%arg0, %add3A_40, %dma_wait3A_56] : memref<2x10240x128xf32, #tpu.memory_space<hbm>> -> memref<1x128x128xf32, #tpu.memory_space<hbm>>
      %dma_wait3A_58 = tpu.memref_squeeze %dma_wait3A_57 : memref<1x128x128xf32, #tpu.memory_space<hbm>> -> memref<128x128xf32, #tpu.memory_space<hbm>>
      tpu.wait_dma2 semaphore(%run_scoped3A : memref<!tpu.dma_semaphore, #tpu.memory_space<semaphore_mem>>) src(%arg9 : memref<128x128xf32, #tpu.memory_space<vmem>>) dst(%dma_wait3A_58 : memref<128x128xf32, #tpu.memory_space<hbm>>)
      tpu.yield
    }) : () -> ()
    %mul3A_41 = arith.constant 640 : i32
    %mul3A_42 = arith.muli %arg1, %mul3A_41 : i32
    %add3A_43 = arith.constant 384 : i32
    %add3A_44 = arith.addi %mul3A_42, %add3A_43 : i32
    "tpu.region"() ({
      %run_scoped3A = tpu.sem_alloc : memref<!tpu.dma_semaphore, #tpu.memory_space<semaphore_mem>>
      %dma_start3A = arith.constant 0 : i32
      %dma_start3A_49 = tpu.memref_slice %arg10[%add3A_44, %dma_start3A] : memref<10240x128xf32, #tpu.memory_space<vmem_shared>> -> memref<128x128xf32, #tpu.memory_space<vmem_shared>>
      %dma_start3A_50 = arith.constant 0 : i32
      %dma_start3A_51 = tpu.memref_slice %arg10[%add3A_44, %dma_start3A_50] : memref<10240x128xf32, #tpu.memory_space<vmem_shared>> -> memref<128x128xf32, #tpu.memory_space<vmem_shared>>
      tpu.enqueue_dma source(%dma_start3A_51 : memref<128x128xf32, #tpu.memory_space<vmem_shared>>) target(%arg9 : memref<128x128xf32, #tpu.memory_space<vmem>>) target_semaphore(%run_scoped3A : memref<!tpu.dma_semaphore, #tpu.memory_space<semaphore_mem>>)
      %dma_wait3A = arith.constant 0 : i32
      %dma_wait3A_52 = tpu.memref_slice %arg10[%add3A_44, %dma_wait3A] : memref<10240x128xf32, #tpu.memory_space<vmem_shared>> -> memref<128x128xf32, #tpu.memory_space<vmem_shared>>
      %dma_wait3A_53 = arith.constant 0 : i32
      %dma_wait3A_54 = tpu.memref_slice %arg10[%add3A_44, %dma_wait3A_53] : memref<10240x128xf32, #tpu.memory_space<vmem_shared>> -> memref<128x128xf32, #tpu.memory_space<vmem_shared>>
      tpu.wait_dma2 semaphore(%run_scoped3A : memref<!tpu.dma_semaphore, #tpu.memory_space<semaphore_mem>>) src(%dma_wait3A_54 : memref<128x128xf32, #tpu.memory_space<vmem_shared>>) dst(%arg9 : memref<128x128xf32, #tpu.memory_space<vmem>>)
      tpu.yield
    }) : () -> ()
    "tpu.region"() ({
      %run_scoped3A = tpu.sem_alloc : memref<!tpu.dma_semaphore, #tpu.memory_space<semaphore_mem>>
      %dma_start3A = arith.constant 0 : i32
      %dma_start3A_49 = tpu.memref_slice %arg6[%arg0, %add3A_44, %dma_start3A] : memref<2x10240x128xf32, #tpu.memory_space<hbm>> -> memref<1x128x128xf32, #tpu.memory_space<hbm>>
      %dma_start3A_50 = tpu.memref_squeeze %dma_start3A_49 : memref<1x128x128xf32, #tpu.memory_space<hbm>> -> memref<128x128xf32, #tpu.memory_space<hbm>>
      %dma_start3A_51 = arith.constant 0 : i32
      %dma_start3A_52 = tpu.memref_slice %arg6[%arg0, %add3A_44, %dma_start3A_51] : memref<2x10240x128xf32, #tpu.memory_space<hbm>> -> memref<1x128x128xf32, #tpu.memory_space<hbm>>
      %dma_start3A_53 = tpu.memref_squeeze %dma_start3A_52 : memref<1x128x128xf32, #tpu.memory_space<hbm>> -> memref<128x128xf32, #tpu.memory_space<hbm>>
      tpu.enqueue_dma source(%arg9 : memref<128x128xf32, #tpu.memory_space<vmem>>) target(%dma_start3A_53 : memref<128x128xf32, #tpu.memory_space<hbm>>) target_semaphore(%run_scoped3A : memref<!tpu.dma_semaphore, #tpu.memory_space<semaphore_mem>>)
      %dma_wait3A = arith.constant 0 : i32
      %dma_wait3A_54 = tpu.memref_slice %arg6[%arg0, %add3A_44, %dma_wait3A] : memref<2x10240x128xf32, #tpu.memory_space<hbm>> -> memref<1x128x128xf32, #tpu.memory_space<hbm>>
      %dma_wait3A_55 = tpu.memref_squeeze %dma_wait3A_54 : memref<1x128x128xf32, #tpu.memory_space<hbm>> -> memref<128x128xf32, #tpu.memory_space<hbm>>
      %dma_wait3A_56 = arith.constant 0 : i32
      %dma_wait3A_57 = tpu.memref_slice %arg6[%arg0, %add3A_44, %dma_wait3A_56] : memref<2x10240x128xf32, #tpu.memory_space<hbm>> -> memref<1x128x128xf32, #tpu.memory_space<hbm>>
      %dma_wait3A_58 = tpu.memref_squeeze %dma_wait3A_57 : memref<1x128x128xf32, #tpu.memory_space<hbm>> -> memref<128x128xf32, #tpu.memory_space<hbm>>
      tpu.wait_dma2 semaphore(%run_scoped3A : memref<!tpu.dma_semaphore, #tpu.memory_space<semaphore_mem>>) src(%arg9 : memref<128x128xf32, #tpu.memory_space<vmem>>) dst(%dma_wait3A_58 : memref<128x128xf32, #tpu.memory_space<hbm>>)
      tpu.yield
    }) : () -> ()
    %mul3A_45 = arith.constant 640 : i32
    %mul3A_46 = arith.muli %arg1, %mul3A_45 : i32
    %add3A_47 = arith.constant 512 : i32
    %add3A_48 = arith.addi %mul3A_46, %add3A_47 : i32
    "tpu.region"() ({
      %run_scoped3A = tpu.sem_alloc : memref<!tpu.dma_semaphore, #tpu.memory_space<semaphore_mem>>
      %dma_start3A = arith.constant 0 : i32
      %dma_start3A_49 = tpu.memref_slice %arg10[%add3A_48, %dma_start3A] : memref<10240x128xf32, #tpu.memory_space<vmem_shared>> -> memref<128x128xf32, #tpu.memory_space<vmem_shared>>
      %dma_start3A_50 = arith.constant 0 : i32
      %dma_start3A_51 = tpu.memref_slice %arg10[%add3A_48, %dma_start3A_50] : memref<10240x128xf32, #tpu.memory_space<vmem_shared>> -> memref<128x128xf32, #tpu.memory_space<vmem_shared>>
      tpu.enqueue_dma source(%dma_start3A_51 : memref<128x128xf32, #tpu.memory_space<vmem_shared>>) target(%arg9 : memref<128x128xf32, #tpu.memory_space<vmem>>) target_semaphore(%run_scoped3A : memref<!tpu.dma_semaphore, #tpu.memory_space<semaphore_mem>>)
      %dma_wait3A = arith.constant 0 : i32
      %dma_wait3A_52 = tpu.memref_slice %arg10[%add3A_48, %dma_wait3A] : memref<10240x128xf32, #tpu.memory_space<vmem_shared>> -> memref<128x128xf32, #tpu.memory_space<vmem_shared>>
      %dma_wait3A_53 = arith.constant 0 : i32
      %dma_wait3A_54 = tpu.memref_slice %arg10[%add3A_48, %dma_wait3A_53] : memref<10240x128xf32, #tpu.memory_space<vmem_shared>> -> memref<128x128xf32, #tpu.memory_space<vmem_shared>>
      tpu.wait_dma2 semaphore(%run_scoped3A : memref<!tpu.dma_semaphore, #tpu.memory_space<semaphore_mem>>) src(%dma_wait3A_54 : memref<128x128xf32, #tpu.memory_space<vmem_shared>>) dst(%arg9 : memref<128x128xf32, #tpu.memory_space<vmem>>)
      tpu.yield
    }) : () -> ()
    "tpu.region"() ({
      %run_scoped3A = tpu.sem_alloc : memref<!tpu.dma_semaphore, #tpu.memory_space<semaphore_mem>>
      %dma_start3A = arith.constant 0 : i32
      %dma_start3A_49 = tpu.memref_slice %arg6[%arg0, %add3A_48, %dma_start3A] : memref<2x10240x128xf32, #tpu.memory_space<hbm>> -> memref<1x128x128xf32, #tpu.memory_space<hbm>>
      %dma_start3A_50 = tpu.memref_squeeze %dma_start3A_49 : memref<1x128x128xf32, #tpu.memory_space<hbm>> -> memref<128x128xf32, #tpu.memory_space<hbm>>
      %dma_start3A_51 = arith.constant 0 : i32
      %dma_start3A_52 = tpu.memref_slice %arg6[%arg0, %add3A_48, %dma_start3A_51] : memref<2x10240x128xf32, #tpu.memory_space<hbm>> -> memref<1x128x128xf32, #tpu.memory_space<hbm>>
      %dma_start3A_53 = tpu.memref_squeeze %dma_start3A_52 : memref<1x128x128xf32, #tpu.memory_space<hbm>> -> memref<128x128xf32, #tpu.memory_space<hbm>>
      tpu.enqueue_dma source(%arg9 : memref<128x128xf32, #tpu.memory_space<vmem>>) target(%dma_start3A_53 : memref<128x128xf32, #tpu.memory_space<hbm>>) target_semaphore(%run_scoped3A : memref<!tpu.dma_semaphore, #tpu.memory_space<semaphore_mem>>)
      %dma_wait3A = arith.constant 0 : i32
      %dma_wait3A_54 = tpu.memref_slice %arg6[%arg0, %add3A_48, %dma_wait3A] : memref<2x10240x128xf32, #tpu.memory_space<hbm>> -> memref<1x128x128xf32, #tpu.memory_space<hbm>>
      %dma_wait3A_55 = tpu.memref_squeeze %dma_wait3A_54 : memref<1x128x128xf32, #tpu.memory_space<hbm>> -> memref<128x128xf32, #tpu.memory_space<hbm>>
      %dma_wait3A_56 = arith.constant 0 : i32
      %dma_wait3A_57 = tpu.memref_slice %arg6[%arg0, %add3A_48, %dma_wait3A_56] : memref<2x10240x128xf32, #tpu.memory_space<hbm>> -> memref<1x128x128xf32, #tpu.memory_space<hbm>>
      %dma_wait3A_58 = tpu.memref_squeeze %dma_wait3A_57 : memref<1x128x128xf32, #tpu.memory_space<hbm>> -> memref<128x128xf32, #tpu.memory_space<hbm>>
      tpu.wait_dma2 semaphore(%run_scoped3A : memref<!tpu.dma_semaphore, #tpu.memory_space<semaphore_mem>>) src(%arg9 : memref<128x128xf32, #tpu.memory_space<vmem>>) dst(%dma_wait3A_58 : memref<128x128xf32, #tpu.memory_space<hbm>>)
      tpu.yield
    }) : () -> ()
    return
  }
}

#map = affine_map<(d0, d1) -> (0, 0)>
#map1 = affine_map<(d0, d1) -> (0)>
#map2 = affine_map<(d0, d1) -> (0, 0, 0)>
module attributes {stable_mosaic.version = 14 : i64} {
  func.func @_sc_scatter_body(%arg0: i32, %arg1: i32, %arg2: memref<10240x128xf32, #tpu.memory_space<hbm>>, %arg3: memref<323584xi32, #tpu.memory_space<hbm>>, %arg4: memref<323584xi32, #tpu.memory_space<hbm>>, %arg5: memref<128x128xf32, #tpu.memory_space<hbm>>, %arg6: memref<2x10240x128xf32, #tpu.memory_space<hbm>>, %arg7: memref<128xi32, #tpu.memory_space<vmem>>, %arg8: memref<128xi32, #tpu.memory_space<vmem>>, %arg9: memref<128x128xf32, #tpu.memory_space<vmem>>, %arg10: memref<10240x128xf32, #tpu.memory_space<vmem_shared>>, %arg11: memref<!tpu.dma_semaphore, #tpu.memory_space<semaphore_mem>>) attributes {dimension_semantics = [#tpu.dimension_semantics<core_parallel>, #tpu.dimension_semantics<subcore_parallel>], iteration_bounds = array<i64: 2, 16>, scalar_prefetch = 0 : i64, scratch_operands = 5 : i64, tpu.core_type = #tpu.core_type<sc_vector_subcore>, window_params = [{transform_indices = #map}, {transform_indices = #map1}, {transform_indices = #map1}, {transform_indices = #map}, {transform_indices = #map2}]} {
    %mul3A = arith.constant 2 : i32
    %mul3A_0 = arith.muli %arg1, %mul3A : i32
    %add3A = arith.addi %mul3A_0, %arg0 : i32
    "tpu.region"() ({
      %run_scoped3A = tpu.sem_alloc : memref<!tpu.dma_semaphore, #tpu.memory_space<semaphore_mem>>
      tpu.enqueue_dma source(%arg5 : memref<128x128xf32, #tpu.memory_space<hbm>>) target(%arg9 : memref<128x128xf32, #tpu.memory_space<vmem>>) target_semaphore(%run_scoped3A : memref<!tpu.dma_semaphore, #tpu.memory_space<semaphore_mem>>)
      tpu.wait_dma2 semaphore(%run_scoped3A : memref<!tpu.dma_semaphore, #tpu.memory_space<semaphore_mem>>) src(%arg5 : memref<128x128xf32, #tpu.memory_space<hbm>>) dst(%arg9 : memref<128x128xf32, #tpu.memory_space<vmem>>)
      tpu.yield
    }) : () -> ()
    %mul3A_1 = arith.constant 640 : i32
    %mul3A_2 = arith.muli %arg1, %mul3A_1 : i32
    %add3A_3 = arith.constant 0 : i32
    %add3A_4 = arith.addi %mul3A_2, %add3A_3 : i32
    "tpu.region"() ({
      %run_scoped3A = tpu.sem_alloc : memref<!tpu.dma_semaphore, #tpu.memory_space<semaphore_mem>>
      %dma_start3A = arith.constant 0 : i32
      %dma_start3A_49 = tpu.memref_slice %arg10[%add3A_4, %dma_start3A] : memref<10240x128xf32, #tpu.memory_space<vmem_shared>> -> memref<128x128xf32, #tpu.memory_space<vmem_shared>>
      %dma_start3A_50 = arith.constant 0 : i32
      %dma_start3A_51 = tpu.memref_slice %arg10[%add3A_4, %dma_start3A_50] : memref<10240x128xf32, #tpu.memory_space<vmem_shared>> -> memref<128x128xf32, #tpu.memory_space<vmem_shared>>
      tpu.enqueue_dma source(%arg9 : memref<128x128xf32, #tpu.memory_space<vmem>>) target(%dma_start3A_51 : memref<128x128xf32, #tpu.memory_space<vmem_shared>>) target_semaphore(%run_scoped3A : memref<!tpu.dma_semaphore, #tpu.memory_space<semaphore_mem>>)
      %dma_wait3A = arith.constant 0 : i32
      %dma_wait3A_52 = tpu.memref_slice %arg10[%add3A_4, %dma_wait3A] : memref<10240x128xf32, #tpu.memory_space<vmem_shared>> -> memref<128x128xf32, #tpu.memory_space<vmem_shared>>
      %dma_wait3A_53 = arith.constant 0 : i32
      %dma_wait3A_54 = tpu.memref_slice %arg10[%add3A_4, %dma_wait3A_53] : memref<10240x128xf32, #tpu.memory_space<vmem_shared>> -> memref<128x128xf32, #tpu.memory_space<vmem_shared>>
      tpu.wait_dma2 semaphore(%run_scoped3A : memref<!tpu.dma_semaphore, #tpu.memory_space<semaphore_mem>>) src(%arg9 : memref<128x128xf32, #tpu.memory_space<vmem>>) dst(%dma_wait3A_54 : memref<128x128xf32, #tpu.memory_space<vmem_shared>>)
      tpu.yield
    }) : () -> ()
    %mul3A_5 = arith.constant 640 : i32
    %mul3A_6 = arith.muli %arg1, %mul3A_5 : i32
    %add3A_7 = arith.constant 128 : i32
    %add3A_8 = arith.addi %mul3A_6, %add3A_7 : i32
    "tpu.region"() ({
      %run_scoped3A = tpu.sem_alloc : memref<!tpu.dma_semaphore, #tpu.memory_space<semaphore_mem>>
      %dma_start3A = arith.constant 0 : i32
      %dma_start3A_49 = tpu.memref_slice %arg10[%add3A_8, %dma_start3A] : memref<10240x128xf32, #tpu.memory_space<vmem_shared>> -> memref<128x128xf32, #tpu.memory_space<vmem_shared>>
      %dma_start3A_50 = arith.constant 0 : i32
      %dma_start3A_51 = tpu.memref_slice %arg10[%add3A_8, %dma_start3A_50] : memref<10240x128xf32, #tpu.memory_space<vmem_shared>> -> memref<128x128xf32, #tpu.memory_space<vmem_shared>>
      tpu.enqueue_dma source(%arg9 : memref<128x128xf32, #tpu.memory_space<vmem>>) target(%dma_start3A_51 : memref<128x128xf32, #tpu.memory_space<vmem_shared>>) target_semaphore(%run_scoped3A : memref<!tpu.dma_semaphore, #tpu.memory_space<semaphore_mem>>)
      %dma_wait3A = arith.constant 0 : i32
      %dma_wait3A_52 = tpu.memref_slice %arg10[%add3A_8, %dma_wait3A] : memref<10240x128xf32, #tpu.memory_space<vmem_shared>> -> memref<128x128xf32, #tpu.memory_space<vmem_shared>>
      %dma_wait3A_53 = arith.constant 0 : i32
      %dma_wait3A_54 = tpu.memref_slice %arg10[%add3A_8, %dma_wait3A_53] : memref<10240x128xf32, #tpu.memory_space<vmem_shared>> -> memref<128x128xf32, #tpu.memory_space<vmem_shared>>
      tpu.wait_dma2 semaphore(%run_scoped3A : memref<!tpu.dma_semaphore, #tpu.memory_space<semaphore_mem>>) src(%arg9 : memref<128x128xf32, #tpu.memory_space<vmem>>) dst(%dma_wait3A_54 : memref<128x128xf32, #tpu.memory_space<vmem_shared>>)
      tpu.yield
    }) : () -> ()
    %mul3A_9 = arith.constant 640 : i32
    %mul3A_10 = arith.muli %arg1, %mul3A_9 : i32
    %add3A_11 = arith.constant 256 : i32
    %add3A_12 = arith.addi %mul3A_10, %add3A_11 : i32
    "tpu.region"() ({
      %run_scoped3A = tpu.sem_alloc : memref<!tpu.dma_semaphore, #tpu.memory_space<semaphore_mem>>
      %dma_start3A = arith.constant 0 : i32
      %dma_start3A_49 = tpu.memref_slice %arg10[%add3A_12, %dma_start3A] : memref<10240x128xf32, #tpu.memory_space<vmem_shared>> -> memref<128x128xf32, #tpu.memory_space<vmem_shared>>
      %dma_start3A_50 = arith.constant 0 : i32
      %dma_start3A_51 = tpu.memref_slice %arg10[%add3A_12, %dma_start3A_50] : memref<10240x128xf32, #tpu.memory_space<vmem_shared>> -> memref<128x128xf32, #tpu.memory_space<vmem_shared>>
      tpu.enqueue_dma source(%arg9 : memref<128x128xf32, #tpu.memory_space<vmem>>) target(%dma_start3A_51 : memref<128x128xf32, #tpu.memory_space<vmem_shared>>) target_semaphore(%run_scoped3A : memref<!tpu.dma_semaphore, #tpu.memory_space<semaphore_mem>>)
      %dma_wait3A = arith.constant 0 : i32
      %dma_wait3A_52 = tpu.memref_slice %arg10[%add3A_12, %dma_wait3A] : memref<10240x128xf32, #tpu.memory_space<vmem_shared>> -> memref<128x128xf32, #tpu.memory_space<vmem_shared>>
      %dma_wait3A_53 = arith.constant 0 : i32
      %dma_wait3A_54 = tpu.memref_slice %arg10[%add3A_12, %dma_wait3A_53] : memref<10240x128xf32, #tpu.memory_space<vmem_shared>> -> memref<128x128xf32, #tpu.memory_space<vmem_shared>>
      tpu.wait_dma2 semaphore(%run_scoped3A : memref<!tpu.dma_semaphore, #tpu.memory_space<semaphore_mem>>) src(%arg9 : memref<128x128xf32, #tpu.memory_space<vmem>>) dst(%dma_wait3A_54 : memref<128x128xf32, #tpu.memory_space<vmem_shared>>)
      tpu.yield
    }) : () -> ()
    %mul3A_13 = arith.constant 640 : i32
    %mul3A_14 = arith.muli %arg1, %mul3A_13 : i32
    %add3A_15 = arith.constant 384 : i32
    %add3A_16 = arith.addi %mul3A_14, %add3A_15 : i32
    "tpu.region"() ({
      %run_scoped3A = tpu.sem_alloc : memref<!tpu.dma_semaphore, #tpu.memory_space<semaphore_mem>>
      %dma_start3A = arith.constant 0 : i32
      %dma_start3A_49 = tpu.memref_slice %arg10[%add3A_16, %dma_start3A] : memref<10240x128xf32, #tpu.memory_space<vmem_shared>> -> memref<128x128xf32, #tpu.memory_space<vmem_shared>>
      %dma_start3A_50 = arith.constant 0 : i32
      %dma_start3A_51 = tpu.memref_slice %arg10[%add3A_16, %dma_start3A_50] : memref<10240x128xf32, #tpu.memory_space<vmem_shared>> -> memref<128x128xf32, #tpu.memory_space<vmem_shared>>
      tpu.enqueue_dma source(%arg9 : memref<128x128xf32, #tpu.memory_space<vmem>>) target(%dma_start3A_51 : memref<128x128xf32, #tpu.memory_space<vmem_shared>>) target_semaphore(%run_scoped3A : memref<!tpu.dma_semaphore, #tpu.memory_space<semaphore_mem>>)
      %dma_wait3A = arith.constant 0 : i32
      %dma_wait3A_52 = tpu.memref_slice %arg10[%add3A_16, %dma_wait3A] : memref<10240x128xf32, #tpu.memory_space<vmem_shared>> -> memref<128x128xf32, #tpu.memory_space<vmem_shared>>
      %dma_wait3A_53 = arith.constant 0 : i32
      %dma_wait3A_54 = tpu.memref_slice %arg10[%add3A_16, %dma_wait3A_53] : memref<10240x128xf32, #tpu.memory_space<vmem_shared>> -> memref<128x128xf32, #tpu.memory_space<vmem_shared>>
      tpu.wait_dma2 semaphore(%run_scoped3A : memref<!tpu.dma_semaphore, #tpu.memory_space<semaphore_mem>>) src(%arg9 : memref<128x128xf32, #tpu.memory_space<vmem>>) dst(%dma_wait3A_54 : memref<128x128xf32, #tpu.memory_space<vmem_shared>>)
      tpu.yield
    }) : () -> ()
    %mul3A_17 = arith.constant 640 : i32
    %mul3A_18 = arith.muli %arg1, %mul3A_17 : i32
    %add3A_19 = arith.constant 512 : i32
    %add3A_20 = arith.addi %mul3A_18, %add3A_19 : i32
    "tpu.region"() ({
      %run_scoped3A = tpu.sem_alloc : memref<!tpu.dma_semaphore, #tpu.memory_space<semaphore_mem>>
      %dma_start3A = arith.constant 0 : i32
      %dma_start3A_49 = tpu.memref_slice %arg10[%add3A_20, %dma_start3A] : memref<10240x128xf32, #tpu.memory_space<vmem_shared>> -> memref<128x128xf32, #tpu.memory_space<vmem_shared>>
      %dma_start3A_50 = arith.constant 0 : i32
      %dma_start3A_51 = tpu.memref_slice %arg10[%add3A_20, %dma_start3A_50] : memref<10240x128xf32, #tpu.memory_space<vmem_shared>> -> memref<128x128xf32, #tpu.memory_space<vmem_shared>>
      tpu.enqueue_dma source(%arg9 : memref<128x128xf32, #tpu.memory_space<vmem>>) target(%dma_start3A_51 : memref<128x128xf32, #tpu.memory_space<vmem_shared>>) target_semaphore(%run_scoped3A : memref<!tpu.dma_semaphore, #tpu.memory_space<semaphore_mem>>)
      %dma_wait3A = arith.constant 0 : i32
      %dma_wait3A_52 = tpu.memref_slice %arg10[%add3A_20, %dma_wait3A] : memref<10240x128xf32, #tpu.memory_space<vmem_shared>> -> memref<128x128xf32, #tpu.memory_space<vmem_shared>>
      %dma_wait3A_53 = arith.constant 0 : i32
      %dma_wait3A_54 = tpu.memref_slice %arg10[%add3A_20, %dma_wait3A_53] : memref<10240x128xf32, #tpu.memory_space<vmem_shared>> -> memref<128x128xf32, #tpu.memory_space<vmem_shared>>
      tpu.wait_dma2 semaphore(%run_scoped3A : memref<!tpu.dma_semaphore, #tpu.memory_space<semaphore_mem>>) src(%arg9 : memref<128x128xf32, #tpu.memory_space<vmem>>) dst(%dma_wait3A_54 : memref<128x128xf32, #tpu.memory_space<vmem_shared>>)
      tpu.yield
    }) : () -> ()
    %barrier3A = arith.constant 0 : index
    tpu.barrier barrier_id(%barrier3A)
    %mul3A_21 = arith.constant 10112 : i32
    %mul3A_22 = arith.muli %add3A, %mul3A_21 : i32
    %scan3A = arith.constant 0 : i32
    %scan3A_23 = arith.constant 0 : i32
    %scan3A_24 = arith.constant 79 : i32
    %scan3A_25 = arith.addi %scan3A_23, %scan3A_24 : i32
    %scan3A_26 = arith.constant 1 : i32
    scf.for %scan3A_49 = %scan3A_23 to %scan3A_25 step %scan3A_26  : i32 {
      %mul3A_50 = arith.constant 128 : i32
      %mul3A_51 = arith.muli %scan3A_49, %mul3A_50 : i32
      %add3A_52 = arith.addi %mul3A_22, %mul3A_51 : i32
      "tpu.region"() ({
        %run_scoped3A = tpu.sem_alloc : memref<!tpu.dma_semaphore, #tpu.memory_space<semaphore_mem>>
        %dma_start3A_57 = tpu.memref_slice %arg3[%add3A_52] : memref<323584xi32, #tpu.memory_space<hbm>> -> memref<128xi32, #tpu.memory_space<hbm>>
        %dma_start3A_58 = tpu.memref_slice %arg3[%add3A_52] : memref<323584xi32, #tpu.memory_space<hbm>> -> memref<128xi32, #tpu.memory_space<hbm>>
        tpu.enqueue_dma source(%dma_start3A_58 : memref<128xi32, #tpu.memory_space<hbm>>) target(%arg7 : memref<128xi32, #tpu.memory_space<vmem>>) target_semaphore(%run_scoped3A : memref<!tpu.dma_semaphore, #tpu.memory_space<semaphore_mem>>)
        %dma_wait3A_59 = tpu.memref_slice %arg3[%add3A_52] : memref<323584xi32, #tpu.memory_space<hbm>> -> memref<128xi32, #tpu.memory_space<hbm>>
        %dma_wait3A_60 = tpu.memref_slice %arg3[%add3A_52] : memref<323584xi32, #tpu.memory_space<hbm>> -> memref<128xi32, #tpu.memory_space<hbm>>
        tpu.wait_dma2 semaphore(%run_scoped3A : memref<!tpu.dma_semaphore, #tpu.memory_space<semaphore_mem>>) src(%dma_wait3A_60 : memref<128xi32, #tpu.memory_space<hbm>>) dst(%arg7 : memref<128xi32, #tpu.memory_space<vmem>>)
        tpu.yield
      }) : () -> ()
      %dma_start3A = arith.constant 0 : i32
      %dma_start3A_53 = arith.constant 0 : i32
      %dma_start3A_54 = tpu.memref_slice %arg2[%dma_start3A, %dma_start3A_53] : memref<10240x128xf32, #tpu.memory_space<hbm>> -> memref<10240x128xf32, #tpu.memory_space<hbm>>
      tpu.enqueue_indirect_dma source(%dma_start3A_54 : memref<10240x128xf32, #tpu.memory_space<hbm>>) target(%arg9 : memref<128x128xf32, #tpu.memory_space<vmem>>) offsets(%arg7 : memref<128xi32, #tpu.memory_space<vmem>>) semaphore(%arg11 : memref<!tpu.dma_semaphore, #tpu.memory_space<semaphore_mem>>)
      %dma_wait3A = arith.constant 0 : i32
      %dma_wait3A_55 = arith.constant 0 : i32
      %dma_wait3A_56 = tpu.memref_slice %arg2[%dma_wait3A, %dma_wait3A_55] : memref<10240x128xf32, #tpu.memory_space<hbm>> -> memref<10240x128xf32, #tpu.memory_space<hbm>>
      tpu.wait_indirect_dma semaphore(%arg11 : memref<!tpu.dma_semaphore, #tpu.memory_space<semaphore_mem>>) src(%dma_wait3A_56 : memref<10240x128xf32, #tpu.memory_space<hbm>>) dst(%arg9 : memref<128x128xf32, #tpu.memory_space<vmem>>)
      "tpu.region"() ({
        %run_scoped3A = tpu.sem_alloc : memref<!tpu.dma_semaphore, #tpu.memory_space<semaphore_mem>>
        %dma_start3A_57 = tpu.memref_slice %arg4[%add3A_52] : memref<323584xi32, #tpu.memory_space<hbm>> -> memref<128xi32, #tpu.memory_space<hbm>>
        %dma_start3A_58 = tpu.memref_slice %arg4[%add3A_52] : memref<323584xi32, #tpu.memory_space<hbm>> -> memref<128xi32, #tpu.memory_space<hbm>>
        tpu.enqueue_dma source(%dma_start3A_58 : memref<128xi32, #tpu.memory_space<hbm>>) target(%arg8 : memref<128xi32, #tpu.memory_space<vmem>>) target_semaphore(%run_scoped3A : memref<!tpu.dma_semaphore, #tpu.memory_space<semaphore_mem>>)
        %dma_wait3A_59 = tpu.memref_slice %arg4[%add3A_52] : memref<323584xi32, #tpu.memory_space<hbm>> -> memref<128xi32, #tpu.memory_space<hbm>>
        %dma_wait3A_60 = tpu.memref_slice %arg4[%add3A_52] : memref<323584xi32, #tpu.memory_space<hbm>> -> memref<128xi32, #tpu.memory_space<hbm>>
        tpu.wait_dma2 semaphore(%run_scoped3A : memref<!tpu.dma_semaphore, #tpu.memory_space<semaphore_mem>>) src(%dma_wait3A_60 : memref<128xi32, #tpu.memory_space<hbm>>) dst(%arg8 : memref<128xi32, #tpu.memory_space<vmem>>)
        tpu.yield
      }) : () -> ()
      "tpu.region"() ({
        %run_scoped3A = tpu.sem_alloc : memref<!tpu.dma_semaphore, #tpu.memory_space<semaphore_mem>>
        %dma_start3A_57 = arith.constant 0 : i32
        %dma_start3A_58 = arith.constant 0 : i32
        %dma_start3A_59 = tpu.memref_slice %arg10[%dma_start3A_57, %dma_start3A_58] : memref<10240x128xf32, #tpu.memory_space<vmem_shared>> -> memref<10240x128xf32, #tpu.memory_space<vmem_shared>>
        tpu.enqueue_indirect_dma source(%arg9 : memref<128x128xf32, #tpu.memory_space<vmem>>) target(%dma_start3A_59 : memref<10240x128xf32, #tpu.memory_space<vmem_shared>>) offsets(%arg8 : memref<128xi32, #tpu.memory_space<vmem>>) semaphore(%run_scoped3A : memref<!tpu.dma_semaphore, #tpu.memory_space<semaphore_mem>>) {add = true}
        %dma_wait3A_60 = arith.constant 0 : i32
        %dma_wait3A_61 = arith.constant 0 : i32
        %dma_wait3A_62 = tpu.memref_slice %arg10[%dma_wait3A_60, %dma_wait3A_61] : memref<10240x128xf32, #tpu.memory_space<vmem_shared>> -> memref<10240x128xf32, #tpu.memory_space<vmem_shared>>
        tpu.wait_indirect_dma semaphore(%run_scoped3A : memref<!tpu.dma_semaphore, #tpu.memory_space<semaphore_mem>>) src(%arg9 : memref<128x128xf32, #tpu.memory_space<vmem>>) dst(%dma_wait3A_62 : memref<10240x128xf32, #tpu.memory_space<vmem_shared>>)
        tpu.yield
      }) : () -> ()
    }
    %scan3A_27 = arith.constant 79 : i32
    %barrier3A_28 = arith.constant 0 : index
    tpu.barrier barrier_id(%barrier3A_28)
    %mul3A_29 = arith.constant 640 : i32
    %mul3A_30 = arith.muli %arg1, %mul3A_29 : i32
    %add3A_31 = arith.constant 0 : i32
    %add3A_32 = arith.addi %mul3A_30, %add3A_31 : i32
    "tpu.region"() ({
      %run_scoped3A = tpu.sem_alloc : memref<!tpu.dma_semaphore, #tpu.memory_space<semaphore_mem>>
      %dma_start3A = arith.constant 0 : i32
      %dma_start3A_49 = tpu.memref_slice %arg10[%add3A_32, %dma_start3A] : memref<10240x128xf32, #tpu.memory_space<vmem_shared>> -> memref<128x128xf32, #tpu.memory_space<vmem_shared>>
      %dma_start3A_50 = arith.constant 0 : i32
      %dma_start3A_51 = tpu.memref_slice %arg10[%add3A_32, %dma_start3A_50] : memref<10240x128xf32, #tpu.memory_space<vmem_shared>> -> memref<128x128xf32, #tpu.memory_space<vmem_shared>>
      tpu.enqueue_dma source(%dma_start3A_51 : memref<128x128xf32, #tpu.memory_space<vmem_shared>>) target(%arg9 : memref<128x128xf32, #tpu.memory_space<vmem>>) target_semaphore(%run_scoped3A : memref<!tpu.dma_semaphore, #tpu.memory_space<semaphore_mem>>)
      %dma_wait3A = arith.constant 0 : i32
      %dma_wait3A_52 = tpu.memref_slice %arg10[%add3A_32, %dma_wait3A] : memref<10240x128xf32, #tpu.memory_space<vmem_shared>> -> memref<128x128xf32, #tpu.memory_space<vmem_shared>>
      %dma_wait3A_53 = arith.constant 0 : i32
      %dma_wait3A_54 = tpu.memref_slice %arg10[%add3A_32, %dma_wait3A_53] : memref<10240x128xf32, #tpu.memory_space<vmem_shared>> -> memref<128x128xf32, #tpu.memory_space<vmem_shared>>
      tpu.wait_dma2 semaphore(%run_scoped3A : memref<!tpu.dma_semaphore, #tpu.memory_space<semaphore_mem>>) src(%dma_wait3A_54 : memref<128x128xf32, #tpu.memory_space<vmem_shared>>) dst(%arg9 : memref<128x128xf32, #tpu.memory_space<vmem>>)
      tpu.yield
    }) : () -> ()
    "tpu.region"() ({
      %run_scoped3A = tpu.sem_alloc : memref<!tpu.dma_semaphore, #tpu.memory_space<semaphore_mem>>
      %dma_start3A = arith.constant 0 : i32
      %dma_start3A_49 = tpu.memref_slice %arg6[%arg0, %add3A_32, %dma_start3A] : memref<2x10240x128xf32, #tpu.memory_space<hbm>> -> memref<1x128x128xf32, #tpu.memory_space<hbm>>
      %dma_start3A_50 = tpu.memref_squeeze %dma_start3A_49 : memref<1x128x128xf32, #tpu.memory_space<hbm>> -> memref<128x128xf32, #tpu.memory_space<hbm>>
      %dma_start3A_51 = arith.constant 0 : i32
      %dma_start3A_52 = tpu.memref_slice %arg6[%arg0, %add3A_32, %dma_start3A_51] : memref<2x10240x128xf32, #tpu.memory_space<hbm>> -> memref<1x128x128xf32, #tpu.memory_space<hbm>>
      %dma_start3A_53 = tpu.memref_squeeze %dma_start3A_52 : memref<1x128x128xf32, #tpu.memory_space<hbm>> -> memref<128x128xf32, #tpu.memory_space<hbm>>
      tpu.enqueue_dma source(%arg9 : memref<128x128xf32, #tpu.memory_space<vmem>>) target(%dma_start3A_53 : memref<128x128xf32, #tpu.memory_space<hbm>>) target_semaphore(%run_scoped3A : memref<!tpu.dma_semaphore, #tpu.memory_space<semaphore_mem>>)
      %dma_wait3A = arith.constant 0 : i32
      %dma_wait3A_54 = tpu.memref_slice %arg6[%arg0, %add3A_32, %dma_wait3A] : memref<2x10240x128xf32, #tpu.memory_space<hbm>> -> memref<1x128x128xf32, #tpu.memory_space<hbm>>
      %dma_wait3A_55 = tpu.memref_squeeze %dma_wait3A_54 : memref<1x128x128xf32, #tpu.memory_space<hbm>> -> memref<128x128xf32, #tpu.memory_space<hbm>>
      %dma_wait3A_56 = arith.constant 0 : i32
      %dma_wait3A_57 = tpu.memref_slice %arg6[%arg0, %add3A_32, %dma_wait3A_56] : memref<2x10240x128xf32, #tpu.memory_space<hbm>> -> memref<1x128x128xf32, #tpu.memory_space<hbm>>
      %dma_wait3A_58 = tpu.memref_squeeze %dma_wait3A_57 : memref<1x128x128xf32, #tpu.memory_space<hbm>> -> memref<128x128xf32, #tpu.memory_space<hbm>>
      tpu.wait_dma2 semaphore(%run_scoped3A : memref<!tpu.dma_semaphore, #tpu.memory_space<semaphore_mem>>) src(%arg9 : memref<128x128xf32, #tpu.memory_space<vmem>>) dst(%dma_wait3A_58 : memref<128x128xf32, #tpu.memory_space<hbm>>)
      tpu.yield
    }) : () -> ()
    %mul3A_33 = arith.constant 640 : i32
    %mul3A_34 = arith.muli %arg1, %mul3A_33 : i32
    %add3A_35 = arith.constant 128 : i32
    %add3A_36 = arith.addi %mul3A_34, %add3A_35 : i32
    "tpu.region"() ({
      %run_scoped3A = tpu.sem_alloc : memref<!tpu.dma_semaphore, #tpu.memory_space<semaphore_mem>>
      %dma_start3A = arith.constant 0 : i32
      %dma_start3A_49 = tpu.memref_slice %arg10[%add3A_36, %dma_start3A] : memref<10240x128xf32, #tpu.memory_space<vmem_shared>> -> memref<128x128xf32, #tpu.memory_space<vmem_shared>>
      %dma_start3A_50 = arith.constant 0 : i32
      %dma_start3A_51 = tpu.memref_slice %arg10[%add3A_36, %dma_start3A_50] : memref<10240x128xf32, #tpu.memory_space<vmem_shared>> -> memref<128x128xf32, #tpu.memory_space<vmem_shared>>
      tpu.enqueue_dma source(%dma_start3A_51 : memref<128x128xf32, #tpu.memory_space<vmem_shared>>) target(%arg9 : memref<128x128xf32, #tpu.memory_space<vmem>>) target_semaphore(%run_scoped3A : memref<!tpu.dma_semaphore, #tpu.memory_space<semaphore_mem>>)
      %dma_wait3A = arith.constant 0 : i32
      %dma_wait3A_52 = tpu.memref_slice %arg10[%add3A_36, %dma_wait3A] : memref<10240x128xf32, #tpu.memory_space<vmem_shared>> -> memref<128x128xf32, #tpu.memory_space<vmem_shared>>
      %dma_wait3A_53 = arith.constant 0 : i32
      %dma_wait3A_54 = tpu.memref_slice %arg10[%add3A_36, %dma_wait3A_53] : memref<10240x128xf32, #tpu.memory_space<vmem_shared>> -> memref<128x128xf32, #tpu.memory_space<vmem_shared>>
      tpu.wait_dma2 semaphore(%run_scoped3A : memref<!tpu.dma_semaphore, #tpu.memory_space<semaphore_mem>>) src(%dma_wait3A_54 : memref<128x128xf32, #tpu.memory_space<vmem_shared>>) dst(%arg9 : memref<128x128xf32, #tpu.memory_space<vmem>>)
      tpu.yield
    }) : () -> ()
    "tpu.region"() ({
      %run_scoped3A = tpu.sem_alloc : memref<!tpu.dma_semaphore, #tpu.memory_space<semaphore_mem>>
      %dma_start3A = arith.constant 0 : i32
      %dma_start3A_49 = tpu.memref_slice %arg6[%arg0, %add3A_36, %dma_start3A] : memref<2x10240x128xf32, #tpu.memory_space<hbm>> -> memref<1x128x128xf32, #tpu.memory_space<hbm>>
      %dma_start3A_50 = tpu.memref_squeeze %dma_start3A_49 : memref<1x128x128xf32, #tpu.memory_space<hbm>> -> memref<128x128xf32, #tpu.memory_space<hbm>>
      %dma_start3A_51 = arith.constant 0 : i32
      %dma_start3A_52 = tpu.memref_slice %arg6[%arg0, %add3A_36, %dma_start3A_51] : memref<2x10240x128xf32, #tpu.memory_space<hbm>> -> memref<1x128x128xf32, #tpu.memory_space<hbm>>
      %dma_start3A_53 = tpu.memref_squeeze %dma_start3A_52 : memref<1x128x128xf32, #tpu.memory_space<hbm>> -> memref<128x128xf32, #tpu.memory_space<hbm>>
      tpu.enqueue_dma source(%arg9 : memref<128x128xf32, #tpu.memory_space<vmem>>) target(%dma_start3A_53 : memref<128x128xf32, #tpu.memory_space<hbm>>) target_semaphore(%run_scoped3A : memref<!tpu.dma_semaphore, #tpu.memory_space<semaphore_mem>>)
      %dma_wait3A = arith.constant 0 : i32
      %dma_wait3A_54 = tpu.memref_slice %arg6[%arg0, %add3A_36, %dma_wait3A] : memref<2x10240x128xf32, #tpu.memory_space<hbm>> -> memref<1x128x128xf32, #tpu.memory_space<hbm>>
      %dma_wait3A_55 = tpu.memref_squeeze %dma_wait3A_54 : memref<1x128x128xf32, #tpu.memory_space<hbm>> -> memref<128x128xf32, #tpu.memory_space<hbm>>
      %dma_wait3A_56 = arith.constant 0 : i32
      %dma_wait3A_57 = tpu.memref_slice %arg6[%arg0, %add3A_36, %dma_wait3A_56] : memref<2x10240x128xf32, #tpu.memory_space<hbm>> -> memref<1x128x128xf32, #tpu.memory_space<hbm>>
      %dma_wait3A_58 = tpu.memref_squeeze %dma_wait3A_57 : memref<1x128x128xf32, #tpu.memory_space<hbm>> -> memref<128x128xf32, #tpu.memory_space<hbm>>
      tpu.wait_dma2 semaphore(%run_scoped3A : memref<!tpu.dma_semaphore, #tpu.memory_space<semaphore_mem>>) src(%arg9 : memref<128x128xf32, #tpu.memory_space<vmem>>) dst(%dma_wait3A_58 : memref<128x128xf32, #tpu.memory_space<hbm>>)
      tpu.yield
    }) : () -> ()
    %mul3A_37 = arith.constant 640 : i32
    %mul3A_38 = arith.muli %arg1, %mul3A_37 : i32
    %add3A_39 = arith.constant 256 : i32
    %add3A_40 = arith.addi %mul3A_38, %add3A_39 : i32
    "tpu.region"() ({
      %run_scoped3A = tpu.sem_alloc : memref<!tpu.dma_semaphore, #tpu.memory_space<semaphore_mem>>
      %dma_start3A = arith.constant 0 : i32
      %dma_start3A_49 = tpu.memref_slice %arg10[%add3A_40, %dma_start3A] : memref<10240x128xf32, #tpu.memory_space<vmem_shared>> -> memref<128x128xf32, #tpu.memory_space<vmem_shared>>
      %dma_start3A_50 = arith.constant 0 : i32
      %dma_start3A_51 = tpu.memref_slice %arg10[%add3A_40, %dma_start3A_50] : memref<10240x128xf32, #tpu.memory_space<vmem_shared>> -> memref<128x128xf32, #tpu.memory_space<vmem_shared>>
      tpu.enqueue_dma source(%dma_start3A_51 : memref<128x128xf32, #tpu.memory_space<vmem_shared>>) target(%arg9 : memref<128x128xf32, #tpu.memory_space<vmem>>) target_semaphore(%run_scoped3A : memref<!tpu.dma_semaphore, #tpu.memory_space<semaphore_mem>>)
      %dma_wait3A = arith.constant 0 : i32
      %dma_wait3A_52 = tpu.memref_slice %arg10[%add3A_40, %dma_wait3A] : memref<10240x128xf32, #tpu.memory_space<vmem_shared>> -> memref<128x128xf32, #tpu.memory_space<vmem_shared>>
      %dma_wait3A_53 = arith.constant 0 : i32
      %dma_wait3A_54 = tpu.memref_slice %arg10[%add3A_40, %dma_wait3A_53] : memref<10240x128xf32, #tpu.memory_space<vmem_shared>> -> memref<128x128xf32, #tpu.memory_space<vmem_shared>>
      tpu.wait_dma2 semaphore(%run_scoped3A : memref<!tpu.dma_semaphore, #tpu.memory_space<semaphore_mem>>) src(%dma_wait3A_54 : memref<128x128xf32, #tpu.memory_space<vmem_shared>>) dst(%arg9 : memref<128x128xf32, #tpu.memory_space<vmem>>)
      tpu.yield
    }) : () -> ()
    "tpu.region"() ({
      %run_scoped3A = tpu.sem_alloc : memref<!tpu.dma_semaphore, #tpu.memory_space<semaphore_mem>>
      %dma_start3A = arith.constant 0 : i32
      %dma_start3A_49 = tpu.memref_slice %arg6[%arg0, %add3A_40, %dma_start3A] : memref<2x10240x128xf32, #tpu.memory_space<hbm>> -> memref<1x128x128xf32, #tpu.memory_space<hbm>>
      %dma_start3A_50 = tpu.memref_squeeze %dma_start3A_49 : memref<1x128x128xf32, #tpu.memory_space<hbm>> -> memref<128x128xf32, #tpu.memory_space<hbm>>
      %dma_start3A_51 = arith.constant 0 : i32
      %dma_start3A_52 = tpu.memref_slice %arg6[%arg0, %add3A_40, %dma_start3A_51] : memref<2x10240x128xf32, #tpu.memory_space<hbm>> -> memref<1x128x128xf32, #tpu.memory_space<hbm>>
      %dma_start3A_53 = tpu.memref_squeeze %dma_start3A_52 : memref<1x128x128xf32, #tpu.memory_space<hbm>> -> memref<128x128xf32, #tpu.memory_space<hbm>>
      tpu.enqueue_dma source(%arg9 : memref<128x128xf32, #tpu.memory_space<vmem>>) target(%dma_start3A_53 : memref<128x128xf32, #tpu.memory_space<hbm>>) target_semaphore(%run_scoped3A : memref<!tpu.dma_semaphore, #tpu.memory_space<semaphore_mem>>)
      %dma_wait3A = arith.constant 0 : i32
      %dma_wait3A_54 = tpu.memref_slice %arg6[%arg0, %add3A_40, %dma_wait3A] : memref<2x10240x128xf32, #tpu.memory_space<hbm>> -> memref<1x128x128xf32, #tpu.memory_space<hbm>>
      %dma_wait3A_55 = tpu.memref_squeeze %dma_wait3A_54 : memref<1x128x128xf32, #tpu.memory_space<hbm>> -> memref<128x128xf32, #tpu.memory_space<hbm>>
      %dma_wait3A_56 = arith.constant 0 : i32
      %dma_wait3A_57 = tpu.memref_slice %arg6[%arg0, %add3A_40, %dma_wait3A_56] : memref<2x10240x128xf32, #tpu.memory_space<hbm>> -> memref<1x128x128xf32, #tpu.memory_space<hbm>>
      %dma_wait3A_58 = tpu.memref_squeeze %dma_wait3A_57 : memref<1x128x128xf32, #tpu.memory_space<hbm>> -> memref<128x128xf32, #tpu.memory_space<hbm>>
      tpu.wait_dma2 semaphore(%run_scoped3A : memref<!tpu.dma_semaphore, #tpu.memory_space<semaphore_mem>>) src(%arg9 : memref<128x128xf32, #tpu.memory_space<vmem>>) dst(%dma_wait3A_58 : memref<128x128xf32, #tpu.memory_space<hbm>>)
      tpu.yield
    }) : () -> ()
    %mul3A_41 = arith.constant 640 : i32
    %mul3A_42 = arith.muli %arg1, %mul3A_41 : i32
    %add3A_43 = arith.constant 384 : i32
    %add3A_44 = arith.addi %mul3A_42, %add3A_43 : i32
    "tpu.region"() ({
      %run_scoped3A = tpu.sem_alloc : memref<!tpu.dma_semaphore, #tpu.memory_space<semaphore_mem>>
      %dma_start3A = arith.constant 0 : i32
      %dma_start3A_49 = tpu.memref_slice %arg10[%add3A_44, %dma_start3A] : memref<10240x128xf32, #tpu.memory_space<vmem_shared>> -> memref<128x128xf32, #tpu.memory_space<vmem_shared>>
      %dma_start3A_50 = arith.constant 0 : i32
      %dma_start3A_51 = tpu.memref_slice %arg10[%add3A_44, %dma_start3A_50] : memref<10240x128xf32, #tpu.memory_space<vmem_shared>> -> memref<128x128xf32, #tpu.memory_space<vmem_shared>>
      tpu.enqueue_dma source(%dma_start3A_51 : memref<128x128xf32, #tpu.memory_space<vmem_shared>>) target(%arg9 : memref<128x128xf32, #tpu.memory_space<vmem>>) target_semaphore(%run_scoped3A : memref<!tpu.dma_semaphore, #tpu.memory_space<semaphore_mem>>)
      %dma_wait3A = arith.constant 0 : i32
      %dma_wait3A_52 = tpu.memref_slice %arg10[%add3A_44, %dma_wait3A] : memref<10240x128xf32, #tpu.memory_space<vmem_shared>> -> memref<128x128xf32, #tpu.memory_space<vmem_shared>>
      %dma_wait3A_53 = arith.constant 0 : i32
      %dma_wait3A_54 = tpu.memref_slice %arg10[%add3A_44, %dma_wait3A_53] : memref<10240x128xf32, #tpu.memory_space<vmem_shared>> -> memref<128x128xf32, #tpu.memory_space<vmem_shared>>
      tpu.wait_dma2 semaphore(%run_scoped3A : memref<!tpu.dma_semaphore, #tpu.memory_space<semaphore_mem>>) src(%dma_wait3A_54 : memref<128x128xf32, #tpu.memory_space<vmem_shared>>) dst(%arg9 : memref<128x128xf32, #tpu.memory_space<vmem>>)
      tpu.yield
    }) : () -> ()
    "tpu.region"() ({
      %run_scoped3A = tpu.sem_alloc : memref<!tpu.dma_semaphore, #tpu.memory_space<semaphore_mem>>
      %dma_start3A = arith.constant 0 : i32
      %dma_start3A_49 = tpu.memref_slice %arg6[%arg0, %add3A_44, %dma_start3A] : memref<2x10240x128xf32, #tpu.memory_space<hbm>> -> memref<1x128x128xf32, #tpu.memory_space<hbm>>
      %dma_start3A_50 = tpu.memref_squeeze %dma_start3A_49 : memref<1x128x128xf32, #tpu.memory_space<hbm>> -> memref<128x128xf32, #tpu.memory_space<hbm>>
      %dma_start3A_51 = arith.constant 0 : i32
      %dma_start3A_52 = tpu.memref_slice %arg6[%arg0, %add3A_44, %dma_start3A_51] : memref<2x10240x128xf32, #tpu.memory_space<hbm>> -> memref<1x128x128xf32, #tpu.memory_space<hbm>>
      %dma_start3A_53 = tpu.memref_squeeze %dma_start3A_52 : memref<1x128x128xf32, #tpu.memory_space<hbm>> -> memref<128x128xf32, #tpu.memory_space<hbm>>
      tpu.enqueue_dma source(%arg9 : memref<128x128xf32, #tpu.memory_space<vmem>>) target(%dma_start3A_53 : memref<128x128xf32, #tpu.memory_space<hbm>>) target_semaphore(%run_scoped3A : memref<!tpu.dma_semaphore, #tpu.memory_space<semaphore_mem>>)
      %dma_wait3A = arith.constant 0 : i32
      %dma_wait3A_54 = tpu.memref_slice %arg6[%arg0, %add3A_44, %dma_wait3A] : memref<2x10240x128xf32, #tpu.memory_space<hbm>> -> memref<1x128x128xf32, #tpu.memory_space<hbm>>
      %dma_wait3A_55 = tpu.memref_squeeze %dma_wait3A_54 : memref<1x128x128xf32, #tpu.memory_space<hbm>> -> memref<128x128xf32, #tpu.memory_space<hbm>>
      %dma_wait3A_56 = arith.constant 0 : i32
      %dma_wait3A_57 = tpu.memref_slice %arg6[%arg0, %add3A_44, %dma_wait3A_56] : memref<2x10240x128xf32, #tpu.memory_space<hbm>> -> memref<1x128x128xf32, #tpu.memory_space<hbm>>
      %dma_wait3A_58 = tpu.memref_squeeze %dma_wait3A_57 : memref<1x128x128xf32, #tpu.memory_space<hbm>> -> memref<128x128xf32, #tpu.memory_space<hbm>>
      tpu.wait_dma2 semaphore(%run_scoped3A : memref<!tpu.dma_semaphore, #tpu.memory_space<semaphore_mem>>) src(%arg9 : memref<128x128xf32, #tpu.memory_space<vmem>>) dst(%dma_wait3A_58 : memref<128x128xf32, #tpu.memory_space<hbm>>)
      tpu.yield
    }) : () -> ()
    %mul3A_45 = arith.constant 640 : i32
    %mul3A_46 = arith.muli %arg1, %mul3A_45 : i32
    %add3A_47 = arith.constant 512 : i32
    %add3A_48 = arith.addi %mul3A_46, %add3A_47 : i32
    "tpu.region"() ({
      %run_scoped3A = tpu.sem_alloc : memref<!tpu.dma_semaphore, #tpu.memory_space<semaphore_mem>>
      %dma_start3A = arith.constant 0 : i32
      %dma_start3A_49 = tpu.memref_slice %arg10[%add3A_48, %dma_start3A] : memref<10240x128xf32, #tpu.memory_space<vmem_shared>> -> memref<128x128xf32, #tpu.memory_space<vmem_shared>>
      %dma_start3A_50 = arith.constant 0 : i32
      %dma_start3A_51 = tpu.memref_slice %arg10[%add3A_48, %dma_start3A_50] : memref<10240x128xf32, #tpu.memory_space<vmem_shared>> -> memref<128x128xf32, #tpu.memory_space<vmem_shared>>
      tpu.enqueue_dma source(%dma_start3A_51 : memref<128x128xf32, #tpu.memory_space<vmem_shared>>) target(%arg9 : memref<128x128xf32, #tpu.memory_space<vmem>>) target_semaphore(%run_scoped3A : memref<!tpu.dma_semaphore, #tpu.memory_space<semaphore_mem>>)
      %dma_wait3A = arith.constant 0 : i32
      %dma_wait3A_52 = tpu.memref_slice %arg10[%add3A_48, %dma_wait3A] : memref<10240x128xf32, #tpu.memory_space<vmem_shared>> -> memref<128x128xf32, #tpu.memory_space<vmem_shared>>
      %dma_wait3A_53 = arith.constant 0 : i32
      %dma_wait3A_54 = tpu.memref_slice %arg10[%add3A_48, %dma_wait3A_53] : memref<10240x128xf32, #tpu.memory_space<vmem_shared>> -> memref<128x128xf32, #tpu.memory_space<vmem_shared>>
      tpu.wait_dma2 semaphore(%run_scoped3A : memref<!tpu.dma_semaphore, #tpu.memory_space<semaphore_mem>>) src(%dma_wait3A_54 : memref<128x128xf32, #tpu.memory_space<vmem_shared>>) dst(%arg9 : memref<128x128xf32, #tpu.memory_space<vmem>>)
      tpu.yield
    }) : () -> ()
    "tpu.region"() ({
      %run_scoped3A = tpu.sem_alloc : memref<!tpu.dma_semaphore, #tpu.memory_space<semaphore_mem>>
      %dma_start3A = arith.constant 0 : i32
      %dma_start3A_49 = tpu.memref_slice %arg6[%arg0, %add3A_48, %dma_start3A] : memref<2x10240x128xf32, #tpu.memory_space<hbm>> -> memref<1x128x128xf32, #tpu.memory_space<hbm>>
      %dma_start3A_50 = tpu.memref_squeeze %dma_start3A_49 : memref<1x128x128xf32, #tpu.memory_space<hbm>> -> memref<128x128xf32, #tpu.memory_space<hbm>>
      %dma_start3A_51 = arith.constant 0 : i32
      %dma_start3A_52 = tpu.memref_slice %arg6[%arg0, %add3A_48, %dma_start3A_51] : memref<2x10240x128xf32, #tpu.memory_space<hbm>> -> memref<1x128x128xf32, #tpu.memory_space<hbm>>
      %dma_start3A_53 = tpu.memref_squeeze %dma_start3A_52 : memref<1x128x128xf32, #tpu.memory_space<hbm>> -> memref<128x128xf32, #tpu.memory_space<hbm>>
      tpu.enqueue_dma source(%arg9 : memref<128x128xf32, #tpu.memory_space<vmem>>) target(%dma_start3A_53 : memref<128x128xf32, #tpu.memory_space<hbm>>) target_semaphore(%run_scoped3A : memref<!tpu.dma_semaphore, #tpu.memory_space<semaphore_mem>>)
      %dma_wait3A = arith.constant 0 : i32
      %dma_wait3A_54 = tpu.memref_slice %arg6[%arg0, %add3A_48, %dma_wait3A] : memref<2x10240x128xf32, #tpu.memory_space<hbm>> -> memref<1x128x128xf32, #tpu.memory_space<hbm>>
      %dma_wait3A_55 = tpu.memref_squeeze %dma_wait3A_54 : memref<1x128x128xf32, #tpu.memory_space<hbm>> -> memref<128x128xf32, #tpu.memory_space<hbm>>
      %dma_wait3A_56 = arith.constant 0 : i32
      %dma_wait3A_57 = tpu.memref_slice %arg6[%arg0, %add3A_48, %dma_wait3A_56] : memref<2x10240x128xf32, #tpu.memory_space<hbm>> -> memref<1x128x128xf32, #tpu.memory_space<hbm>>
      %dma_wait3A_58 = tpu.memref_squeeze %dma_wait3A_57 : memref<1x128x128xf32, #tpu.memory_space<hbm>> -> memref<128x128xf32, #tpu.memory_space<hbm>>
      tpu.wait_dma2 semaphore(%run_scoped3A : memref<!tpu.dma_semaphore, #tpu.memory_space<semaphore_mem>>) src(%arg9 : memref<128x128xf32, #tpu.memory_space<vmem>>) dst(%dma_wait3A_58 : memref<128x128xf32, #tpu.memory_space<hbm>>)
      tpu.yield
    }) : () -> ()
    return
  }
}

#map = affine_map<(d0, d1) -> (0, 0)>
#map1 = affine_map<(d0, d1) -> (0)>
#map2 = affine_map<(d0, d1) -> (0, 0, 0)>
module attributes {stable_mosaic.version = 14 : i64} {
  func.func @_sc_scatter_body(%arg0: i32, %arg1: i32, %arg2: memref<10240x128xf32, #tpu.memory_space<hbm>>, %arg3: memref<323584xi32, #tpu.memory_space<hbm>>, %arg4: memref<323584xi32, #tpu.memory_space<hbm>>, %arg5: memref<128x128xf32, #tpu.memory_space<hbm>>, %arg6: memref<2x10240x128xf32, #tpu.memory_space<hbm>>, %arg7: memref<128xi32, #tpu.memory_space<vmem>>, %arg8: memref<128xi32, #tpu.memory_space<vmem>>, %arg9: memref<128x128xf32, #tpu.memory_space<vmem>>, %arg10: memref<10240x128xf32, #tpu.memory_space<vmem_shared>>, %arg11: memref<!tpu.dma_semaphore, #tpu.memory_space<semaphore_mem>>) attributes {dimension_semantics = [#tpu.dimension_semantics<core_parallel>, #tpu.dimension_semantics<subcore_parallel>], iteration_bounds = array<i64: 2, 16>, scalar_prefetch = 0 : i64, scratch_operands = 5 : i64, tpu.core_type = #tpu.core_type<sc_vector_subcore>, window_params = [{transform_indices = #map}, {transform_indices = #map1}, {transform_indices = #map1}, {transform_indices = #map}, {transform_indices = #map2}]} {
    %mul3A = arith.constant 2 : i32
    %mul3A_0 = arith.muli %arg1, %mul3A : i32
    %add3A = arith.addi %mul3A_0, %arg0 : i32
    "tpu.region"() ({
      %run_scoped3A = tpu.sem_alloc : memref<!tpu.dma_semaphore, #tpu.memory_space<semaphore_mem>>
      tpu.enqueue_dma source(%arg5 : memref<128x128xf32, #tpu.memory_space<hbm>>) target(%arg9 : memref<128x128xf32, #tpu.memory_space<vmem>>) target_semaphore(%run_scoped3A : memref<!tpu.dma_semaphore, #tpu.memory_space<semaphore_mem>>)
      tpu.wait_dma2 semaphore(%run_scoped3A : memref<!tpu.dma_semaphore, #tpu.memory_space<semaphore_mem>>) src(%arg5 : memref<128x128xf32, #tpu.memory_space<hbm>>) dst(%arg9 : memref<128x128xf32, #tpu.memory_space<vmem>>)
      tpu.yield
    }) : () -> ()
    %mul3A_1 = arith.constant 640 : i32
    %mul3A_2 = arith.muli %arg1, %mul3A_1 : i32
    %add3A_3 = arith.constant 0 : i32
    %add3A_4 = arith.addi %mul3A_2, %add3A_3 : i32
    "tpu.region"() ({
      %run_scoped3A = tpu.sem_alloc : memref<!tpu.dma_semaphore, #tpu.memory_space<semaphore_mem>>
      %dma_start3A = arith.constant 0 : i32
      %dma_start3A_49 = tpu.memref_slice %arg10[%add3A_4, %dma_start3A] : memref<10240x128xf32, #tpu.memory_space<vmem_shared>> -> memref<128x128xf32, #tpu.memory_space<vmem_shared>>
      %dma_start3A_50 = arith.constant 0 : i32
      %dma_start3A_51 = tpu.memref_slice %arg10[%add3A_4, %dma_start3A_50] : memref<10240x128xf32, #tpu.memory_space<vmem_shared>> -> memref<128x128xf32, #tpu.memory_space<vmem_shared>>
      tpu.enqueue_dma source(%arg9 : memref<128x128xf32, #tpu.memory_space<vmem>>) target(%dma_start3A_51 : memref<128x128xf32, #tpu.memory_space<vmem_shared>>) target_semaphore(%run_scoped3A : memref<!tpu.dma_semaphore, #tpu.memory_space<semaphore_mem>>)
      %dma_wait3A = arith.constant 0 : i32
      %dma_wait3A_52 = tpu.memref_slice %arg10[%add3A_4, %dma_wait3A] : memref<10240x128xf32, #tpu.memory_space<vmem_shared>> -> memref<128x128xf32, #tpu.memory_space<vmem_shared>>
      %dma_wait3A_53 = arith.constant 0 : i32
      %dma_wait3A_54 = tpu.memref_slice %arg10[%add3A_4, %dma_wait3A_53] : memref<10240x128xf32, #tpu.memory_space<vmem_shared>> -> memref<128x128xf32, #tpu.memory_space<vmem_shared>>
      tpu.wait_dma2 semaphore(%run_scoped3A : memref<!tpu.dma_semaphore, #tpu.memory_space<semaphore_mem>>) src(%arg9 : memref<128x128xf32, #tpu.memory_space<vmem>>) dst(%dma_wait3A_54 : memref<128x128xf32, #tpu.memory_space<vmem_shared>>)
      tpu.yield
    }) : () -> ()
    %mul3A_5 = arith.constant 640 : i32
    %mul3A_6 = arith.muli %arg1, %mul3A_5 : i32
    %add3A_7 = arith.constant 128 : i32
    %add3A_8 = arith.addi %mul3A_6, %add3A_7 : i32
    "tpu.region"() ({
      %run_scoped3A = tpu.sem_alloc : memref<!tpu.dma_semaphore, #tpu.memory_space<semaphore_mem>>
      %dma_start3A = arith.constant 0 : i32
      %dma_start3A_49 = tpu.memref_slice %arg10[%add3A_8, %dma_start3A] : memref<10240x128xf32, #tpu.memory_space<vmem_shared>> -> memref<128x128xf32, #tpu.memory_space<vmem_shared>>
      %dma_start3A_50 = arith.constant 0 : i32
      %dma_start3A_51 = tpu.memref_slice %arg10[%add3A_8, %dma_start3A_50] : memref<10240x128xf32, #tpu.memory_space<vmem_shared>> -> memref<128x128xf32, #tpu.memory_space<vmem_shared>>
      tpu.enqueue_dma source(%arg9 : memref<128x128xf32, #tpu.memory_space<vmem>>) target(%dma_start3A_51 : memref<128x128xf32, #tpu.memory_space<vmem_shared>>) target_semaphore(%run_scoped3A : memref<!tpu.dma_semaphore, #tpu.memory_space<semaphore_mem>>)
      %dma_wait3A = arith.constant 0 : i32
      %dma_wait3A_52 = tpu.memref_slice %arg10[%add3A_8, %dma_wait3A] : memref<10240x128xf32, #tpu.memory_space<vmem_shared>> -> memref<128x128xf32, #tpu.memory_space<vmem_shared>>
      %dma_wait3A_53 = arith.constant 0 : i32
      %dma_wait3A_54 = tpu.memref_slice %arg10[%add3A_8, %dma_wait3A_53] : memref<10240x128xf32, #tpu.memory_space<vmem_shared>> -> memref<128x128xf32, #tpu.memory_space<vmem_shared>>
      tpu.wait_dma2 semaphore(%run_scoped3A : memref<!tpu.dma_semaphore, #tpu.memory_space<semaphore_mem>>) src(%arg9 : memref<128x128xf32, #tpu.memory_space<vmem>>) dst(%dma_wait3A_54 : memref<128x128xf32, #tpu.memory_space<vmem_shared>>)
      tpu.yield
    }) : () -> ()
    %mul3A_9 = arith.constant 640 : i32
    %mul3A_10 = arith.muli %arg1, %mul3A_9 : i32
    %add3A_11 = arith.constant 256 : i32
    %add3A_12 = arith.addi %mul3A_10, %add3A_11 : i32
    "tpu.region"() ({
      %run_scoped3A = tpu.sem_alloc : memref<!tpu.dma_semaphore, #tpu.memory_space<semaphore_mem>>
      %dma_start3A = arith.constant 0 : i32
      %dma_start3A_49 = tpu.memref_slice %arg10[%add3A_12, %dma_start3A] : memref<10240x128xf32, #tpu.memory_space<vmem_shared>> -> memref<128x128xf32, #tpu.memory_space<vmem_shared>>
      %dma_start3A_50 = arith.constant 0 : i32
      %dma_start3A_51 = tpu.memref_slice %arg10[%add3A_12, %dma_start3A_50] : memref<10240x128xf32, #tpu.memory_space<vmem_shared>> -> memref<128x128xf32, #tpu.memory_space<vmem_shared>>
      tpu.enqueue_dma source(%arg9 : memref<128x128xf32, #tpu.memory_space<vmem>>) target(%dma_start3A_51 : memref<128x128xf32, #tpu.memory_space<vmem_shared>>) target_semaphore(%run_scoped3A : memref<!tpu.dma_semaphore, #tpu.memory_space<semaphore_mem>>)
      %dma_wait3A = arith.constant 0 : i32
      %dma_wait3A_52 = tpu.memref_slice %arg10[%add3A_12, %dma_wait3A] : memref<10240x128xf32, #tpu.memory_space<vmem_shared>> -> memref<128x128xf32, #tpu.memory_space<vmem_shared>>
      %dma_wait3A_53 = arith.constant 0 : i32
      %dma_wait3A_54 = tpu.memref_slice %arg10[%add3A_12, %dma_wait3A_53] : memref<10240x128xf32, #tpu.memory_space<vmem_shared>> -> memref<128x128xf32, #tpu.memory_space<vmem_shared>>
      tpu.wait_dma2 semaphore(%run_scoped3A : memref<!tpu.dma_semaphore, #tpu.memory_space<semaphore_mem>>) src(%arg9 : memref<128x128xf32, #tpu.memory_space<vmem>>) dst(%dma_wait3A_54 : memref<128x128xf32, #tpu.memory_space<vmem_shared>>)
      tpu.yield
    }) : () -> ()
    %mul3A_13 = arith.constant 640 : i32
    %mul3A_14 = arith.muli %arg1, %mul3A_13 : i32
    %add3A_15 = arith.constant 384 : i32
    %add3A_16 = arith.addi %mul3A_14, %add3A_15 : i32
    "tpu.region"() ({
      %run_scoped3A = tpu.sem_alloc : memref<!tpu.dma_semaphore, #tpu.memory_space<semaphore_mem>>
      %dma_start3A = arith.constant 0 : i32
      %dma_start3A_49 = tpu.memref_slice %arg10[%add3A_16, %dma_start3A] : memref<10240x128xf32, #tpu.memory_space<vmem_shared>> -> memref<128x128xf32, #tpu.memory_space<vmem_shared>>
      %dma_start3A_50 = arith.constant 0 : i32
      %dma_start3A_51 = tpu.memref_slice %arg10[%add3A_16, %dma_start3A_50] : memref<10240x128xf32, #tpu.memory_space<vmem_shared>> -> memref<128x128xf32, #tpu.memory_space<vmem_shared>>
      tpu.enqueue_dma source(%arg9 : memref<128x128xf32, #tpu.memory_space<vmem>>) target(%dma_start3A_51 : memref<128x128xf32, #tpu.memory_space<vmem_shared>>) target_semaphore(%run_scoped3A : memref<!tpu.dma_semaphore, #tpu.memory_space<semaphore_mem>>)
      %dma_wait3A = arith.constant 0 : i32
      %dma_wait3A_52 = tpu.memref_slice %arg10[%add3A_16, %dma_wait3A] : memref<10240x128xf32, #tpu.memory_space<vmem_shared>> -> memref<128x128xf32, #tpu.memory_space<vmem_shared>>
      %dma_wait3A_53 = arith.constant 0 : i32
      %dma_wait3A_54 = tpu.memref_slice %arg10[%add3A_16, %dma_wait3A_53] : memref<10240x128xf32, #tpu.memory_space<vmem_shared>> -> memref<128x128xf32, #tpu.memory_space<vmem_shared>>
      tpu.wait_dma2 semaphore(%run_scoped3A : memref<!tpu.dma_semaphore, #tpu.memory_space<semaphore_mem>>) src(%arg9 : memref<128x128xf32, #tpu.memory_space<vmem>>) dst(%dma_wait3A_54 : memref<128x128xf32, #tpu.memory_space<vmem_shared>>)
      tpu.yield
    }) : () -> ()
    %mul3A_17 = arith.constant 640 : i32
    %mul3A_18 = arith.muli %arg1, %mul3A_17 : i32
    %add3A_19 = arith.constant 512 : i32
    %add3A_20 = arith.addi %mul3A_18, %add3A_19 : i32
    "tpu.region"() ({
      %run_scoped3A = tpu.sem_alloc : memref<!tpu.dma_semaphore, #tpu.memory_space<semaphore_mem>>
      %dma_start3A = arith.constant 0 : i32
      %dma_start3A_49 = tpu.memref_slice %arg10[%add3A_20, %dma_start3A] : memref<10240x128xf32, #tpu.memory_space<vmem_shared>> -> memref<128x128xf32, #tpu.memory_space<vmem_shared>>
      %dma_start3A_50 = arith.constant 0 : i32
      %dma_start3A_51 = tpu.memref_slice %arg10[%add3A_20, %dma_start3A_50] : memref<10240x128xf32, #tpu.memory_space<vmem_shared>> -> memref<128x128xf32, #tpu.memory_space<vmem_shared>>
      tpu.enqueue_dma source(%arg9 : memref<128x128xf32, #tpu.memory_space<vmem>>) target(%dma_start3A_51 : memref<128x128xf32, #tpu.memory_space<vmem_shared>>) target_semaphore(%run_scoped3A : memref<!tpu.dma_semaphore, #tpu.memory_space<semaphore_mem>>)
      %dma_wait3A = arith.constant 0 : i32
      %dma_wait3A_52 = tpu.memref_slice %arg10[%add3A_20, %dma_wait3A] : memref<10240x128xf32, #tpu.memory_space<vmem_shared>> -> memref<128x128xf32, #tpu.memory_space<vmem_shared>>
      %dma_wait3A_53 = arith.constant 0 : i32
      %dma_wait3A_54 = tpu.memref_slice %arg10[%add3A_20, %dma_wait3A_53] : memref<10240x128xf32, #tpu.memory_space<vmem_shared>> -> memref<128x128xf32, #tpu.memory_space<vmem_shared>>
      tpu.wait_dma2 semaphore(%run_scoped3A : memref<!tpu.dma_semaphore, #tpu.memory_space<semaphore_mem>>) src(%arg9 : memref<128x128xf32, #tpu.memory_space<vmem>>) dst(%dma_wait3A_54 : memref<128x128xf32, #tpu.memory_space<vmem_shared>>)
      tpu.yield
    }) : () -> ()
    %barrier3A = arith.constant 0 : index
    tpu.barrier barrier_id(%barrier3A)
    %mul3A_21 = arith.constant 10112 : i32
    %mul3A_22 = arith.muli %add3A, %mul3A_21 : i32
    %scan3A = arith.constant 0 : i32
    %scan3A_23 = arith.constant 0 : i32
    %scan3A_24 = arith.constant 79 : i32
    %scan3A_25 = arith.addi %scan3A_23, %scan3A_24 : i32
    %scan3A_26 = arith.constant 1 : i32
    scf.for %scan3A_49 = %scan3A_23 to %scan3A_25 step %scan3A_26  : i32 {
      %mul3A_50 = arith.constant 128 : i32
      %mul3A_51 = arith.muli %scan3A_49, %mul3A_50 : i32
      %add3A_52 = arith.addi %mul3A_22, %mul3A_51 : i32
      "tpu.region"() ({
        %run_scoped3A = tpu.sem_alloc : memref<!tpu.dma_semaphore, #tpu.memory_space<semaphore_mem>>
        %dma_start3A_57 = tpu.memref_slice %arg3[%add3A_52] : memref<323584xi32, #tpu.memory_space<hbm>> -> memref<128xi32, #tpu.memory_space<hbm>>
        %dma_start3A_58 = tpu.memref_slice %arg3[%add3A_52] : memref<323584xi32, #tpu.memory_space<hbm>> -> memref<128xi32, #tpu.memory_space<hbm>>
        tpu.enqueue_dma source(%dma_start3A_58 : memref<128xi32, #tpu.memory_space<hbm>>) target(%arg7 : memref<128xi32, #tpu.memory_space<vmem>>) target_semaphore(%run_scoped3A : memref<!tpu.dma_semaphore, #tpu.memory_space<semaphore_mem>>)
        %dma_wait3A_59 = tpu.memref_slice %arg3[%add3A_52] : memref<323584xi32, #tpu.memory_space<hbm>> -> memref<128xi32, #tpu.memory_space<hbm>>
        %dma_wait3A_60 = tpu.memref_slice %arg3[%add3A_52] : memref<323584xi32, #tpu.memory_space<hbm>> -> memref<128xi32, #tpu.memory_space<hbm>>
        tpu.wait_dma2 semaphore(%run_scoped3A : memref<!tpu.dma_semaphore, #tpu.memory_space<semaphore_mem>>) src(%dma_wait3A_60 : memref<128xi32, #tpu.memory_space<hbm>>) dst(%arg7 : memref<128xi32, #tpu.memory_space<vmem>>)
        tpu.yield
      }) : () -> ()
      %dma_start3A = arith.constant 0 : i32
      %dma_start3A_53 = arith.constant 0 : i32
      %dma_start3A_54 = tpu.memref_slice %arg2[%dma_start3A, %dma_start3A_53] : memref<10240x128xf32, #tpu.memory_space<hbm>> -> memref<10240x128xf32, #tpu.memory_space<hbm>>
      tpu.enqueue_indirect_dma source(%dma_start3A_54 : memref<10240x128xf32, #tpu.memory_space<hbm>>) target(%arg9 : memref<128x128xf32, #tpu.memory_space<vmem>>) offsets(%arg7 : memref<128xi32, #tpu.memory_space<vmem>>) semaphore(%arg11 : memref<!tpu.dma_semaphore, #tpu.memory_space<semaphore_mem>>)
      %dma_wait3A = arith.constant 0 : i32
      %dma_wait3A_55 = arith.constant 0 : i32
      %dma_wait3A_56 = tpu.memref_slice %arg2[%dma_wait3A, %dma_wait3A_55] : memref<10240x128xf32, #tpu.memory_space<hbm>> -> memref<10240x128xf32, #tpu.memory_space<hbm>>
      tpu.wait_indirect_dma semaphore(%arg11 : memref<!tpu.dma_semaphore, #tpu.memory_space<semaphore_mem>>) src(%dma_wait3A_56 : memref<10240x128xf32, #tpu.memory_space<hbm>>) dst(%arg9 : memref<128x128xf32, #tpu.memory_space<vmem>>)
      "tpu.region"() ({
        %run_scoped3A = tpu.sem_alloc : memref<!tpu.dma_semaphore, #tpu.memory_space<semaphore_mem>>
        %dma_start3A_57 = tpu.memref_slice %arg4[%add3A_52] : memref<323584xi32, #tpu.memory_space<hbm>> -> memref<128xi32, #tpu.memory_space<hbm>>
        %dma_start3A_58 = tpu.memref_slice %arg4[%add3A_52] : memref<323584xi32, #tpu.memory_space<hbm>> -> memref<128xi32, #tpu.memory_space<hbm>>
        tpu.enqueue_dma source(%dma_start3A_58 : memref<128xi32, #tpu.memory_space<hbm>>) target(%arg8 : memref<128xi32, #tpu.memory_space<vmem>>) target_semaphore(%run_scoped3A : memref<!tpu.dma_semaphore, #tpu.memory_space<semaphore_mem>>)
        %dma_wait3A_59 = tpu.memref_slice %arg4[%add3A_52] : memref<323584xi32, #tpu.memory_space<hbm>> -> memref<128xi32, #tpu.memory_space<hbm>>
        %dma_wait3A_60 = tpu.memref_slice %arg4[%add3A_52] : memref<323584xi32, #tpu.memory_space<hbm>> -> memref<128xi32, #tpu.memory_space<hbm>>
        tpu.wait_dma2 semaphore(%run_scoped3A : memref<!tpu.dma_semaphore, #tpu.memory_space<semaphore_mem>>) src(%dma_wait3A_60 : memref<128xi32, #tpu.memory_space<hbm>>) dst(%arg8 : memref<128xi32, #tpu.memory_space<vmem>>)
        tpu.yield
      }) : () -> ()
      "tpu.region"() ({
        %run_scoped3A = tpu.sem_alloc : memref<!tpu.dma_semaphore, #tpu.memory_space<semaphore_mem>>
        %dma_start3A_57 = arith.constant 0 : i32
        %dma_start3A_58 = arith.constant 0 : i32
        %dma_start3A_59 = tpu.memref_slice %arg10[%dma_start3A_57, %dma_start3A_58] : memref<10240x128xf32, #tpu.memory_space<vmem_shared>> -> memref<10240x128xf32, #tpu.memory_space<vmem_shared>>
        tpu.enqueue_indirect_dma source(%arg9 : memref<128x128xf32, #tpu.memory_space<vmem>>) target(%dma_start3A_59 : memref<10240x128xf32, #tpu.memory_space<vmem_shared>>) offsets(%arg8 : memref<128xi32, #tpu.memory_space<vmem>>) semaphore(%run_scoped3A : memref<!tpu.dma_semaphore, #tpu.memory_space<semaphore_mem>>) {add = true}
        %dma_wait3A_60 = arith.constant 0 : i32
        %dma_wait3A_61 = arith.constant 0 : i32
        %dma_wait3A_62 = tpu.memref_slice %arg10[%dma_wait3A_60, %dma_wait3A_61] : memref<10240x128xf32, #tpu.memory_space<vmem_shared>> -> memref<10240x128xf32, #tpu.memory_space<vmem_shared>>
        tpu.wait_indirect_dma semaphore(%run_scoped3A : memref<!tpu.dma_semaphore, #tpu.memory_space<semaphore_mem>>) src(%arg9 : memref<128x128xf32, #tpu.memory_space<vmem>>) dst(%dma_wait3A_62 : memref<10240x128xf32, #tpu.memory_space<vmem_shared>>)
        tpu.yield
      }) : () -> ()
    }
    %scan3A_27 = arith.constant 79 : i32
    %barrier3A_28 = arith.constant 0 : index
    tpu.barrier barrier_id(%barrier3A_28)
    %mul3A_29 = arith.constant 640 : i32
    %mul3A_30 = arith.muli %arg1, %mul3A_29 : i32
    %add3A_31 = arith.constant 0 : i32
    %add3A_32 = arith.addi %mul3A_30, %add3A_31 : i32
    "tpu.region"() ({
      %run_scoped3A = tpu.sem_alloc : memref<!tpu.dma_semaphore, #tpu.memory_space<semaphore_mem>>
      %dma_start3A = arith.constant 0 : i32
      %dma_start3A_49 = tpu.memref_slice %arg10[%add3A_32, %dma_start3A] : memref<10240x128xf32, #tpu.memory_space<vmem_shared>> -> memref<128x128xf32, #tpu.memory_space<vmem_shared>>
      %dma_start3A_50 = arith.constant 0 : i32
      %dma_start3A_51 = tpu.memref_slice %arg10[%add3A_32, %dma_start3A_50] : memref<10240x128xf32, #tpu.memory_space<vmem_shared>> -> memref<128x128xf32, #tpu.memory_space<vmem_shared>>
      tpu.enqueue_dma source(%dma_start3A_51 : memref<128x128xf32, #tpu.memory_space<vmem_shared>>) target(%arg9 : memref<128x128xf32, #tpu.memory_space<vmem>>) target_semaphore(%run_scoped3A : memref<!tpu.dma_semaphore, #tpu.memory_space<semaphore_mem>>)
      %dma_wait3A = arith.constant 0 : i32
      %dma_wait3A_52 = tpu.memref_slice %arg10[%add3A_32, %dma_wait3A] : memref<10240x128xf32, #tpu.memory_space<vmem_shared>> -> memref<128x128xf32, #tpu.memory_space<vmem_shared>>
      %dma_wait3A_53 = arith.constant 0 : i32
      %dma_wait3A_54 = tpu.memref_slice %arg10[%add3A_32, %dma_wait3A_53] : memref<10240x128xf32, #tpu.memory_space<vmem_shared>> -> memref<128x128xf32, #tpu.memory_space<vmem_shared>>
      tpu.wait_dma2 semaphore(%run_scoped3A : memref<!tpu.dma_semaphore, #tpu.memory_space<semaphore_mem>>) src(%dma_wait3A_54 : memref<128x128xf32, #tpu.memory_space<vmem_shared>>) dst(%arg9 : memref<128x128xf32, #tpu.memory_space<vmem>>)
      tpu.yield
    }) : () -> ()
    "tpu.region"() ({
      %run_scoped3A = tpu.sem_alloc : memref<!tpu.dma_semaphore, #tpu.memory_space<semaphore_mem>>
      %dma_start3A = arith.constant 0 : i32
      %dma_start3A_49 = tpu.memref_slice %arg6[%arg0, %add3A_32, %dma_start3A] : memref<2x10240x128xf32, #tpu.memory_space<hbm>> -> memref<1x128x128xf32, #tpu.memory_space<hbm>>
      %dma_start3A_50 = tpu.memref_squeeze %dma_start3A_49 : memref<1x128x128xf32, #tpu.memory_space<hbm>> -> memref<128x128xf32, #tpu.memory_space<hbm>>
      %dma_start3A_51 = arith.constant 0 : i32
      %dma_start3A_52 = tpu.memref_slice %arg6[%arg0, %add3A_32, %dma_start3A_51] : memref<2x10240x128xf32, #tpu.memory_space<hbm>> -> memref<1x128x128xf32, #tpu.memory_space<hbm>>
      %dma_start3A_53 = tpu.memref_squeeze %dma_start3A_52 : memref<1x128x128xf32, #tpu.memory_space<hbm>> -> memref<128x128xf32, #tpu.memory_space<hbm>>
      tpu.enqueue_dma source(%arg9 : memref<128x128xf32, #tpu.memory_space<vmem>>) target(%dma_start3A_53 : memref<128x128xf32, #tpu.memory_space<hbm>>) target_semaphore(%run_scoped3A : memref<!tpu.dma_semaphore, #tpu.memory_space<semaphore_mem>>)
      %dma_wait3A = arith.constant 0 : i32
      %dma_wait3A_54 = tpu.memref_slice %arg6[%arg0, %add3A_32, %dma_wait3A] : memref<2x10240x128xf32, #tpu.memory_space<hbm>> -> memref<1x128x128xf32, #tpu.memory_space<hbm>>
      %dma_wait3A_55 = tpu.memref_squeeze %dma_wait3A_54 : memref<1x128x128xf32, #tpu.memory_space<hbm>> -> memref<128x128xf32, #tpu.memory_space<hbm>>
      %dma_wait3A_56 = arith.constant 0 : i32
      %dma_wait3A_57 = tpu.memref_slice %arg6[%arg0, %add3A_32, %dma_wait3A_56] : memref<2x10240x128xf32, #tpu.memory_space<hbm>> -> memref<1x128x128xf32, #tpu.memory_space<hbm>>
      %dma_wait3A_58 = tpu.memref_squeeze %dma_wait3A_57 : memref<1x128x128xf32, #tpu.memory_space<hbm>> -> memref<128x128xf32, #tpu.memory_space<hbm>>
      tpu.wait_dma2 semaphore(%run_scoped3A : memref<!tpu.dma_semaphore, #tpu.memory_space<semaphore_mem>>) src(%arg9 : memref<128x128xf32, #tpu.memory_space<vmem>>) dst(%dma_wait3A_58 : memref<128x128xf32, #tpu.memory_space<hbm>>)
      tpu.yield
    }) : () -> ()
    %mul3A_33 = arith.constant 640 : i32
    %mul3A_34 = arith.muli %arg1, %mul3A_33 : i32
    %add3A_35 = arith.constant 128 : i32
    %add3A_36 = arith.addi %mul3A_34, %add3A_35 : i32
    "tpu.region"() ({
      %run_scoped3A = tpu.sem_alloc : memref<!tpu.dma_semaphore, #tpu.memory_space<semaphore_mem>>
      %dma_start3A = arith.constant 0 : i32
      %dma_start3A_49 = tpu.memref_slice %arg10[%add3A_36, %dma_start3A] : memref<10240x128xf32, #tpu.memory_space<vmem_shared>> -> memref<128x128xf32, #tpu.memory_space<vmem_shared>>
      %dma_start3A_50 = arith.constant 0 : i32
      %dma_start3A_51 = tpu.memref_slice %arg10[%add3A_36, %dma_start3A_50] : memref<10240x128xf32, #tpu.memory_space<vmem_shared>> -> memref<128x128xf32, #tpu.memory_space<vmem_shared>>
      tpu.enqueue_dma source(%dma_start3A_51 : memref<128x128xf32, #tpu.memory_space<vmem_shared>>) target(%arg9 : memref<128x128xf32, #tpu.memory_space<vmem>>) target_semaphore(%run_scoped3A : memref<!tpu.dma_semaphore, #tpu.memory_space<semaphore_mem>>)
      %dma_wait3A = arith.constant 0 : i32
      %dma_wait3A_52 = tpu.memref_slice %arg10[%add3A_36, %dma_wait3A] : memref<10240x128xf32, #tpu.memory_space<vmem_shared>> -> memref<128x128xf32, #tpu.memory_space<vmem_shared>>
      %dma_wait3A_53 = arith.constant 0 : i32
      %dma_wait3A_54 = tpu.memref_slice %arg10[%add3A_36, %dma_wait3A_53] : memref<10240x128xf32, #tpu.memory_space<vmem_shared>> -> memref<128x128xf32, #tpu.memory_space<vmem_shared>>
      tpu.wait_dma2 semaphore(%run_scoped3A : memref<!tpu.dma_semaphore, #tpu.memory_space<semaphore_mem>>) src(%dma_wait3A_54 : memref<128x128xf32, #tpu.memory_space<vmem_shared>>) dst(%arg9 : memref<128x128xf32, #tpu.memory_space<vmem>>)
      tpu.yield
    }) : () -> ()
    "tpu.region"() ({
      %run_scoped3A = tpu.sem_alloc : memref<!tpu.dma_semaphore, #tpu.memory_space<semaphore_mem>>
      %dma_start3A = arith.constant 0 : i32
      %dma_start3A_49 = tpu.memref_slice %arg6[%arg0, %add3A_36, %dma_start3A] : memref<2x10240x128xf32, #tpu.memory_space<hbm>> -> memref<1x128x128xf32, #tpu.memory_space<hbm>>
      %dma_start3A_50 = tpu.memref_squeeze %dma_start3A_49 : memref<1x128x128xf32, #tpu.memory_space<hbm>> -> memref<128x128xf32, #tpu.memory_space<hbm>>
      %dma_start3A_51 = arith.constant 0 : i32
      %dma_start3A_52 = tpu.memref_slice %arg6[%arg0, %add3A_36, %dma_start3A_51] : memref<2x10240x128xf32, #tpu.memory_space<hbm>> -> memref<1x128x128xf32, #tpu.memory_space<hbm>>
      %dma_start3A_53 = tpu.memref_squeeze %dma_start3A_52 : memref<1x128x128xf32, #tpu.memory_space<hbm>> -> memref<128x128xf32, #tpu.memory_space<hbm>>
      tpu.enqueue_dma source(%arg9 : memref<128x128xf32, #tpu.memory_space<vmem>>) target(%dma_start3A_53 : memref<128x128xf32, #tpu.memory_space<hbm>>) target_semaphore(%run_scoped3A : memref<!tpu.dma_semaphore, #tpu.memory_space<semaphore_mem>>)
      %dma_wait3A = arith.constant 0 : i32
      %dma_wait3A_54 = tpu.memref_slice %arg6[%arg0, %add3A_36, %dma_wait3A] : memref<2x10240x128xf32, #tpu.memory_space<hbm>> -> memref<1x128x128xf32, #tpu.memory_space<hbm>>
      %dma_wait3A_55 = tpu.memref_squeeze %dma_wait3A_54 : memref<1x128x128xf32, #tpu.memory_space<hbm>> -> memref<128x128xf32, #tpu.memory_space<hbm>>
      %dma_wait3A_56 = arith.constant 0 : i32
      %dma_wait3A_57 = tpu.memref_slice %arg6[%arg0, %add3A_36, %dma_wait3A_56] : memref<2x10240x128xf32, #tpu.memory_space<hbm>> -> memref<1x128x128xf32, #tpu.memory_space<hbm>>
      %dma_wait3A_58 = tpu.memref_squeeze %dma_wait3A_57 : memref<1x128x128xf32, #tpu.memory_space<hbm>> -> memref<128x128xf32, #tpu.memory_space<hbm>>
      tpu.wait_dma2 semaphore(%run_scoped3A : memref<!tpu.dma_semaphore, #tpu.memory_space<semaphore_mem>>) src(%arg9 : memref<128x128xf32, #tpu.memory_space<vmem>>) dst(%dma_wait3A_58 : memref<128x128xf32, #tpu.memory_space<hbm>>)
      tpu.yield
    }) : () -> ()
    %mul3A_37 = arith.constant 640 : i32
    %mul3A_38 = arith.muli %arg1, %mul3A_37 : i32
    %add3A_39 = arith.constant 256 : i32
    %add3A_40 = arith.addi %mul3A_38, %add3A_39 : i32
    "tpu.region"() ({
      %run_scoped3A = tpu.sem_alloc : memref<!tpu.dma_semaphore, #tpu.memory_space<semaphore_mem>>
      %dma_start3A = arith.constant 0 : i32
      %dma_start3A_49 = tpu.memref_slice %arg10[%add3A_40, %dma_start3A] : memref<10240x128xf32, #tpu.memory_space<vmem_shared>> -> memref<128x128xf32, #tpu.memory_space<vmem_shared>>
      %dma_start3A_50 = arith.constant 0 : i32
      %dma_start3A_51 = tpu.memref_slice %arg10[%add3A_40, %dma_start3A_50] : memref<10240x128xf32, #tpu.memory_space<vmem_shared>> -> memref<128x128xf32, #tpu.memory_space<vmem_shared>>
      tpu.enqueue_dma source(%dma_start3A_51 : memref<128x128xf32, #tpu.memory_space<vmem_shared>>) target(%arg9 : memref<128x128xf32, #tpu.memory_space<vmem>>) target_semaphore(%run_scoped3A : memref<!tpu.dma_semaphore, #tpu.memory_space<semaphore_mem>>)
      %dma_wait3A = arith.constant 0 : i32
      %dma_wait3A_52 = tpu.memref_slice %arg10[%add3A_40, %dma_wait3A] : memref<10240x128xf32, #tpu.memory_space<vmem_shared>> -> memref<128x128xf32, #tpu.memory_space<vmem_shared>>
      %dma_wait3A_53 = arith.constant 0 : i32
      %dma_wait3A_54 = tpu.memref_slice %arg10[%add3A_40, %dma_wait3A_53] : memref<10240x128xf32, #tpu.memory_space<vmem_shared>> -> memref<128x128xf32, #tpu.memory_space<vmem_shared>>
      tpu.wait_dma2 semaphore(%run_scoped3A : memref<!tpu.dma_semaphore, #tpu.memory_space<semaphore_mem>>) src(%dma_wait3A_54 : memref<128x128xf32, #tpu.memory_space<vmem_shared>>) dst(%arg9 : memref<128x128xf32, #tpu.memory_space<vmem>>)
      tpu.yield
    }) : () -> ()
    "tpu.region"() ({
      %run_scoped3A = tpu.sem_alloc : memref<!tpu.dma_semaphore, #tpu.memory_space<semaphore_mem>>
      %dma_start3A = arith.constant 0 : i32
      %dma_start3A_49 = tpu.memref_slice %arg6[%arg0, %add3A_40, %dma_start3A] : memref<2x10240x128xf32, #tpu.memory_space<hbm>> -> memref<1x128x128xf32, #tpu.memory_space<hbm>>
      %dma_start3A_50 = tpu.memref_squeeze %dma_start3A_49 : memref<1x128x128xf32, #tpu.memory_space<hbm>> -> memref<128x128xf32, #tpu.memory_space<hbm>>
      %dma_start3A_51 = arith.constant 0 : i32
      %dma_start3A_52 = tpu.memref_slice %arg6[%arg0, %add3A_40, %dma_start3A_51] : memref<2x10240x128xf32, #tpu.memory_space<hbm>> -> memref<1x128x128xf32, #tpu.memory_space<hbm>>
      %dma_start3A_53 = tpu.memref_squeeze %dma_start3A_52 : memref<1x128x128xf32, #tpu.memory_space<hbm>> -> memref<128x128xf32, #tpu.memory_space<hbm>>
      tpu.enqueue_dma source(%arg9 : memref<128x128xf32, #tpu.memory_space<vmem>>) target(%dma_start3A_53 : memref<128x128xf32, #tpu.memory_space<hbm>>) target_semaphore(%run_scoped3A : memref<!tpu.dma_semaphore, #tpu.memory_space<semaphore_mem>>)
      %dma_wait3A = arith.constant 0 : i32
      %dma_wait3A_54 = tpu.memref_slice %arg6[%arg0, %add3A_40, %dma_wait3A] : memref<2x10240x128xf32, #tpu.memory_space<hbm>> -> memref<1x128x128xf32, #tpu.memory_space<hbm>>
      %dma_wait3A_55 = tpu.memref_squeeze %dma_wait3A_54 : memref<1x128x128xf32, #tpu.memory_space<hbm>> -> memref<128x128xf32, #tpu.memory_space<hbm>>
      %dma_wait3A_56 = arith.constant 0 : i32
      %dma_wait3A_57 = tpu.memref_slice %arg6[%arg0, %add3A_40, %dma_wait3A_56] : memref<2x10240x128xf32, #tpu.memory_space<hbm>> -> memref<1x128x128xf32, #tpu.memory_space<hbm>>
      %dma_wait3A_58 = tpu.memref_squeeze %dma_wait3A_57 : memref<1x128x128xf32, #tpu.memory_space<hbm>> -> memref<128x128xf32, #tpu.memory_space<hbm>>
      tpu.wait_dma2 semaphore(%run_scoped3A : memref<!tpu.dma_semaphore, #tpu.memory_space<semaphore_mem>>) src(%arg9 : memref<128x128xf32, #tpu.memory_space<vmem>>) dst(%dma_wait3A_58 : memref<128x128xf32, #tpu.memory_space<hbm>>)
      tpu.yield
    }) : () -> ()
    %mul3A_41 = arith.constant 640 : i32
    %mul3A_42 = arith.muli %arg1, %mul3A_41 : i32
    %add3A_43 = arith.constant 384 : i32
    %add3A_44 = arith.addi %mul3A_42, %add3A_43 : i32
    "tpu.region"() ({
      %run_scoped3A = tpu.sem_alloc : memref<!tpu.dma_semaphore, #tpu.memory_space<semaphore_mem>>
      %dma_start3A = arith.constant 0 : i32
      %dma_start3A_49 = tpu.memref_slice %arg10[%add3A_44, %dma_start3A] : memref<10240x128xf32, #tpu.memory_space<vmem_shared>> -> memref<128x128xf32, #tpu.memory_space<vmem_shared>>
      %dma_start3A_50 = arith.constant 0 : i32
      %dma_start3A_51 = tpu.memref_slice %arg10[%add3A_44, %dma_start3A_50] : memref<10240x128xf32, #tpu.memory_space<vmem_shared>> -> memref<128x128xf32, #tpu.memory_space<vmem_shared>>
      tpu.enqueue_dma source(%dma_start3A_51 : memref<128x128xf32, #tpu.memory_space<vmem_shared>>) target(%arg9 : memref<128x128xf32, #tpu.memory_space<vmem>>) target_semaphore(%run_scoped3A : memref<!tpu.dma_semaphore, #tpu.memory_space<semaphore_mem>>)
      %dma_wait3A = arith.constant 0 : i32
      %dma_wait3A_52 = tpu.memref_slice %arg10[%add3A_44, %dma_wait3A] : memref<10240x128xf32, #tpu.memory_space<vmem_shared>> -> memref<128x128xf32, #tpu.memory_space<vmem_shared>>
      %dma_wait3A_53 = arith.constant 0 : i32
      %dma_wait3A_54 = tpu.memref_slice %arg10[%add3A_44, %dma_wait3A_53] : memref<10240x128xf32, #tpu.memory_space<vmem_shared>> -> memref<128x128xf32, #tpu.memory_space<vmem_shared>>
      tpu.wait_dma2 semaphore(%run_scoped3A : memref<!tpu.dma_semaphore, #tpu.memory_space<semaphore_mem>>) src(%dma_wait3A_54 : memref<128x128xf32, #tpu.memory_space<vmem_shared>>) dst(%arg9 : memref<128x128xf32, #tpu.memory_space<vmem>>)
      tpu.yield
    }) : () -> ()
    "tpu.region"() ({
      %run_scoped3A = tpu.sem_alloc : memref<!tpu.dma_semaphore, #tpu.memory_space<semaphore_mem>>
      %dma_start3A = arith.constant 0 : i32
      %dma_start3A_49 = tpu.memref_slice %arg6[%arg0, %add3A_44, %dma_start3A] : memref<2x10240x128xf32, #tpu.memory_space<hbm>> -> memref<1x128x128xf32, #tpu.memory_space<hbm>>
      %dma_start3A_50 = tpu.memref_squeeze %dma_start3A_49 : memref<1x128x128xf32, #tpu.memory_space<hbm>> -> memref<128x128xf32, #tpu.memory_space<hbm>>
      %dma_start3A_51 = arith.constant 0 : i32
      %dma_start3A_52 = tpu.memref_slice %arg6[%arg0, %add3A_44, %dma_start3A_51] : memref<2x10240x128xf32, #tpu.memory_space<hbm>> -> memref<1x128x128xf32, #tpu.memory_space<hbm>>
      %dma_start3A_53 = tpu.memref_squeeze %dma_start3A_52 : memref<1x128x128xf32, #tpu.memory_space<hbm>> -> memref<128x128xf32, #tpu.memory_space<hbm>>
      tpu.enqueue_dma source(%arg9 : memref<128x128xf32, #tpu.memory_space<vmem>>) target(%dma_start3A_53 : memref<128x128xf32, #tpu.memory_space<hbm>>) target_semaphore(%run_scoped3A : memref<!tpu.dma_semaphore, #tpu.memory_space<semaphore_mem>>)
      %dma_wait3A = arith.constant 0 : i32
      %dma_wait3A_54 = tpu.memref_slice %arg6[%arg0, %add3A_44, %dma_wait3A] : memref<2x10240x128xf32, #tpu.memory_space<hbm>> -> memref<1x128x128xf32, #tpu.memory_space<hbm>>
      %dma_wait3A_55 = tpu.memref_squeeze %dma_wait3A_54 : memref<1x128x128xf32, #tpu.memory_space<hbm>> -> memref<128x128xf32, #tpu.memory_space<hbm>>
      %dma_wait3A_56 = arith.constant 0 : i32
      %dma_wait3A_57 = tpu.memref_slice %arg6[%arg0, %add3A_44, %dma_wait3A_56] : memref<2x10240x128xf32, #tpu.memory_space<hbm>> -> memref<1x128x128xf32, #tpu.memory_space<hbm>>
      %dma_wait3A_58 = tpu.memref_squeeze %dma_wait3A_57 : memref<1x128x128xf32, #tpu.memory_space<hbm>> -> memref<128x128xf32, #tpu.memory_space<hbm>>
      tpu.wait_dma2 semaphore(%run_scoped3A : memref<!tpu.dma_semaphore, #tpu.memory_space<semaphore_mem>>) src(%arg9 : memref<128x128xf32, #tpu.memory_space<vmem>>) dst(%dma_wait3A_58 : memref<128x128xf32, #tpu.memory_space<hbm>>)
      tpu.yield
    }) : () -> ()
    %mul3A_45 = arith.constant 640 : i32
    %mul3A_46 = arith.muli %arg1, %mul3A_45 : i32
    %add3A_47 = arith.constant 512 : i32
    %add3A_48 = arith.addi %mul3A_46, %add3A_47 : i32
    "tpu.region"() ({
      %run_scoped3A = tpu.sem_alloc : memref<!tpu.dma_semaphore, #tpu.memory_space<semaphore_mem>>
      %dma_start3A = arith.constant 0 : i32
      %dma_start3A_49 = tpu.memref_slice %arg10[%add3A_48, %dma_start3A] : memref<10240x128xf32, #tpu.memory_space<vmem_shared>> -> memref<128x128xf32, #tpu.memory_space<vmem_shared>>
      %dma_start3A_50 = arith.constant 0 : i32
      %dma_start3A_51 = tpu.memref_slice %arg10[%add3A_48, %dma_start3A_50] : memref<10240x128xf32, #tpu.memory_space<vmem_shared>> -> memref<128x128xf32, #tpu.memory_space<vmem_shared>>
      tpu.enqueue_dma source(%dma_start3A_51 : memref<128x128xf32, #tpu.memory_space<vmem_shared>>) target(%arg9 : memref<128x128xf32, #tpu.memory_space<vmem>>) target_semaphore(%run_scoped3A : memref<!tpu.dma_semaphore, #tpu.memory_space<semaphore_mem>>)
      %dma_wait3A = arith.constant 0 : i32
      %dma_wait3A_52 = tpu.memref_slice %arg10[%add3A_48, %dma_wait3A] : memref<10240x128xf32, #tpu.memory_space<vmem_shared>> -> memref<128x128xf32, #tpu.memory_space<vmem_shared>>
      %dma_wait3A_53 = arith.constant 0 : i32
      %dma_wait3A_54 = tpu.memref_slice %arg10[%add3A_48, %dma_wait3A_53] : memref<10240x128xf32, #tpu.memory_space<vmem_shared>> -> memref<128x128xf32, #tpu.memory_space<vmem_shared>>
      tpu.wait_dma2 semaphore(%run_scoped3A : memref<!tpu.dma_semaphore, #tpu.memory_space<semaphore_mem>>) src(%dma_wait3A_54 : memref<128x128xf32, #tpu.memory_space<vmem_shared>>) dst(%arg9 : memref<128x128xf32, #tpu.memory_space<vmem>>)
      tpu.yield
    }) : () -> ()
    "tpu.region"() ({
      %run_scoped3A = tpu.sem_alloc : memref<!tpu.dma_semaphore, #tpu.memory_space<semaphore_mem>>
      %dma_start3A = arith.constant 0 : i32
      %dma_start3A_49 = tpu.memref_slice %arg6[%arg0, %add3A_48, %dma_start3A] : memref<2x10240x128xf32, #tpu.memory_space<hbm>> -> memref<1x128x128xf32, #tpu.memory_space<hbm>>
      %dma_start3A_50 = tpu.memref_squeeze %dma_start3A_49 : memref<1x128x128xf32, #tpu.memory_space<hbm>> -> memref<128x128xf32, #tpu.memory_space<hbm>>
      %dma_start3A_51 = arith.constant 0 : i32
      %dma_start3A_52 = tpu.memref_slice %arg6[%arg0, %add3A_48, %dma_start3A_51] : memref<2x10240x128xf32, #tpu.memory_space<hbm>> -> memref<1x128x128xf32, #tpu.memory_space<hbm>>
      %dma_start3A_53 = tpu.memref_squeeze %dma_start3A_52 : memref<1x128x128xf32, #tpu.memory_space<hbm>> -> memref<128x128xf32, #tpu.memory_space<hbm>>
      tpu.enqueue_dma source(%arg9 : memref<128x128xf32, #tpu.memory_space<vmem>>) target(%dma_start3A_53 : memref<128x128xf32, #tpu.memory_space<hbm>>) target_semaphore(%run_scoped3A : memref<!tpu.dma_semaphore, #tpu.memory_space<semaphore_mem>>)
      %dma_wait3A = arith.constant 0 : i32
      %dma_wait3A_54 = tpu.memref_slice %arg6[%arg0, %add3A_48, %dma_wait3A] : memref<2x10240x128xf32, #tpu.memory_space<hbm>> -> memref<1x128x128xf32, #tpu.memory_space<hbm>>
      %dma_wait3A_55 = tpu.memref_squeeze %dma_wait3A_54 : memref<1x128x128xf32, #tpu.memory_space<hbm>> -> memref<128x128xf32, #tpu.memory_space<hbm>>
      %dma_wait3A_56 = arith.constant 0 : i32
      %dma_wait3A_57 = tpu.memref_slice %arg6[%arg0, %add3A_48, %dma_wait3A_56] : memref<2x10240x128xf32, #tpu.memory_space<hbm>> -> memref<1x128x128xf32, #tpu.memory_space<hbm>>
      %dma_wait3A_58 = tpu.memref_squeeze %dma_wait3A_57 : memref<1x128x128xf32, #tpu.memory_space<hbm>> -> memref<128x128xf32, #tpu.memory_space<hbm>>
      tpu.wait_dma2 semaphore(%run_scoped3A : memref<!tpu.dma_semaphore, #tpu.memory_space<semaphore_mem>>) src(%arg9 : memref<128x128xf32, #tpu.memory_space<vmem>>) dst(%dma_wait3A_58 : memref<128x128xf32, #tpu.memory_space<hbm>>)
      tpu.yield
    }) : () -> ()
    return
  }
}

module attributes {stable_mosaic.version = 14 : i64} {
  func.func @_t0_body(%arg0: i32, %arg1: memref<128x128xf32, #tpu.memory_space<vmem>>, %arg2: memref<128x128xf32, #tpu.memory_space<vmem>>, %arg3: memref<128x128xf32, #tpu.memory_space<vmem>>, %arg4: memref<128x128xf32, #tpu.memory_space<vmem>>, %arg5: memref<128x128xf32, #tpu.memory_space<vmem>>) attributes {dimension_semantics = [#tpu.dimension_semantics<arbitrary>], iteration_bounds = array<i64: 80>, scalar_prefetch = 0 : i64, scratch_operands = 0 : i64, tpu.core_type = #tpu.core_type<tc>, window_params = [{transform_indices = @transform_0, window_bounds = array<i64: 128, 128>}, {pipeline_mode = #tpu.pipeline_mode<synchronous>, transform_indices = @transform_1, window_bounds = array<i64: 128, 128>}, {transform_indices = @transform_2, window_bounds = array<i64: 128, 128>}, {transform_indices = @transform_3, window_bounds = array<i64: 128, 128>}, {transform_indices = @transform_4, window_bounds = array<i64: 128, 128>}]} {
    %get3A = arith.constant 0 : index
    %get3A_0 = arith.constant 0 : index
    %get3A_1 = vector.load %arg3[%get3A, %get3A_0] : memref<128x128xf32, #tpu.memory_space<vmem>>, vector<128x1xf32>
    %get3A_2 = arith.constant 0 : index
    %get3A_3 = arith.constant 0 : index
    %get3A_4 = vector.load %arg4[%get3A_2, %get3A_3] : memref<128x128xf32, #tpu.memory_space<vmem>>, vector<128x1xf32>
    %add3A = arith.addf %get3A_1, %get3A_4 : vector<128x1xf32>
    %add3A_5 = arith.constant 1.000000e+00 : f32
    %add3A_6 = vector.broadcast %add3A_5 : f32 to vector<128x1xf32>
    %add3A_7 = arith.addf %add3A, %add3A_6 : vector<128x1xf32>
    %rsqrt3A = math.rsqrt %add3A_7 : vector<128x1xf32>
    %get3A_8 = arith.constant 0 : index
    %get3A_9 = arith.constant 0 : index
    %get3A_10 = vector.load %arg1[%get3A_8, %get3A_9] : memref<128x128xf32, #tpu.memory_space<vmem>>, vector<128x128xf32>
    %get3A_11 = arith.constant 0 : index
    %get3A_12 = arith.constant 0 : index
    %get3A_13 = vector.load %arg2[%get3A_11, %get3A_12] : memref<128x128xf32, #tpu.memory_space<vmem>>, vector<128x128xf32>
    %dot_general3A = arith.constant dense<0.000000e+00> : vector<128x128xf32>
    %dot_general3A_14 = tpu.matmul %get3A_10, %get3A_13, %dot_general3A {dimension_numbers = #tpu.dot_dimension_numbers<[1], [0], [0], [1], [0, 0, 1, 1], [], []>, precision = #tpu.contract_precision<fp32>, transpose_lhs_hint = false} : vector<128x128xf32>, vector<128x128xf32>, vector<128x128xf32> -> vector<128x128xf32>
    %mul3A = vector.broadcast %rsqrt3A : vector<128x1xf32> to vector<128x128xf32>
    %mul3A_15 = arith.mulf %mul3A, %dot_general3A_14 : vector<128x128xf32>
    %swap3A = arith.constant 0 : index
    %swap3A_16 = arith.constant 0 : index
    %swap3A_17 = vector.load %arg5[%swap3A, %swap3A_16] : memref<128x128xf32, #tpu.memory_space<vmem>>, vector<128x128xf32>
    tpu.vector_store %arg5[%swap3A, %swap3A_16], %mul3A_15 {strides = array<i32>} : memref<128x128xf32, #tpu.memory_space<vmem>>, vector<128x128xf32>,
    return
  }
  func.func @transform_0(%arg0: i32) -> (i32, i32) {
    %c0_i32 = arith.constant 0 : i32
    %c0_i32_0 = arith.constant 0 : i32
    return %arg0, %c0_i32 : i32, i32
  }
  func.func @transform_1(%arg0: i32) -> (i32, i32) {
    %c0_i32 = arith.constant 0 : i32
    %c0_i32_0 = arith.constant 0 : i32
    %c0_i32_1 = arith.constant 0 : i32
    return %c0_i32, %c0_i32_0 : i32, i32
  }
  func.func @transform_2(%arg0: i32) -> (i32, i32) {
    %c0_i32 = arith.constant 0 : i32
    %c0_i32_0 = arith.constant 0 : i32
    return %arg0, %c0_i32 : i32, i32
  }
  func.func @transform_3(%arg0: i32) -> (i32, i32) {
    %c0_i32 = arith.constant 0 : i32
    %c0_i32_0 = arith.constant 0 : i32
    return %arg0, %c0_i32 : i32, i32
  }
  func.func @transform_4(%arg0: i32) -> (i32, i32) {
    %c0_i32 = arith.constant 0 : i32
    %c0_i32_0 = arith.constant 0 : i32
    return %arg0, %c0_i32 : i32, i32
  }
}

module attributes {stable_mosaic.version = 14 : i64} {
  func.func @_tmid_body(%arg0: i32, %arg1: memref<128x128xf32, #tpu.memory_space<vmem>>, %arg2: memref<128x128xf32, #tpu.memory_space<vmem>>, %arg3: memref<128x128xf32, #tpu.memory_space<vmem>>, %arg4: memref<128x128xf32, #tpu.memory_space<vmem>>, %arg5: memref<128x128xf32, #tpu.memory_space<vmem>>, %arg6: memref<1x128xf32, #tpu.memory_space<vmem>>, %arg7: memref<128x128xf32, #tpu.memory_space<vmem>>, %arg8: memref<128x128xf32, #tpu.memory_space<vmem>>) attributes {dimension_semantics = [#tpu.dimension_semantics<arbitrary>], iteration_bounds = array<i64: 80>, scalar_prefetch = 0 : i64, scratch_operands = 0 : i64, tpu.core_type = #tpu.core_type<tc>, window_params = [{transform_indices = @transform_0, window_bounds = array<i64: 128, 128>}, {transform_indices = @transform_1, window_bounds = array<i64: 128, 128>}, {transform_indices = @transform_2, window_bounds = array<i64: 128, 128>}, {transform_indices = @transform_3, window_bounds = array<i64: 128, 128>}, {transform_indices = @transform_4, window_bounds = array<i64: 128, 128>}, {pipeline_mode = #tpu.pipeline_mode<synchronous>, transform_indices = @transform_5, window_bounds = array<i64: 1, 128>}, {pipeline_mode = #tpu.pipeline_mode<synchronous>, transform_indices = @transform_6, window_bounds = array<i64: 128, 128>}, {transform_indices = @transform_7, window_bounds = array<i64: 128, 128>}]} {
    %get3A = arith.constant 0 : index
    %get3A_0 = arith.constant 0 : index
    %get3A_1 = vector.load %arg4[%get3A, %get3A_0] : memref<128x128xf32, #tpu.memory_space<vmem>>, vector<128x1xf32>
    %get3A_2 = arith.constant 0 : index
    %get3A_3 = arith.constant 0 : index
    %get3A_4 = vector.load %arg5[%get3A_2, %get3A_3] : memref<128x128xf32, #tpu.memory_space<vmem>>, vector<128x1xf32>
    %add3A = arith.addf %get3A_1, %get3A_4 : vector<128x1xf32>
    %add3A_5 = arith.constant 1.000000e+00 : f32
    %add3A_6 = vector.broadcast %add3A_5 : f32 to vector<128x1xf32>
    %add3A_7 = arith.addf %add3A, %add3A_6 : vector<128x1xf32>
    %rsqrt3A = math.rsqrt %add3A_7 : vector<128x1xf32>
    %get3A_8 = arith.constant 0 : index
    %get3A_9 = arith.constant 0 : index
    %get3A_10 = vector.load %arg1[%get3A_8, %get3A_9] : memref<128x128xf32, #tpu.memory_space<vmem>>, vector<128x128xf32>
    %get3A_11 = arith.constant 0 : index
    %get3A_12 = arith.constant 0 : index
    %get3A_13 = vector.load %arg2[%get3A_11, %get3A_12] : memref<128x128xf32, #tpu.memory_space<vmem>>, vector<128x128xf32>
    %add3A_14 = arith.addf %get3A_10, %get3A_13 : vector<128x128xf32>
    %get3A_15 = arith.constant 0 : index
    %get3A_16 = arith.constant 0 : index
    %get3A_17 = vector.load %arg3[%get3A_15, %get3A_16] : memref<128x128xf32, #tpu.memory_space<vmem>>, vector<128x128xf32>
    %add3A_18 = arith.addf %add3A_14, %get3A_17 : vector<128x128xf32>
    %mul3A = vector.broadcast %rsqrt3A : vector<128x1xf32> to vector<128x128xf32>
    %mul3A_19 = arith.mulf %mul3A, %add3A_18 : vector<128x128xf32>
    %get3A_20 = arith.constant 0 : index
    %get3A_21 = arith.constant 0 : index
    %get3A_22 = vector.load %arg6[%get3A_20, %get3A_21] : memref<1x128xf32, #tpu.memory_space<vmem>>, vector<1x128xf32>
    %add3A_23 = vector.broadcast %get3A_22 : vector<1x128xf32> to vector<128x128xf32>
    %add3A_24 = arith.addf %mul3A_19, %add3A_23 : vector<128x128xf32>
    %max3A = arith.constant 0.000000e+00 : f32
    %max3A_25 = vector.broadcast %max3A : f32 to vector<128x128xf32>
    %max3A_26 = arith.maximumf %add3A_24, %max3A_25 : vector<128x128xf32>
    %get3A_27 = arith.constant 0 : index
    %get3A_28 = arith.constant 0 : index
    %get3A_29 = vector.load %arg7[%get3A_27, %get3A_28] : memref<128x128xf32, #tpu.memory_space<vmem>>, vector<128x128xf32>
    %dot_general3A = arith.constant dense<0.000000e+00> : vector<128x128xf32>
    %dot_general3A_30 = tpu.matmul %max3A_26, %get3A_29, %dot_general3A {dimension_numbers = #tpu.dot_dimension_numbers<[1], [0], [0], [1], [0, 0, 1, 1], [], []>, precision = #tpu.contract_precision<fp32>, transpose_lhs_hint = false} : vector<128x128xf32>, vector<128x128xf32>, vector<128x128xf32> -> vector<128x128xf32>
    %mul3A_31 = vector.broadcast %rsqrt3A : vector<128x1xf32> to vector<128x128xf32>
    %mul3A_32 = arith.mulf %mul3A_31, %dot_general3A_30 : vector<128x128xf32>
    %swap3A = arith.constant 0 : index
    %swap3A_33 = arith.constant 0 : index
    %swap3A_34 = vector.load %arg8[%swap3A, %swap3A_33] : memref<128x128xf32, #tpu.memory_space<vmem>>, vector<128x128xf32>
    tpu.vector_store %arg8[%swap3A, %swap3A_33], %mul3A_32 {strides = array<i32>} : memref<128x128xf32, #tpu.memory_space<vmem>>, vector<128x128xf32>,
    return
  }
  func.func @transform_0(%arg0: i32) -> (i32, i32) {
    %c0_i32 = arith.constant 0 : i32
    %c0_i32_0 = arith.constant 0 : i32
    return %arg0, %c0_i32 : i32, i32
  }
  func.func @transform_1(%arg0: i32) -> (i32, i32) {
    %c0_i32 = arith.constant 0 : i32
    %c0_i32_0 = arith.constant 0 : i32
    return %arg0, %c0_i32 : i32, i32
  }
  func.func @transform_2(%arg0: i32) -> (i32, i32) {
    %c0_i32 = arith.constant 0 : i32
    %c0_i32_0 = arith.constant 0 : i32
    return %arg0, %c0_i32 : i32, i32
  }
  func.func @transform_3(%arg0: i32) -> (i32, i32) {
    %c0_i32 = arith.constant 0 : i32
    %c0_i32_0 = arith.constant 0 : i32
    return %arg0, %c0_i32 : i32, i32
  }
  func.func @transform_4(%arg0: i32) -> (i32, i32) {
    %c0_i32 = arith.constant 0 : i32
    %c0_i32_0 = arith.constant 0 : i32
    return %arg0, %c0_i32 : i32, i32
  }
  func.func @transform_5(%arg0: i32) -> (i32, i32) {
    %c0_i32 = arith.constant 0 : i32
    %c0_i32_0 = arith.constant 0 : i32
    %c0_i32_1 = arith.constant 0 : i32
    return %c0_i32, %c0_i32_0 : i32, i32
  }
  func.func @transform_6(%arg0: i32) -> (i32, i32) {
    %c0_i32 = arith.constant 0 : i32
    %c0_i32_0 = arith.constant 0 : i32
    %c0_i32_1 = arith.constant 0 : i32
    return %c0_i32, %c0_i32_0 : i32, i32
  }
  func.func @transform_7(%arg0: i32) -> (i32, i32) {
    %c0_i32 = arith.constant 0 : i32
    %c0_i32_0 = arith.constant 0 : i32
    return %arg0, %c0_i32 : i32, i32
  }
}

module attributes {stable_mosaic.version = 14 : i64} {
  func.func @_tmid_body(%arg0: i32, %arg1: memref<128x128xf32, #tpu.memory_space<vmem>>, %arg2: memref<128x128xf32, #tpu.memory_space<vmem>>, %arg3: memref<128x128xf32, #tpu.memory_space<vmem>>, %arg4: memref<128x128xf32, #tpu.memory_space<vmem>>, %arg5: memref<128x128xf32, #tpu.memory_space<vmem>>, %arg6: memref<1x128xf32, #tpu.memory_space<vmem>>, %arg7: memref<128x128xf32, #tpu.memory_space<vmem>>, %arg8: memref<128x128xf32, #tpu.memory_space<vmem>>) attributes {dimension_semantics = [#tpu.dimension_semantics<arbitrary>], iteration_bounds = array<i64: 80>, scalar_prefetch = 0 : i64, scratch_operands = 0 : i64, tpu.core_type = #tpu.core_type<tc>, window_params = [{transform_indices = @transform_0, window_bounds = array<i64: 128, 128>}, {transform_indices = @transform_1, window_bounds = array<i64: 128, 128>}, {transform_indices = @transform_2, window_bounds = array<i64: 128, 128>}, {transform_indices = @transform_3, window_bounds = array<i64: 128, 128>}, {transform_indices = @transform_4, window_bounds = array<i64: 128, 128>}, {pipeline_mode = #tpu.pipeline_mode<synchronous>, transform_indices = @transform_5, window_bounds = array<i64: 1, 128>}, {pipeline_mode = #tpu.pipeline_mode<synchronous>, transform_indices = @transform_6, window_bounds = array<i64: 128, 128>}, {transform_indices = @transform_7, window_bounds = array<i64: 128, 128>}]} {
    %get3A = arith.constant 0 : index
    %get3A_0 = arith.constant 0 : index
    %get3A_1 = vector.load %arg4[%get3A, %get3A_0] : memref<128x128xf32, #tpu.memory_space<vmem>>, vector<128x1xf32>
    %get3A_2 = arith.constant 0 : index
    %get3A_3 = arith.constant 0 : index
    %get3A_4 = vector.load %arg5[%get3A_2, %get3A_3] : memref<128x128xf32, #tpu.memory_space<vmem>>, vector<128x1xf32>
    %add3A = arith.addf %get3A_1, %get3A_4 : vector<128x1xf32>
    %add3A_5 = arith.constant 1.000000e+00 : f32
    %add3A_6 = vector.broadcast %add3A_5 : f32 to vector<128x1xf32>
    %add3A_7 = arith.addf %add3A, %add3A_6 : vector<128x1xf32>
    %rsqrt3A = math.rsqrt %add3A_7 : vector<128x1xf32>
    %get3A_8 = arith.constant 0 : index
    %get3A_9 = arith.constant 0 : index
    %get3A_10 = vector.load %arg1[%get3A_8, %get3A_9] : memref<128x128xf32, #tpu.memory_space<vmem>>, vector<128x128xf32>
    %get3A_11 = arith.constant 0 : index
    %get3A_12 = arith.constant 0 : index
    %get3A_13 = vector.load %arg2[%get3A_11, %get3A_12] : memref<128x128xf32, #tpu.memory_space<vmem>>, vector<128x128xf32>
    %add3A_14 = arith.addf %get3A_10, %get3A_13 : vector<128x128xf32>
    %get3A_15 = arith.constant 0 : index
    %get3A_16 = arith.constant 0 : index
    %get3A_17 = vector.load %arg3[%get3A_15, %get3A_16] : memref<128x128xf32, #tpu.memory_space<vmem>>, vector<128x128xf32>
    %add3A_18 = arith.addf %add3A_14, %get3A_17 : vector<128x128xf32>
    %mul3A = vector.broadcast %rsqrt3A : vector<128x1xf32> to vector<128x128xf32>
    %mul3A_19 = arith.mulf %mul3A, %add3A_18 : vector<128x128xf32>
    %get3A_20 = arith.constant 0 : index
    %get3A_21 = arith.constant 0 : index
    %get3A_22 = vector.load %arg6[%get3A_20, %get3A_21] : memref<1x128xf32, #tpu.memory_space<vmem>>, vector<1x128xf32>
    %add3A_23 = vector.broadcast %get3A_22 : vector<1x128xf32> to vector<128x128xf32>
    %add3A_24 = arith.addf %mul3A_19, %add3A_23 : vector<128x128xf32>
    %get3A_25 = arith.constant 0 : index
    %get3A_26 = arith.constant 0 : index
    %get3A_27 = vector.load %arg7[%get3A_25, %get3A_26] : memref<128x128xf32, #tpu.memory_space<vmem>>, vector<128x128xf32>
    %dot_general3A = arith.constant dense<0.000000e+00> : vector<128x128xf32>
    %dot_general3A_28 = tpu.matmul %add3A_24, %get3A_27, %dot_general3A {dimension_numbers = #tpu.dot_dimension_numbers<[1], [0], [0], [1], [0, 0, 1, 1], [], []>, precision = #tpu.contract_precision<fp32>, transpose_lhs_hint = false} : vector<128x128xf32>, vector<128x128xf32>, vector<128x128xf32> -> vector<128x128xf32>
    %mul3A_29 = vector.broadcast %rsqrt3A : vector<128x1xf32> to vector<128x128xf32>
    %mul3A_30 = arith.mulf %mul3A_29, %dot_general3A_28 : vector<128x128xf32>
    %swap3A = arith.constant 0 : index
    %swap3A_31 = arith.constant 0 : index
    %swap3A_32 = vector.load %arg8[%swap3A, %swap3A_31] : memref<128x128xf32, #tpu.memory_space<vmem>>, vector<128x128xf32>
    tpu.vector_store %arg8[%swap3A, %swap3A_31], %mul3A_30 {strides = array<i32>} : memref<128x128xf32, #tpu.memory_space<vmem>>, vector<128x128xf32>,
    return
  }
  func.func @transform_0(%arg0: i32) -> (i32, i32) {
    %c0_i32 = arith.constant 0 : i32
    %c0_i32_0 = arith.constant 0 : i32
    return %arg0, %c0_i32 : i32, i32
  }
  func.func @transform_1(%arg0: i32) -> (i32, i32) {
    %c0_i32 = arith.constant 0 : i32
    %c0_i32_0 = arith.constant 0 : i32
    return %arg0, %c0_i32 : i32, i32
  }
  func.func @transform_2(%arg0: i32) -> (i32, i32) {
    %c0_i32 = arith.constant 0 : i32
    %c0_i32_0 = arith.constant 0 : i32
    return %arg0, %c0_i32 : i32, i32
  }
  func.func @transform_3(%arg0: i32) -> (i32, i32) {
    %c0_i32 = arith.constant 0 : i32
    %c0_i32_0 = arith.constant 0 : i32
    return %arg0, %c0_i32 : i32, i32
  }
  func.func @transform_4(%arg0: i32) -> (i32, i32) {
    %c0_i32 = arith.constant 0 : i32
    %c0_i32_0 = arith.constant 0 : i32
    return %arg0, %c0_i32 : i32, i32
  }
  func.func @transform_5(%arg0: i32) -> (i32, i32) {
    %c0_i32 = arith.constant 0 : i32
    %c0_i32_0 = arith.constant 0 : i32
    %c0_i32_1 = arith.constant 0 : i32
    return %c0_i32, %c0_i32_0 : i32, i32
  }
  func.func @transform_6(%arg0: i32) -> (i32, i32) {
    %c0_i32 = arith.constant 0 : i32
    %c0_i32_0 = arith.constant 0 : i32
    %c0_i32_1 = arith.constant 0 : i32
    return %c0_i32, %c0_i32_0 : i32, i32
  }
  func.func @transform_7(%arg0: i32) -> (i32, i32) {
    %c0_i32 = arith.constant 0 : i32
    %c0_i32_0 = arith.constant 0 : i32
    return %arg0, %c0_i32 : i32, i32
  }
}

module attributes {stable_mosaic.version = 14 : i64} {
  func.func @_t3_body(%arg0: i32, %arg1: memref<128x128xf32, #tpu.memory_space<vmem>>, %arg2: memref<128x128xf32, #tpu.memory_space<vmem>>, %arg3: memref<128x128xf32, #tpu.memory_space<vmem>>, %arg4: memref<128x128xf32, #tpu.memory_space<vmem>>, %arg5: memref<128x128xf32, #tpu.memory_space<vmem>>, %arg6: memref<1x128xf32, #tpu.memory_space<vmem>>, %arg7: memref<128x128xf32, #tpu.memory_space<vmem>>) attributes {dimension_semantics = [#tpu.dimension_semantics<arbitrary>], iteration_bounds = array<i64: 80>, scalar_prefetch = 0 : i64, scratch_operands = 0 : i64, tpu.core_type = #tpu.core_type<tc>, window_params = [{transform_indices = @transform_0, window_bounds = array<i64: 128, 128>}, {transform_indices = @transform_1, window_bounds = array<i64: 128, 128>}, {transform_indices = @transform_2, window_bounds = array<i64: 128, 128>}, {transform_indices = @transform_3, window_bounds = array<i64: 128, 128>}, {transform_indices = @transform_4, window_bounds = array<i64: 128, 128>}, {pipeline_mode = #tpu.pipeline_mode<synchronous>, transform_indices = @transform_5, window_bounds = array<i64: 1, 128>}, {transform_indices = @transform_6, window_bounds = array<i64: 128, 128>}]} {
    %get3A = arith.constant 0 : index
    %get3A_0 = arith.constant 0 : index
    %get3A_1 = vector.load %arg4[%get3A, %get3A_0] : memref<128x128xf32, #tpu.memory_space<vmem>>, vector<128x1xf32>
    %get3A_2 = arith.constant 0 : index
    %get3A_3 = arith.constant 0 : index
    %get3A_4 = vector.load %arg5[%get3A_2, %get3A_3] : memref<128x128xf32, #tpu.memory_space<vmem>>, vector<128x1xf32>
    %add3A = arith.addf %get3A_1, %get3A_4 : vector<128x1xf32>
    %add3A_5 = arith.constant 1.000000e+00 : f32
    %add3A_6 = vector.broadcast %add3A_5 : f32 to vector<128x1xf32>
    %add3A_7 = arith.addf %add3A, %add3A_6 : vector<128x1xf32>
    %rsqrt3A = math.rsqrt %add3A_7 : vector<128x1xf32>
    %get3A_8 = arith.constant 0 : index
    %get3A_9 = arith.constant 0 : index
    %get3A_10 = vector.load %arg1[%get3A_8, %get3A_9] : memref<128x128xf32, #tpu.memory_space<vmem>>, vector<128x128xf32>
    %get3A_11 = arith.constant 0 : index
    %get3A_12 = arith.constant 0 : index
    %get3A_13 = vector.load %arg2[%get3A_11, %get3A_12] : memref<128x128xf32, #tpu.memory_space<vmem>>, vector<128x128xf32>
    %add3A_14 = arith.addf %get3A_10, %get3A_13 : vector<128x128xf32>
    %get3A_15 = arith.constant 0 : index
    %get3A_16 = arith.constant 0 : index
    %get3A_17 = vector.load %arg3[%get3A_15, %get3A_16] : memref<128x128xf32, #tpu.memory_space<vmem>>, vector<128x128xf32>
    %add3A_18 = arith.addf %add3A_14, %get3A_17 : vector<128x128xf32>
    %mul3A = vector.broadcast %rsqrt3A : vector<128x1xf32> to vector<128x128xf32>
    %mul3A_19 = arith.mulf %mul3A, %add3A_18 : vector<128x128xf32>
    %get3A_20 = arith.constant 0 : index
    %get3A_21 = arith.constant 0 : index
    %get3A_22 = vector.load %arg6[%get3A_20, %get3A_21] : memref<1x128xf32, #tpu.memory_space<vmem>>, vector<1x128xf32>
    %add3A_23 = vector.broadcast %get3A_22 : vector<1x128xf32> to vector<128x128xf32>
    %add3A_24 = arith.addf %mul3A_19, %add3A_23 : vector<128x128xf32>
    %swap3A = arith.constant 0 : index
    %swap3A_25 = arith.constant 0 : index
    %swap3A_26 = vector.load %arg7[%swap3A, %swap3A_25] : memref<128x128xf32, #tpu.memory_space<vmem>>, vector<128x128xf32>
    tpu.vector_store %arg7[%swap3A, %swap3A_25], %add3A_24 {strides = array<i32>} : memref<128x128xf32, #tpu.memory_space<vmem>>, vector<128x128xf32>,
    return
  }
  func.func @transform_0(%arg0: i32) -> (i32, i32) {
    %c0_i32 = arith.constant 0 : i32
    %c0_i32_0 = arith.constant 0 : i32
    return %arg0, %c0_i32 : i32, i32
  }
  func.func @transform_1(%arg0: i32) -> (i32, i32) {
    %c0_i32 = arith.constant 0 : i32
    %c0_i32_0 = arith.constant 0 : i32
    return %arg0, %c0_i32 : i32, i32
  }
  func.func @transform_2(%arg0: i32) -> (i32, i32) {
    %c0_i32 = arith.constant 0 : i32
    %c0_i32_0 = arith.constant 0 : i32
    return %arg0, %c0_i32 : i32, i32
  }
  func.func @transform_3(%arg0: i32) -> (i32, i32) {
    %c0_i32 = arith.constant 0 : i32
    %c0_i32_0 = arith.constant 0 : i32
    return %arg0, %c0_i32 : i32, i32
  }
  func.func @transform_4(%arg0: i32) -> (i32, i32) {
    %c0_i32 = arith.constant 0 : i32
    %c0_i32_0 = arith.constant 0 : i32
    return %arg0, %c0_i32 : i32, i32
  }
  func.func @transform_5(%arg0: i32) -> (i32, i32) {
    %c0_i32 = arith.constant 0 : i32
    %c0_i32_0 = arith.constant 0 : i32
    %c0_i32_1 = arith.constant 0 : i32
    return %c0_i32, %c0_i32_0 : i32, i32
  }
  func.func @transform_6(%arg0: i32) -> (i32, i32) {
    %c0_i32 = arith.constant 0 : i32
    %c0_i32_0 = arith.constant 0 : i32
    return %arg0, %c0_i32 : i32, i32
  }
}

</mosaic_0001>

<sc_bundles>
// kernel: kernel.10.cloned.1.call-start
scs
__scs_entry_jumppad:
0x0: {  	(pc) =	sbr.rel $0x88, $3  }
0x1: {  	(tag) =	ssettag $0x0;
	lr =	simm.s32 $0x1  }
0x2: {  	[smem:$0x3F99] =	sst lr;
	_ =	strace $0xD0000000  }
0x3: {  	_ = 	snop  }
0x4: {  	_ = 	snop  }
0x5: {  	_ = 	snop  }
0x6: {  	_ = 	snop  }
0x7: {  	_ = 	snop  }
__scs_overlays_trampoline_lowered:
0x8: {  	[smem:$0x3FA8] =	sst s0  }
0x9: {  	[smem:$0x3FA9] =	sst s1  }
0xa: {  	[smem:$0x3FAA] =	sst s2  }
0xb: {  	[smem:$0x3FAB] =	sst s3  }
0xc: {  	[smem:$0x3FAC] =	sst s4  }
0xd: {  	[smem:$0x3FAD] =	sst s5  }
0xe: {  	[smem:$0x3FAE] =	sst s6  }
0xf: {  	[smem:$0x3FAF] =	sst s7  }
0x10: {  	[smem:$0x3FB0] =	sst s8  }
0x11: {  	[smem:$0x3FB1] =	sst s9;
	s0 =	simm.s32 @!p0 $0x0  }
0x12: {  	s1 =	sld [smem:$0x3F97];
	s0 =	simm.s32 @p0 $0x1  }
0x13: {  	[smem:$0x3FB2] =	sst s0;
	s0 =	simm.s32 @!p1 $0x0  }
0x14: {  	s2 =	sld [smem:$0x3F96];
	s0 =	simm.s32 @p1 $0x1  }
0x15: {  	[smem:$0x3FB3] =	sst s0;
	s0 =	simm.s32 @!p2 $0x0  }
0x16: {  	s3 =	sld [smem:$0x3FDB];
	s0 =	simm.s32 @p2 $0x1  }
0x17: {  	s4 =	simm.s32 $0x1BF5;
	[smem:$0x3FB5] =	sst s0  }
0x18: {  	s0 =	sld [smem:$0x3F98];
	_ =	swait.ge [sflag:s4], $0x0  }
0x19: {  	s7 =	sld [smem:$0x3F99]  }
0x1a: {  	s8 =	sadd.s32 $0xFFFFE003, lr  }
0x1b: {  	s9 =	sadd.s32 $0xFFFFFEF7, lr;
	s5 =	simm.s32 $0xFFFFFFFF;
	p2 =	slt.u32 s8, $0xFFFFF086  }
0x1c: {  	p1 =	slt.u32 s9, $0xF7A;
	s5 =	simm.s32 @!p2 $0x0  }
0x1d: {  	s5 =	simm.s32 @p1 $0x1;
	p0 =	seq.s32 s7, s2  }
0x1e: {  	s7 =	smul.u32 @!p0 $0xF7A, s2;
	p2 =	seq.s32 @!p0 s5, $0x0  }
0x1f: {  	s9 =	smul.u32 $0xF7A, s1;
	s8 =	simm.s32 @!p0 $0x1BF5;
	p2 =	por !p2, p0  }
0x20: {  	[sflag:s8] =	ssyncset.s32 @!p0 $0xFFFFF086;
	s6 =	sadd.s32 @!p0 s3, s7;
	s7 =	simm.s32 @!p0 $0x108  }
0x21: {  	s3 =	sadd.s32 s3, s9;
	s6 =	sadd.s32 @!p0 $0x88, s6;
	s7 =	simm.s32 @p2 $0x1082  }
0x22: {  	[simem:s7], [sflag:s8] =	dma.local @!p0 [hbm:s6], $0xF7A  }
0x23: {  	s9 =	sor.u32 $0xD0000000, s2;
	s6 =	simm.s32 $0x108;
	_ =	swait.ge @!p0 [sflag:s8], $0x0  }
0x24: {  	s3 =	sadd.s32 $0x88, s3;
	s6 =	simm.s32 @!p1 $0x1082;
	[sflag:s4] =	ssyncset.s32 $0xFFFFF086  }
0x25: {  	[simem:s6], [sflag:s4] =	dma.local [hbm:s3], $0xF7A  }
0x26: {  	[smem:$0x3F99] =	sst s1;
	(tag) =	ssettag s2;
	_ =	strace s9  }
0x27: {  	s1 =	sld [smem:$0x3FA9]  }
0x28: {  	s2 =	sld [smem:$0x3FAA]  }
0x29: {  	s4 =	sld [smem:$0x3FAC]  }
0x2a: {  	p0 =	seq.s32 s5, $0x0;
	s5 =	sld [smem:$0x3FAD]  }
0x2b: {  	s6 =	sld [smem:$0x3FAE]  }
0x2c: {  	s7 =	sld [smem:$0x3FAF]  }
0x2d: {  	s3 =	simm.s32 $0x108;
	s8 =	sld [smem:$0x3FB0]  }
0x2e: {  	s3 =	simm.s32 @!p0 $0x1082;
	s9 =	sld [smem:$0x3FB1]  }
0x2f: {  	lr =	sadd.s32 s0, s3;
	s0 =	sld [smem:$0x3FA8]  }
0x30: {  	s3 =	sld [smem:$0x3FAB]  }
0x31: {  	[smem:$0x3FB4] =	sst s10  }
0x32: {  	s10 =	sld [smem:$0x3FB2];
	_ =	sdelay $0x3  }
0x33: {  	p0 =	seq.s32 s10, $0x1;
	s10 =	sld [smem:$0x3FB4];
	_ =	sdelay $0x3  }
0x34: {  	[smem:$0x3FB4] =	sst s10  }
0x35: {  	s10 =	sld [smem:$0x3FB3];
	_ =	sdelay $0x3  }
0x36: {  	p1 =	seq.s32 s10, $0x1;
	s10 =	sld [smem:$0x3FB4];
	_ =	sdelay $0x3  }
0x37: {  	[smem:$0x3FB4] =	sst s10  }
0x38: {  	s10 =	sld [smem:$0x3FB5]  }
0x39: {  	_ = 	snop;
	(pc) =	sbr.ind lr, $3  }
0x3a: {  	_ = 	snop  }
0x3b: {  	_ = 	snop  }
0x3c: {  	p2 =	seq.s32 s10, $0x1;
	s10 =	sld [smem:$0x3FB4]  }
0x3d: {  	_ =	shalt  }
0x3e: {  	_ =	shalt  }
0x3f: {  	_ =	shalt  }
0x40: {  	_ =	shalt  }
0x41: {  	_ =	shalt  }
0x42: {  	_ =	shalt  }
0x43: {  	_ =	shalt  }
0x44: {  	_ =	shalt  }
0x45: {  	_ =	shalt  }
0x46: {  	_ =	shalt  }
0x47: {  	_ =	shalt  }
0x48: {  	_ =	shalt  }
0x49: {  	_ =	shalt  }
0x4a: {  	_ =	shalt  }
0x4b: {  	_ =	shalt  }
0x4c: {  	_ =	shalt  }
0x4d: {  	_ =	shalt  }
0x4e: {  	_ =	shalt  }
0x4f: {  	_ =	shalt  }
0x50: {  	_ =	shalt  }
0x51: {  	_ =	shalt  }
0x52: {  	_ =	shalt  }
0x53: {  	_ =	shalt  }
0x54: {  	_ =	shalt  }
0x55: {  	_ =	shalt  }
0x56: {  	_ =	shalt  }
0x57: {  	_ =	shalt  }
0x58: {  	_ =	shalt  }
0x59: {  	_ =	shalt  }
0x5a: {  	_ =	shalt  }
0x5b: {  	_ =	shalt  }
0x5c: {  	_ =	shalt  }
0x5d: {  	_ =	shalt  }
0x5e: {  	_ =	shalt  }
0x5f: {  	_ =	shalt  }
0x60: {  	_ =	shalt  }
0x61: {  	_ =	shalt  }
0x62: {  	_ =	shalt  }
0x63: {  	_ =	shalt  }
0x64: {  	_ =	shalt  }
0x65: {  	_ =	shalt  }
0x66: {  	_ =	shalt  }
0x67: {  	_ =	shalt  }
0x68: {  	_ =	shalt  }
0x69: {  	_ =	shalt  }
0x6a: {  	_ =	shalt  }
0x6b: {  	_ =	shalt  }
0x6c: {  	_ =	shalt  }
0x6d: {  	_ =	shalt  }
0x6e: {  	_ =	shalt  }
0x6f: {  	_ =	shalt  }
0x70: {  	_ =	shalt  }
0x71: {  	_ =	shalt  }
0x72: {  	_ =	shalt  }
0x73: {  	_ =	shalt  }
0x74: {  	_ =	shalt  }
0x75: {  	_ =	shalt  }
0x76: {  	_ =	shalt  }
0x77: {  	_ =	shalt  }
0x78: {  	_ =	shalt  }
0x79: {  	_ =	shalt  }
0x7a: {  	_ =	shalt  }
0x7b: {  	_ =	shalt  }
0x7c: {  	_ =	shalt  }
0x7d: {  	_ =	shalt  }
0x7e: {  	_ =	shalt  }
0x7f: {  	_ =	shalt  }
0x80: {  	_ =	shalt  }
0x81: {  	_ =	shalt  }
0x82: {  	_ =	shalt  }
0x83: {  	_ =	shalt  }
0x84: {  	_ =	shalt  }
0x85: {  	_ =	shalt  }
0x86: {  	_ =	shalt  }
0x87: {  	_ =	shalt  }
.Lfunc_end0:
.L_simem_size_0:
called_computation_lowered:
.L_overlay_start_0:
0x88: {  	s2 =	sld [smem:$0x3FD9]  }
0x89: {  	s3 =	sld [smem:$0x3FFE];
	_ =	sdelay $0x1  }
0x8a: {  	s1 =	srdreg.scid  }
0x8b: {  	s0 =	sand.u32 $0x1, s1  }
0x8c: {  	s17 =	sshll.u32 s0, $0xA;
	s2 =	sadd.s32 s3, s2  }
0x8d: {  	s2 =	sadd.s32 s2, s17  }
0x8e: {  	[smem:$0x3FC0] =	sst s2  }
0x8f: {  	_ = 	snop  }
0x90: {  	s2 =	sld [smem:$0x3FD0];
	(tm) =	ssettm $0x1  }
0x91: {  	s18 =	sld [smem:$0x3FFB];
	_ =	sdelay $0x3  }
0x92: {  	_ =	strace s18  }
0x93: {  	s3 =	sld [smem:$0x3FFC];
	_ =	sdelay $0x3  }
0x94: {  	_ =	strace s3  }
0x95: {  	s3 =	sld [smem:$0x3FFD];
	_ =	sdelay $0x3  }
0x96: {  	_ =	strace s3  }
0x97: {  	_ =	strace $0x8FFFFFFF  }
0x98: {  	s19 =	sld [smem:$0x3FDB];
	_ =	sdelay $0x1  }
0x99: {  	s4 =	simm.s32 $_scs_section_size  }
0x9a: {  	s5 =	simm.s32 $_size__tile_overlayer_lowered;
	s6 =	simm.s32 $_tile_overlayer_lowered  }
0x9b: {  	s22 =	simm.s32 $0x1BFF;
	s21 =	sshll.u32 s6, $0x1;
	s3 =	sadd.s32 s4, s19  }
0x9c: {  	s7 =	simm.s32 $0x0;
	s20 =	sshll.u32 s5, $0x1;
	s5 =	sadd.s32 s21, s3  }
0x9d: {  	[timem:s7], [sflag:s22] =	dma.local [hbm:s5], s20  }
0x9e: {  	_ =	swait.ge [sflag:s22], s20  }
0x9f: {  	s4 =	ssub.s32 $0x0, s20;
	[sflag:s22] =	ssyncset.done $0x0  }
0xa0: {  	[sflag:s22] =	ssyncadd.s32 s4;
	_ =	sdelay $0x1  }
0xa1: {  	s23 =	simm.s32 $0x1B8B  }
0xa2: {  	_ =	swait.ge [sflag:s23], $0x1  }
0xa3: {  	[sflag:s23] =	ssyncset.done $0x0  }
0xa4: {  	s25 =	simm.s32 $0x1B8E;
	s24 =	sld [smem:$0x3FFE];
	[sflag:s23] =	ssyncadd.s32 $0xFFFFFFFF  }
0xa5: {  	s26 =	simm.s32 $execute0_lowered;
	[smem:$0x3FD2] =	sst s25  }
0xa6: {  	s5 =	sshll.u32 s26, $0x1;
	_ =	strace $0x80000046;
	[dreg:$0x1] =	wrdreg $0xFFFFFFFF  }
0xa7: {  	s28 =	simm.s32 $_size_execute0_lowered;
	s3 =	sadd.s32 s3, s5;
	[dreg:$0x0] =	wrdreg $0x0  }
0xa8: {  	s5 =	sshll.u32 s28, $0x1;
	[dreg:$0x2] =	wrdreg s3  }
0xa9: {  	[dreg:$0x3] =	wrdreg s5  }
0xaa: {  	[dreg:$0x4] =	wrdreg $0xC0  }
0xab: {  	_ =	task [dreg:s7], $0x5FFFF  }
0xac: {  	[dreg:$0x1] =	wrdreg $0xFFFFFFFF  }
0xad: {  	[dreg:$0x0] =	wrdreg $0x60  }
0xae: {  	[dreg:$0x2] =	wrdreg s2  }
0xaf: {  	[dreg:$0x3] =	wrdreg s24  }
0xb0: {  	[dreg:$0x4] =	wrdreg $0xA8000  }
0xb1: {  	[dreg:$0x5] =	wrdreg $0x9  }
0xb2: {  	_ =	task.clear_ibuf [dreg:s7], $0x6FFFF;
	_ =	strace $0x90000046  }
0xb3: {  	s29 =	simm.s32 $0x9;
	_ =	strace $0x80000048  }
0xb4: {  	_ =	swait.ge [sflag:s29], $0x1  }
0xb5: {  	[sflag:s29] =	ssyncadd.s32 $0xFFFFFFFF  }
0xb6: {  	_ =	strace $0x90000048  }
0xb7: {  	_ =	sfence  }
0xb8: {  	s30 =	sld [smem:$0x0];
	_ =	sdelay $0x2  }
0xb9: {  	s31 =	sshll.u32 s1, $0xD;
	s1 =	sshrl.u32 s1, $0x2  }
0xba: {  	s3 =	sand.u32 $0x4000, s31;
	s1 =	sadd.s32 s1, s30  }
0xbb: {  	s0 =	sor.u32 s3, s0;
	s1 =	sshll.u32 s1, $0x11  }
0xbc: {  	s0 =	sor.u32 s1, s0  }
0xbd: {  	s0 =	sadd.s32 $0x8F2B, s0  }
0xbe: {  	[sflag:s0] =	ssyncadd.remote.s32 $0x1  }
0xbf: {  	_ =	sfence.sel $0xFFFF  }
0xc0: {  	[dreg:$0x0] =	wrdreg $0xFFFFFFFF;
	(pc) =	sbr.abs _section_cstart, $3  }
0xc1: {  	[dreg:$0x1] =	wrdreg $0xFFFFFFFF  }
0xc2: {  	_ =	task.clear_ibuf [dreg:s7], $0x2FFFF;
	_ =	strace $0x9FFFFFFF  }
0xc3: {  	(tm) =	ssettm $0x7FFFFFFF  }
tec
execute0_lowered:
.L_overlay_start_1:
0x0: {  	(tag) =	ssettag $0x1  }
0x1: {  	s6 =	rddreg [dreg:$0x0]  }
0x2: {  	s7 =	rddreg [dreg:$0x1]  }
0x3: {  	s1 =	rddreg [dreg:$0x2]  }
0x4: {  	s0 =	rddreg [dreg:$0x3];
	s3 =	simm.s32 $0x0;
	s5 =	srdreg.scid  }
0x5: {  	s2 =	stileid.u32;
	s20 =	simm.s32 $0x2800;
	s21 =	simm.s32 $0x80  }
0x6: {  	s22 =	simm.s32 $0x0;
	[smem:$0x7FF] =	sst s3;
	s4 =	sadd.s32 $0x4800, s7  }
0x7: {  	s8 =	sand.u32 $0x1, s5;
	s9 =	sshll.u32 s2, $0x1;
	s10 =	smul.u32 $0x50000, s2  }
0x8: {  	s5 =	sadd.s32 $0x4000, s7;
	s16 =	sadd.s32 $0x5000, s7;
	s12 =	smul.u32 $0x14000, s2  }
0x9: {  	s9 =	sor.u32 s8, s9;
	s28 =	ssub.s32 $0x2, s8;
	s15 =	smul.u32 $0x140000, s8  }
0xa: {  	_ =	strace $0x80000047;
	s9 =	smul.u32 $0x500, s9;
	s11 =	sshrl.u32 s28, $0x1  }
0xb: {  	s10 =	sshrl.u32 s10, $0x2;
	s29 =	sadd.s32 $0x4000, s12;
	s14 =	sadd.s32 $0x8000, s12  }
0xc: {  	s18 =	sadd.s32 $0xC000, s12;
	s19 =	sadd.s32 $0x10000, s12;
	s17 =	ssub.s32 s28, s11  }
0xd: {  	s7 =	sadd.s32 s10, s1;
	s8 =	sadd.s32 s29, s1;
	s10 =	sadd.s32 s18, s1  }
0xe: {  	s13 =	sadd.s32 s12, s15;
	s11 =	sadd.s32 s15, s29;
	s18 =	sadd.s32 s15, s18  }
0xf: {  	s6 =	sadd.s32 s6, s9;
	s9 =	sadd.s32 s14, s1;
	s30 =	sshrl.u32 s13, $0x3  }
0x10: {  	s31 =	sshrl.u32 s11, $0x3;
	s11 =	sadd.s32 s19, s1;
	s14 =	sadd.s32 s15, s14  }
0x11: {  	s15 =	sadd.s32 s15, s19;
	s18 =	sshrl.u32 s18, $0x3;
	s17 =	smax.u32 s17, $0x1  }
0x12: {  	s12 =	sadd.s32 s16, s30;
	s13 =	sadd.s32 s16, s31;
	s14 =	sshrl.u32 s14, $0x3  }
0x13: {  	s19 =	sshrl.u32 s15, $0x3;
	s15 =	sadd.s32 s16, s18;
	s18 =	simm.s32 $0x1  }
0x14: {  	s14 =	sadd.s32 s16, s14;
	s16 =	sadd.s32 s16, s19;
	s19 =	simm.s32 $0x6800  }
.LBB2_1:
0x15: {  	[tilespmem:s3], [sflag:$0x1] =	stream.linear.gather [hbm4b:s6+s3], $0x2800, $0x38;
	[tilespmem:$0x1E800] =	vst v63  }
0x16: {  	_ =	swait.ge [sflag:s18], $0x2800  }
0x17: {  	[sflag:s18] =	ssyncset.done $0x0  }
0x18: {  	[sflag:s18] =	ssyncadd.s32 $0xFFFFD800  }
0x19: {  	[tilespmem:s19], [sflag:$0x1] =	stream.linear.gather [hbm4b:s5+s3], $0x4000, $0x38;
	[tilespmem:$0x1E800] =	vst v63  }
0x1a: {  	_ =	swait.ge [sflag:s18], $0x4000  }
0x1b: {  	[sflag:s18] =	ssyncset.done $0x0  }
0x1c: {  	[sflag:s18] =	ssyncadd.s32 $0xFFFFC000  }
0x1d: {  	[spmem:s7] =	stream.linear.scatter [tilespmem:s19], [sflag:$0x1], $0x4000, $0x38;
	[tilespmem:$0x1E800] =	vst v63  }
0x1e: {  	_ =	swait.ge [sflag:s18], $0x4000  }
0x1f: {  	[sflag:s18] =	ssyncset.done $0x0  }
0x20: {  	[sflag:s18] =	ssyncadd.s32 $0xFFFFC000  }
0x21: {  	[spmem:s8] =	stream.linear.scatter [tilespmem:s19], [sflag:$0x1], $0x4000, $0x38;
	[tilespmem:$0x1E800] =	vst v63  }
0x22: {  	_ =	swait.ge [sflag:s18], $0x4000  }
0x23: {  	[sflag:s18] =	ssyncset.done $0x0  }
0x24: {  	[sflag:s18] =	ssyncadd.s32 $0xFFFFC000  }
0x25: {  	[spmem:s9] =	stream.linear.scatter [tilespmem:s19], [sflag:$0x1], $0x4000, $0x38;
	[tilespmem:$0x1E800] =	vst v63  }
0x26: {  	_ =	swait.ge [sflag:s18], $0x4000  }
0x27: {  	[sflag:s18] =	ssyncset.done $0x0  }
0x28: {  	[sflag:s18] =	ssyncadd.s32 $0xFFFFC000  }
0x29: {  	[spmem:s10] =	stream.linear.scatter [tilespmem:s19], [sflag:$0x1], $0x4000, $0x38;
	[tilespmem:$0x1E800] =	vst v63  }
0x2a: {  	_ =	swait.ge [sflag:s18], $0x4000  }
0x2b: {  	[sflag:s18] =	ssyncset.done $0x0  }
0x2c: {  	[sflag:s18] =	ssyncadd.s32 $0xFFFFC000  }
0x2d: {  	[spmem:s11] =	stream.linear.scatter [tilespmem:s19], [sflag:$0x1], $0x4000, $0x38;
	[tilespmem:$0x1E800] =	vst v63  }
0x2e: {  	_ =	swait.ge [sflag:s18], $0x4000  }
0x2f: {  	[sflag:s18] =	ssyncset.done $0x0  }
0x30: {  	[sflag:s18] =	ssyncadd.s32 $0xFFFFC000  }
0x31: {  	[tilespmem:s20], [sflag:$0x1] =	stream.linear.gather [hbm4b:s4+s3], $0x4000, $0x38;
	[tilespmem:$0x1E800] =	vst v63  }
0x32: {  	_ =	swait.ge [sflag:s18], $0x4000  }
0x33: {  	[sflag:s18] =	ssyncset.done $0x0  }
0x34: {  	[sflag:s18] =	ssyncadd.s32 $0xFFFFC000  }
0x35: {  	s23 =	simm.s32 $0x0;
	[bflag:$0x0] =	sbarrier.arrive $0xFFFF  }
0x36: {  	[spmem:s1] =	stream.indirect.scatter.add.f32 [tilespmem:s20], [sflag:$0x1], $0x80, s23, s21, $0xb8;
	[tilespmem:$0x1E800] =	vst v63  }
0x37: {  	_ =	swait.ge [sflag:s18], $0x4000  }
0x38: {  	s23 =	simm.s32 $0x200;
	[sflag:s18] =	ssyncset.done $0x0  }
.LBB2_2:
0x39: {  	s24 =	sshra.s32 s23, $0x2;
	[sflag:s18] =	ssyncadd.s32 $0xFFFFC000;
	p0 =	sne.s32 s23, $0x9E00  }
0x3a: {  	[spmem:s1] =	stream.indirect.scatter.add.f32 [tilespmem:s20], [sflag:$0x1], $0x80, s24, s21, $0xb8;
	[tilespmem:$0x1E800] =	vst v63  }
.Ltmp0:
0x3b: {  	_ = 	snop;
	(pc) =	sbr.rel @p0 .LBB2_2-.Ltmp0, $4  }
0x3c: {  	_ = 	snop  }
0x3d: {  	s23 =	sadd.s32 $0x200, s23  }
0x3e: {  	_ =	swait.ge [sflag:s18], $0x4000  }
0x3f: {  	[sflag:s18] =	ssyncset.done $0x0  }
0x40: {  	[sflag:s18] =	ssyncadd.s32 $0xFFFFC000  }
0x41: {  	[bflag:$0x0] =	sbarrier.arrive $0xFFFF  }
0x42: {  	[tilespmem:s19], [sflag:$0x1] =	stream.linear.gather [spmem:s7], $0x4000, $0x38;
	[tilespmem:$0x1E800] =	vst v63  }
0x43: {  	_ =	swait.ge [sflag:s18], $0x4000  }
0x44: {  	[sflag:s18] =	ssyncset.done $0x0  }
0x45: {  	[sflag:s18] =	ssyncadd.s32 $0xFFFFC000  }
0x46: {  	[hbm4b:s12+s3] =	stream.linear.scatter [tilespmem:s19], [sflag:$0x1], $0x4000, $0x38;
	[tilespmem:$0x1E800] =	vst v63  }
0x47: {  	_ =	swait.ge [sflag:s18], $0x4000  }
0x48: {  	[sflag:s18] =	ssyncset.done $0x0  }
0x49: {  	[sflag:s18] =	ssyncadd.s32 $0xFFFFC000  }
0x4a: {  	[tilespmem:s19], [sflag:$0x1] =	stream.linear.gather [spmem:s8], $0x4000, $0x38;
	[tilespmem:$0x1E800] =	vst v63  }
0x4b: {  	_ =	swait.ge [sflag:s18], $0x4000  }
0x4c: {  	[sflag:s18] =	ssyncset.done $0x0  }
0x4d: {  	[sflag:s18] =	ssyncadd.s32 $0xFFFFC000  }
0x4e: {  	[hbm4b:s13+s3] =	stream.linear.scatter [tilespmem:s19], [sflag:$0x1], $0x4000, $0x38;
	[tilespmem:$0x1E800] =	vst v63  }
0x4f: {  	_ =	swait.ge [sflag:s18], $0x4000  }
0x50: {  	[sflag:s18] =	ssyncset.done $0x0  }
0x51: {  	[sflag:s18] =	ssyncadd.s32 $0xFFFFC000  }
0x52: {  	[tilespmem:s19], [sflag:$0x1] =	stream.linear.gather [spmem:s9], $0x4000, $0x38;
	[tilespmem:$0x1E800] =	vst v63  }
0x53: {  	_ =	swait.ge [sflag:s18], $0x4000  }
0x54: {  	[sflag:s18] =	ssyncset.done $0x0  }
0x55: {  	[sflag:s18] =	ssyncadd.s32 $0xFFFFC000  }
0x56: {  	[hbm4b:s14+s3] =	stream.linear.scatter [tilespmem:s19], [sflag:$0x1], $0x4000, $0x38;
	[tilespmem:$0x1E800] =	vst v63  }
0x57: {  	_ =	swait.ge [sflag:s18], $0x4000  }
0x58: {  	[sflag:s18] =	ssyncset.done $0x0  }
0x59: {  	[sflag:s18] =	ssyncadd.s32 $0xFFFFC000  }
0x5a: {  	[tilespmem:s19], [sflag:$0x1] =	stream.linear.gather [spmem:s10], $0x4000, $0x38;
	[tilespmem:$0x1E800] =	vst v63  }
0x5b: {  	_ =	swait.ge [sflag:s18], $0x4000  }
0x5c: {  	[sflag:s18] =	ssyncset.done $0x0  }
0x5d: {  	[sflag:s18] =	ssyncadd.s32 $0xFFFFC000  }
0x5e: {  	[hbm4b:s15+s3] =	stream.linear.scatter [tilespmem:s19], [sflag:$0x1], $0x4000, $0x38;
	[tilespmem:$0x1E800] =	vst v63  }
0x5f: {  	_ =	swait.ge [sflag:s18], $0x4000  }
0x60: {  	[sflag:s18] =	ssyncset.done $0x0  }
0x61: {  	[sflag:s18] =	ssyncadd.s32 $0xFFFFC000  }
0x62: {  	[tilespmem:s19], [sflag:$0x1] =	stream.linear.gather [spmem:s11], $0x4000, $0x38;
	[tilespmem:$0x1E800] =	vst v63  }
0x63: {  	s22 =	sadd.s32 $0x1, s22;
	_ =	swait.ge [sflag:s18], $0x4000  }
0x64: {  	p0 =	sne.s32 s22, s17;
	[sflag:s18] =	ssyncset.done $0x0  }
.Ltmp1:
0x65: {  	[sflag:s18] =	ssyncadd.s32 $0xFFFFC000;
	(pc) =	sbr.rel @p0 .LBB2_1-.Ltmp1, $4  }
0x66: {  	[hbm4b:s16+s3] =	stream.linear.scatter [tilespmem:s19], [sflag:$0x1], $0x4000, $0x38;
	[tilespmem:$0x1E800] =	vst v63  }
0x67: {  	_ =	swait.ge [sflag:s18], $0x4000  }
0x68: {  	[sflag:s18] =	ssyncset.done $0x0  }
0x69: {  	[sflag:s18] =	ssyncadd.s32 $0xFFFFC000  }
0x6a: {  	_ =	sfence.sel $0x180000  }
0x6b: {  	[bflag:$0x0] =	sbarrier.arrive $0xFFFF  }
0x6c: {  	p0 =	sne.s32 s2, $0x0;
	_ =	strace $0x90000047  }
0x6d: {  	s0 =	sadd.s32 @!p0 $0x100000, s0;
	[bflag:$0x2] =	sbarrier.arrive $0xFFFF  }
0x6e: {  	[sflag:s0] =	ssyncadd.tile.s32 @!p0 $0x1;
	_ =	shalt  }
.Lfunc_end2:
_tile_overlayer_lowered:
.L_overlay_start_2:
0x6f: {  	(tag) =	ssettag $0x2  }
0x70: {  	s0 =	rddreg [dreg:$0x0];
	s2 =	stileid.u32  }
0x71: {  	s1 =	rddreg [dreg:$0x1];
	p0 =	sne.s32 s2, $0x0  }
0x72: {  	s3 =	rddreg [dreg:$0x2];
	[bflag:$0x3] =	sbarrier.arrive $0xFFFF;
	s2 =	simm.s32 @!p0 $0x1C01  }
0x73: {  	[timem:s3], [sflag:s2] =	dma.local @!p0 [hbm:s0], s1  }
0x74: {  	s0 =	simm.s32 @!p0 $0x1  }
0x75: {  	_ =	swait.ge @!p0 [sflag:s0], s1  }
0x76: {  	s1 =	ssub.s32 @!p0 $0x0, s1;
	[sflag:s0] =	ssyncset.done @!p0 $0x0  }
0x77: {  	[sflag:s0] =	ssyncadd.s32 @!p0 s1  }
0x78: {  	[bflag:$0x3] =	sbarrier.arrive $0xFFFF  }
0x79: {  	_ =	shalt  }

// kernel: kernel.13.cloned.1.call-start
scs
__scs_entry_jumppad:
0x0: {  	(pc) =	sbr.rel $0x88, $3  }
0x1: {  	(tag) =	ssettag $0x0;
	lr =	simm.s32 $0x1  }
0x2: {  	[smem:$0x3F99] =	sst lr;
	_ =	strace $0xD0000000  }
0x3: {  	_ = 	snop  }
0x4: {  	_ = 	snop  }
0x5: {  	_ = 	snop  }
0x6: {  	_ = 	snop  }
0x7: {  	_ = 	snop  }
__scs_overlays_trampoline_lowered:
0x8: {  	[smem:$0x3FA8] =	sst s0  }
0x9: {  	[smem:$0x3FA9] =	sst s1  }
0xa: {  	[smem:$0x3FAA] =	sst s2  }
0xb: {  	[smem:$0x3FAB] =	sst s3  }
0xc: {  	[smem:$0x3FAC] =	sst s4  }
0xd: {  	[smem:$0x3FAD] =	sst s5  }
0xe: {  	[smem:$0x3FAE] =	sst s6  }
0xf: {  	[smem:$0x3FAF] =	sst s7  }
0x10: {  	[smem:$0x3FB0] =	sst s8  }
0x11: {  	[smem:$0x3FB1] =	sst s9;
	s0 =	simm.s32 @!p0 $0x0  }
0x12: {  	s1 =	sld [smem:$0x3F97];
	s0 =	simm.s32 @p0 $0x1  }
0x13: {  	[smem:$0x3FB2] =	sst s0;
	s0 =	simm.s32 @!p1 $0x0  }
0x14: {  	s2 =	sld [smem:$0x3F96];
	s0 =	simm.s32 @p1 $0x1  }
0x15: {  	[smem:$0x3FB3] =	sst s0;
	s0 =	simm.s32 @!p2 $0x0  }
0x16: {  	s3 =	sld [smem:$0x3FDB];
	s0 =	simm.s32 @p2 $0x1  }
0x17: {  	s4 =	simm.s32 $0x1BF5;
	[smem:$0x3FB5] =	sst s0  }
0x18: {  	s0 =	sld [smem:$0x3F98];
	_ =	swait.ge [sflag:s4], $0x0  }
0x19: {  	s7 =	sld [smem:$0x3F99]  }
0x1a: {  	s8 =	sadd.s32 $0xFFFFE003, lr  }
0x1b: {  	s9 =	sadd.s32 $0xFFFFFEF7, lr;
	s5 =	simm.s32 $0xFFFFFFFF;
	p2 =	slt.u32 s8, $0xFFFFF086  }
0x1c: {  	p1 =	slt.u32 s9, $0xF7A;
	s5 =	simm.s32 @!p2 $0x0  }
0x1d: {  	s5 =	simm.s32 @p1 $0x1;
	p0 =	seq.s32 s7, s2  }
0x1e: {  	s7 =	smul.u32 @!p0 $0xF7A, s2;
	p2 =	seq.s32 @!p0 s5, $0x0  }
0x1f: {  	s9 =	smul.u32 $0xF7A, s1;
	s8 =	simm.s32 @!p0 $0x1BF5;
	p2 =	por !p2, p0  }
0x20: {  	[sflag:s8] =	ssyncset.s32 @!p0 $0xFFFFF086;
	s6 =	sadd.s32 @!p0 s3, s7;
	s7 =	simm.s32 @!p0 $0x108  }
0x21: {  	s3 =	sadd.s32 s3, s9;
	s6 =	sadd.s32 @!p0 $0x88, s6;
	s7 =	simm.s32 @p2 $0x1082  }
0x22: {  	[simem:s7], [sflag:s8] =	dma.local @!p0 [hbm:s6], $0xF7A  }
0x23: {  	s9 =	sor.u32 $0xD0000000, s2;
	s6 =	simm.s32 $0x108;
	_ =	swait.ge @!p0 [sflag:s8], $0x0  }
0x24: {  	s3 =	sadd.s32 $0x88, s3;
	s6 =	simm.s32 @!p1 $0x1082;
	[sflag:s4] =	ssyncset.s32 $0xFFFFF086  }
0x25: {  	[simem:s6], [sflag:s4] =	dma.local [hbm:s3], $0xF7A  }
0x26: {  	[smem:$0x3F99] =	sst s1;
	(tag) =	ssettag s2;
	_ =	strace s9  }
0x27: {  	s1 =	sld [smem:$0x3FA9]  }
0x28: {  	s2 =	sld [smem:$0x3FAA]  }
0x29: {  	s4 =	sld [smem:$0x3FAC]  }
0x2a: {  	p0 =	seq.s32 s5, $0x0;
	s5 =	sld [smem:$0x3FAD]  }
0x2b: {  	s6 =	sld [smem:$0x3FAE]  }
0x2c: {  	s7 =	sld [smem:$0x3FAF]  }
0x2d: {  	s3 =	simm.s32 $0x108;
	s8 =	sld [smem:$0x3FB0]  }
0x2e: {  	s3 =	simm.s32 @!p0 $0x1082;
	s9 =	sld [smem:$0x3FB1]  }
0x2f: {  	lr =	sadd.s32 s0, s3;
	s0 =	sld [smem:$0x3FA8]  }
0x30: {  	s3 =	sld [smem:$0x3FAB]  }
0x31: {  	[smem:$0x3FB4] =	sst s10  }
0x32: {  	s10 =	sld [smem:$0x3FB2];
	_ =	sdelay $0x3  }
0x33: {  	p0 =	seq.s32 s10, $0x1;
	s10 =	sld [smem:$0x3FB4];
	_ =	sdelay $0x3  }
0x34: {  	[smem:$0x3FB4] =	sst s10  }
0x35: {  	s10 =	sld [smem:$0x3FB3];
	_ =	sdelay $0x3  }
0x36: {  	p1 =	seq.s32 s10, $0x1;
	s10 =	sld [smem:$0x3FB4];
	_ =	sdelay $0x3  }
0x37: {  	[smem:$0x3FB4] =	sst s10  }
0x38: {  	s10 =	sld [smem:$0x3FB5]  }
0x39: {  	_ = 	snop;
	(pc) =	sbr.ind lr, $3  }
0x3a: {  	_ = 	snop  }
0x3b: {  	_ = 	snop  }
0x3c: {  	p2 =	seq.s32 s10, $0x1;
	s10 =	sld [smem:$0x3FB4]  }
0x3d: {  	_ =	shalt  }
0x3e: {  	_ =	shalt  }
0x3f: {  	_ =	shalt  }
0x40: {  	_ =	shalt  }
0x41: {  	_ =	shalt  }
0x42: {  	_ =	shalt  }
0x43: {  	_ =	shalt  }
0x44: {  	_ =	shalt  }
0x45: {  	_ =	shalt  }
0x46: {  	_ =	shalt  }
0x47: {  	_ =	shalt  }
0x48: {  	_ =	shalt  }
0x49: {  	_ =	shalt  }
0x4a: {  	_ =	shalt  }
0x4b: {  	_ =	shalt  }
0x4c: {  	_ =	shalt  }
0x4d: {  	_ =	shalt  }
0x4e: {  	_ =	shalt  }
0x4f: {  	_ =	shalt  }
0x50: {  	_ =	shalt  }
0x51: {  	_ =	shalt  }
0x52: {  	_ =	shalt  }
0x53: {  	_ =	shalt  }
0x54: {  	_ =	shalt  }
0x55: {  	_ =	shalt  }
0x56: {  	_ =	shalt  }
0x57: {  	_ =	shalt  }
0x58: {  	_ =	shalt  }
0x59: {  	_ =	shalt  }
0x5a: {  	_ =	shalt  }
0x5b: {  	_ =	shalt  }
0x5c: {  	_ =	shalt  }
0x5d: {  	_ =	shalt  }
0x5e: {  	_ =	shalt  }
0x5f: {  	_ =	shalt  }
0x60: {  	_ =	shalt  }
0x61: {  	_ =	shalt  }
0x62: {  	_ =	shalt  }
0x63: {  	_ =	shalt  }
0x64: {  	_ =	shalt  }
0x65: {  	_ =	shalt  }
0x66: {  	_ =	shalt  }
0x67: {  	_ =	shalt  }
0x68: {  	_ =	shalt  }
0x69: {  	_ =	shalt  }
0x6a: {  	_ =	shalt  }
0x6b: {  	_ =	shalt  }
0x6c: {  	_ =	shalt  }
0x6d: {  	_ =	shalt  }
0x6e: {  	_ =	shalt  }
0x6f: {  	_ =	shalt  }
0x70: {  	_ =	shalt  }
0x71: {  	_ =	shalt  }
0x72: {  	_ =	shalt  }
0x73: {  	_ =	shalt  }
0x74: {  	_ =	shalt  }
0x75: {  	_ =	shalt  }
0x76: {  	_ =	shalt  }
0x77: {  	_ =	shalt  }
0x78: {  	_ =	shalt  }
0x79: {  	_ =	shalt  }
0x7a: {  	_ =	shalt  }
0x7b: {  	_ =	shalt  }
0x7c: {  	_ =	shalt  }
0x7d: {  	_ =	shalt  }
0x7e: {  	_ =	shalt  }
0x7f: {  	_ =	shalt  }
0x80: {  	_ =	shalt  }
0x81: {  	_ =	shalt  }
0x82: {  	_ =	shalt  }
0x83: {  	_ =	shalt  }
0x84: {  	_ =	shalt  }
0x85: {  	_ =	shalt  }
0x86: {  	_ =	shalt  }
0x87: {  	_ =	shalt  }
.Lfunc_end0:
.L_simem_size_0:
called_computation.1_lowered:
.L_overlay_start_0:
0x88: {  	s2 =	sld [smem:$0x3FD9]  }
0x89: {  	s3 =	sld [smem:$0x3FFE];
	_ =	sdelay $0x1  }
0x8a: {  	s1 =	srdreg.scid  }
0x8b: {  	s0 =	sand.u32 $0x1, s1  }
0x8c: {  	s16 =	sshll.u32 s0, $0xA;
	s2 =	sadd.s32 s3, s2  }
0x8d: {  	s2 =	sadd.s32 s2, s16  }
0x8e: {  	[smem:$0x3FC0] =	sst s2  }
0x8f: {  	_ = 	snop  }
0x90: {  	(tm) =	ssettm $0x1  }
0x91: {  	s17 =	sld [smem:$0x3FFB];
	_ =	sdelay $0x3  }
0x92: {  	_ =	strace s17  }
0x93: {  	s2 =	sld [smem:$0x3FFC];
	_ =	sdelay $0x3  }
0x94: {  	_ =	strace s2  }
0x95: {  	s2 =	sld [smem:$0x3FFD];
	_ =	sdelay $0x3  }
0x96: {  	_ =	strace s2  }
0x97: {  	_ =	strace $0x8FFFFFFF  }
0x98: {  	s18 =	sld [smem:$0x3FDB];
	_ =	sdelay $0x1  }
0x99: {  	s19 =	simm.s32 $_scs_section_size  }
0x9a: {  	s4 =	simm.s32 $_size__tile_overlayer_lowered;
	s5 =	simm.s32 $_tile_overlayer_lowered  }
0x9b: {  	s22 =	simm.s32 $0x1BFF;
	s21 =	sshll.u32 s5, $0x1;
	s2 =	sadd.s32 s19, s18  }
0x9c: {  	s6 =	simm.s32 $0x0;
	s20 =	sshll.u32 s4, $0x1;
	s4 =	sadd.s32 s21, s2  }
0x9d: {  	[timem:s6], [sflag:s22] =	dma.local [hbm:s4], s20  }
0x9e: {  	_ =	swait.ge [sflag:s22], s20  }
0x9f: {  	s3 =	ssub.s32 $0x0, s20;
	[sflag:s22] =	ssyncset.done $0x0  }
0xa0: {  	[sflag:s22] =	ssyncadd.s32 s3;
	_ =	sdelay $0x1  }
0xa1: {  	s23 =	simm.s32 $0x1B8B  }
0xa2: {  	_ =	swait.ge [sflag:s23], $0x1  }
0xa3: {  	[sflag:s23] =	ssyncset.done $0x0  }
0xa4: {  	s25 =	simm.s32 $0x1B8E;
	s24 =	sld [smem:$0x3FFE];
	[sflag:s23] =	ssyncadd.s32 $0xFFFFFFFF  }
0xa5: {  	s26 =	simm.s32 $execute0_lowered;
	[smem:$0x3FD2] =	sst s25  }
0xa6: {  	s4 =	sshll.u32 s26, $0x1;
	_ =	strace $0x80000049;
	[dreg:$0x1] =	wrdreg $0xFFFFFFFF  }
0xa7: {  	s28 =	simm.s32 $_size_execute0_lowered;
	s2 =	sadd.s32 s2, s4;
	[dreg:$0x0] =	wrdreg $0x0  }
0xa8: {  	s4 =	sshll.u32 s28, $0x1;
	[dreg:$0x2] =	wrdreg s2  }
0xa9: {  	[dreg:$0x3] =	wrdreg s4  }
0xaa: {  	[dreg:$0x4] =	wrdreg $0xC0  }
0xab: {  	_ =	task [dreg:s6], $0x5FFFF  }
0xac: {  	[dreg:$0x1] =	wrdreg $0xFFFFFFFF  }
0xad: {  	[dreg:$0x0] =	wrdreg $0x60  }
0xae: {  	[dreg:$0x2] =	wrdreg s24  }
0xaf: {  	[dreg:$0x3] =	wrdreg $0x41000  }
0xb0: {  	[dreg:$0x4] =	wrdreg $0x9  }
0xb1: {  	_ =	task.clear_ibuf [dreg:s6], $0x5FFFF;
	_ =	strace $0x90000049  }
0xb2: {  	s29 =	simm.s32 $0x9;
	_ =	strace $0x8000004B  }
0xb3: {  	_ =	swait.ge [sflag:s29], $0x1  }
0xb4: {  	[sflag:s29] =	ssyncadd.s32 $0xFFFFFFFF  }
0xb5: {  	_ =	strace $0x9000004B  }
0xb6: {  	_ =	sfence  }
0xb7: {  	s30 =	sld [smem:$0x0];
	_ =	sdelay $0x2  }
0xb8: {  	s31 =	sshll.u32 s1, $0xD;
	s1 =	sshrl.u32 s1, $0x2  }
0xb9: {  	s3 =	sand.u32 $0x4000, s31;
	s1 =	sadd.s32 s1, s30  }
0xba: {  	s0 =	sor.u32 s3, s0;
	s1 =	sshll.u32 s1, $0x11  }
0xbb: {  	s0 =	sor.u32 s1, s0  }
0xbc: {  	s0 =	sadd.s32 $0x8F2B, s0  }
0xbd: {  	[sflag:s0] =	ssyncadd.remote.s32 $0x1  }
0xbe: {  	_ =	sfence.sel $0xFFFF  }
0xbf: {  	[dreg:$0x0] =	wrdreg $0xFFFFFFFF;
	(pc) =	sbr.abs _section_cstart, $3  }
0xc0: {  	[dreg:$0x1] =	wrdreg $0xFFFFFFFF  }
0xc1: {  	_ =	task.clear_ibuf [dreg:s6], $0x2FFFF;
	_ =	strace $0x9FFFFFFF  }
0xc2: {  	(tm) =	ssettm $0x7FFFFFFF  }
0xc3: {  	_ =	shalt  }
tec
execute0_lowered:
.L_overlay_start_1:
0x0: {  	(tag) =	ssettag $0x1  }
0x1: {  	s6 =	rddreg [dreg:$0x0]  }
0x2: {  	s2 =	rddreg [dreg:$0x1]  }
0x3: {  	s0 =	rddreg [dreg:$0x2];
	s1 =	stileid.u32  }
0x4: {  	s3 =	simm.s32 $0x0;
	s7 =	srdreg.scid;
	s5 =	smul.u32 $0x9E0, s1  }
0x5: {  	s22 =	simm.s32 $0x1;
	s23 =	simm.s32 $0x0;
	s25 =	smul.u32 $0x50000, s1  }
0x6: {  	[smem:$0x7FF] =	sst s3;
	s13 =	sand.u32 $0x1, s7;
	s10 =	smul.u32 $0x14000, s1  }
0x7: {  	s4 =	sadd.s32 $0x68C00, s6;
	s16 =	sadd.s32 $0x90C00, s6;
	s19 =	smul.u32 $0x140000, s13  }
0x8: {  	_ =	strace $0x8000004A;
	s8 =	ssub.s32 $0x2, s13;
	s28 =	smul.u32 $0x4F0, s13  }
0x9: {  	s15 =	sadd.s32 s5, s6;
	s5 =	sadd.s32 $0x4000, s6;
	s26 =	sshrl.u32 s8, $0x1  }
0xa: {  	s7 =	sshrl.u32 s25, $0x2;
	s11 =	sadd.s32 $0x4000, s10;
	s14 =	sadd.s32 $0x8000, s10  }
0xb: {  	s18 =	sadd.s32 $0xC000, s10;
	s20 =	sadd.s32 $0x10000, s10;
	s17 =	ssub.s32 s8, s26  }
0xc: {  	s6 =	sadd.s32 s7, s2;
	s7 =	sadd.s32 s11, s2;
	s8 =	sadd.s32 s14, s2  }
0xd: {  	s9 =	sadd.s32 s18, s2;
	s12 =	sadd.s32 s10, s19;
	s11 =	sadd.s32 s19, s11  }
0xe: {  	s10 =	sadd.s32 s20, s2;
	s14 =	sadd.s32 s19, s14;
	s18 =	sadd.s32 s19, s18  }
0xf: {  	s30 =	sadd.s32 s19, s20;
	s31 =	sadd.s32 s28, s15;
	s19 =	simm.s32 $0x100  }
0x10: {  	s20 =	simm.s32 $0x2;
	s12 =	sshrl.u32 s12, $0x3;
	s21 =	sshrl.u32 s11, $0x3  }
0x11: {  	s14 =	sshrl.u32 s14, $0x3;
	s29 =	sshrl.u32 s18, $0x3;
	s18 =	sshrl.u32 s30, $0x3  }
0x12: {  	s11 =	sadd.s32 s16, s12;
	s12 =	sadd.s32 s16, s21;
	s13 =	sadd.s32 s16, s14  }
0x13: {  	s14 =	sadd.s32 s16, s29;
	s15 =	sadd.s32 s16, s18;
	s16 =	smax.u32 s17, $0x1  }
0x14: {  	s17 =	sadd.s32 $0x55000, s31;
	s18 =	sadd.s32 $0x5EE00, s31;
	s21 =	simm.s32 $0x80  }
.LBB2_1:
0x15: {  	[tilespmem:s19], [sflag:$0x2] =	stream.linear.gather [hbm4b:s5+s3], $0x4000, $0x38;
	[tilespmem:$0x18100] =	vst v63  }
0x16: {  	_ =	swait.ge [sflag:s20], $0x4000  }
0x17: {  	[sflag:s20] =	ssyncset.done $0x0  }
0x18: {  	[sflag:s20] =	ssyncadd.s32 $0xFFFFC000  }
0x19: {  	[spmem:s6] =	stream.linear.scatter [tilespmem:s19], [sflag:$0x2], $0x4000, $0x38;
	[tilespmem:$0x18100] =	vst v63  }
0x1a: {  	_ =	swait.ge [sflag:s20], $0x4000  }
0x1b: {  	[sflag:s20] =	ssyncset.done $0x0  }
0x1c: {  	[sflag:s20] =	ssyncadd.s32 $0xFFFFC000  }
0x1d: {  	[spmem:s7] =	stream.linear.scatter [tilespmem:s19], [sflag:$0x2], $0x4000, $0x38;
	[tilespmem:$0x18100] =	vst v63  }
0x1e: {  	_ =	swait.ge [sflag:s20], $0x4000  }
0x1f: {  	[sflag:s20] =	ssyncset.done $0x0  }
0x20: {  	[sflag:s20] =	ssyncadd.s32 $0xFFFFC000  }
0x21: {  	[spmem:s8] =	stream.linear.scatter [tilespmem:s19], [sflag:$0x2], $0x4000, $0x38;
	[tilespmem:$0x18100] =	vst v63  }
0x22: {  	_ =	swait.ge [sflag:s20], $0x4000  }
0x23: {  	[sflag:s20] =	ssyncset.done $0x0  }
0x24: {  	[sflag:s20] =	ssyncadd.s32 $0xFFFFC000  }
0x25: {  	[spmem:s9] =	stream.linear.scatter [tilespmem:s19], [sflag:$0x2], $0x4000, $0x38;
	[tilespmem:$0x18100] =	vst v63  }
0x26: {  	_ =	swait.ge [sflag:s20], $0x4000  }
0x27: {  	[sflag:s20] =	ssyncset.done $0x0  }
0x28: {  	[sflag:s20] =	ssyncadd.s32 $0xFFFFC000  }
0x29: {  	[spmem:s10] =	stream.linear.scatter [tilespmem:s19], [sflag:$0x2], $0x4000, $0x38;
	[tilespmem:$0x18100] =	vst v63  }
0x2a: {  	_ =	swait.ge [sflag:s20], $0x4000  }
0x2b: {  	[sflag:s20] =	ssyncset.done $0x0  }
0x2c: {  	[sflag:s20] =	ssyncadd.s32 $0xFFFFC000  }
0x2d: {  	s24 =	sadd.s32 $0x0, s18;
	[bflag:$0x0] =	sbarrier.arrive $0xFFFF  }
0x2e: {  	[tilespmem:s3], [sflag:$0x2] =	stream.linear.gather [hbm4b:s24+s3], $0x80, $0x38;
	[tilespmem:$0x18100] =	vst v63  }
0x2f: {  	_ =	swait.ge [sflag:s20], $0x80  }
0x30: {  	[sflag:s20] =	ssyncset.done $0x0  }
0x31: {  	[sflag:s20] =	ssyncadd.s32 $0xFFFFFF80  }
0x32: {  	[tilespmem:s19], [sflag:$0x1] =	stream.indirect.gather [hbm4b:s4+s21], $0x80, s3, s21, $0xb8;
	[tilespmem:$0x18100] =	vst v63  }
0x33: {  	_ =	swait.ge [sflag:s22], $0x4000  }
0x34: {  	[sflag:s22] =	ssyncset.done $0x0  }
0x35: {  	s31 =	sadd.s32 $0x0, s17;
	[sflag:s22] =	ssyncadd.s32 $0xFFFFC000  }
0x36: {  	[tilespmem:s21], [sflag:$0x2] =	stream.linear.gather [hbm4b:s31+s3], $0x80, $0x38;
	[tilespmem:$0x18100] =	vst v63  }
0x37: {  	_ =	swait.ge [sflag:s20], $0x80  }
0x38: {  	[sflag:s20] =	ssyncset.done $0x0  }
0x39: {  	[sflag:s20] =	ssyncadd.s32 $0xFFFFFF80  }
0x3a: {  	[spmem:s2] =	stream.indirect.scatter.add.f32 [tilespmem:s19], [sflag:$0x2], $0x80, s21, s21, $0xb8;
	[tilespmem:$0x18100] =	vst v63  }
0x3b: {  	_ =	swait.ge [sflag:s20], $0x4000  }
0x3c: {  	s25 =	simm.s32 $0x20;
	s24 =	simm.s32 $0x10;
	[sflag:s20] =	ssyncset.done $0x0  }
.LBB2_2:
0x3d: {  	s26 =	sadd.s32 s24, s18  }
0x3e: {  	[sflag:s20] =	ssyncadd.s32 $0xFFFFC000;
	s28 =	smov.u32 s25;
	s29 =	sadd.s32 $0x10, s25  }
0x3f: {  	[tilespmem:s3], [sflag:$0x2] =	stream.linear.gather [hbm4b:s26+s3], $0x80, $0x38;
	[tilespmem:$0x18100] =	vst v63  }
0x40: {  	p0 =	sne.s32 s25, $0x4E0;
	_ =	swait.ge [sflag:s20], $0x80  }
0x41: {  	[sflag:s20] =	ssyncset.done $0x0  }
0x42: {  	[sflag:s20] =	ssyncadd.s32 $0xFFFFFF80  }
0x43: {  	[tilespmem:s19], [sflag:$0x1] =	stream.indirect.gather [hbm4b:s4+s21], $0x80, s3, s21, $0xb8;
	[tilespmem:$0x18100] =	vst v63  }
0x44: {  	_ =	swait.ge [sflag:s22], $0x4000  }
0x45: {  	[sflag:s22] =	ssyncset.done $0x0  }
0x46: {  	s25 =	sadd.s32 s24, s17;
	s24 =	smov.u32 s28;
	[sflag:s22] =	ssyncadd.s32 $0xFFFFC000  }
0x47: {  	[tilespmem:s21], [sflag:$0x2] =	stream.linear.gather [hbm4b:s25+s3], $0x80, $0x38;
	[tilespmem:$0x18100] =	vst v63  }
0x48: {  	_ =	swait.ge [sflag:s20], $0x80  }
.Ltmp0:
0x49: {  	[sflag:s20] =	ssyncset.done $0x0;
	(pc) =	sbr.rel @p0 .LBB2_2-.Ltmp0, $4  }
0x4a: {  	[sflag:s20] =	ssyncadd.s32 $0xFFFFFF80  }
0x4b: {  	[spmem:s2] =	stream.indirect.scatter.add.f32 [tilespmem:s19], [sflag:$0x2], $0x80, s21, s21, $0xb8;
	[tilespmem:$0x18100] =	vst v63  }
0x4c: {  	_ =	swait.ge [sflag:s20], $0x4000  }
0x4d: {  	s25 =	smov.u32 s29;
	[sflag:s20] =	ssyncset.done $0x0  }
0x4e: {  	s25 =	sadd.s32 s24, s18;
	[sflag:s20] =	ssyncadd.s32 $0xFFFFC000  }
0x4f: {  	[tilespmem:s3], [sflag:$0x2] =	stream.linear.gather [hbm4b:s25+s3], $0x80, $0x38;
	[tilespmem:$0x18100] =	vst v63  }
0x50: {  	_ =	swait.ge [sflag:s20], $0x80  }
0x51: {  	[sflag:s20] =	ssyncset.done $0x0  }
0x52: {  	[sflag:s20] =	ssyncadd.s32 $0xFFFFFF80  }
0x53: {  	[tilespmem:s19], [sflag:$0x1] =	stream.indirect.gather [hbm4b:s4+s21], $0x80, s3, s21, $0xb8;
	[tilespmem:$0x18100] =	vst v63  }
0x54: {  	_ =	swait.ge [sflag:s22], $0x4000  }
0x55: {  	[sflag:s22] =	ssyncset.done $0x0  }
0x56: {  	s31 =	sadd.s32 s24, s17;
	[sflag:s22] =	ssyncadd.s32 $0xFFFFC000  }
0x57: {  	[tilespmem:s21], [sflag:$0x2] =	stream.linear.gather [hbm4b:s31+s3], $0x80, $0x38;
	[tilespmem:$0x18100] =	vst v63  }
0x58: {  	_ =	swait.ge [sflag:s20], $0x80  }
0x59: {  	[sflag:s20] =	ssyncset.done $0x0  }
0x5a: {  	[sflag:s20] =	ssyncadd.s32 $0xFFFFFF80  }
0x5b: {  	[spmem:s2] =	stream.indirect.scatter.add.f32 [tilespmem:s19], [sflag:$0x2], $0x80, s21, s21, $0xb8;
	[tilespmem:$0x18100] =	vst v63  }
0x5c: {  	_ =	swait.ge [sflag:s20], $0x4000  }
0x5d: {  	[sflag:s20] =	ssyncset.done $0x0  }
0x5e: {  	[sflag:s20] =	ssyncadd.s32 $0xFFFFC000  }
0x5f: {  	[bflag:$0x0] =	sbarrier.arrive $0xFFFF  }
0x60: {  	[tilespmem:s19], [sflag:$0x2] =	stream.linear.gather [spmem:s6], $0x4000, $0x38;
	[tilespmem:$0x18100] =	vst v63  }
0x61: {  	_ =	swait.ge [sflag:s20], $0x4000  }
0x62: {  	[sflag:s20] =	ssyncset.done $0x0  }
0x63: {  	[sflag:s20] =	ssyncadd.s32 $0xFFFFC000  }
0x64: {  	[hbm4b:s11+s3] =	stream.linear.scatter [tilespmem:s19], [sflag:$0x2], $0x4000, $0x38;
	[tilespmem:$0x18100] =	vst v63  }
0x65: {  	_ =	swait.ge [sflag:s20], $0x4000  }
0x66: {  	[sflag:s20] =	ssyncset.done $0x0  }
0x67: {  	[sflag:s20] =	ssyncadd.s32 $0xFFFFC000  }
0x68: {  	[tilespmem:s19], [sflag:$0x2] =	stream.linear.gather [spmem:s7], $0x4000, $0x38;
	[tilespmem:$0x18100] =	vst v63  }
0x69: {  	_ =	swait.ge [sflag:s20], $0x4000  }
0x6a: {  	[sflag:s20] =	ssyncset.done $0x0  }
0x6b: {  	[sflag:s20] =	ssyncadd.s32 $0xFFFFC000  }
0x6c: {  	[hbm4b:s12+s3] =	stream.linear.scatter [tilespmem:s19], [sflag:$0x2], $0x4000, $0x38;
	[tilespmem:$0x18100] =	vst v63  }
0x6d: {  	_ =	swait.ge [sflag:s20], $0x4000  }
0x6e: {  	[sflag:s20] =	ssyncset.done $0x0  }
0x6f: {  	[sflag:s20] =	ssyncadd.s32 $0xFFFFC000  }
0x70: {  	[tilespmem:s19], [sflag:$0x2] =	stream.linear.gather [spmem:s8], $0x4000, $0x38;
	[tilespmem:$0x18100] =	vst v63  }
0x71: {  	_ =	swait.ge [sflag:s20], $0x4000  }
0x72: {  	[sflag:s20] =	ssyncset.done $0x0  }
0x73: {  	[sflag:s20] =	ssyncadd.s32 $0xFFFFC000  }
0x74: {  	[hbm4b:s13+s3] =	stream.linear.scatter [tilespmem:s19], [sflag:$0x2], $0x4000, $0x38;
	[tilespmem:$0x18100] =	vst v63  }
0x75: {  	_ =	swait.ge [sflag:s20], $0x4000  }
0x76: {  	[sflag:s20] =	ssyncset.done $0x0  }
0x77: {  	[sflag:s20] =	ssyncadd.s32 $0xFFFFC000  }
0x78: {  	[tilespmem:s19], [sflag:$0x2] =	stream.linear.gather [spmem:s9], $0x4000, $0x38;
	[tilespmem:$0x18100] =	vst v63  }
0x79: {  	_ =	swait.ge [sflag:s20], $0x4000  }
0x7a: {  	[sflag:s20] =	ssyncset.done $0x0  }
0x7b: {  	[sflag:s20] =	ssyncadd.s32 $0xFFFFC000  }
0x7c: {  	[hbm4b:s14+s3] =	stream.linear.scatter [tilespmem:s19], [sflag:$0x2], $0x4000, $0x38;
	[tilespmem:$0x18100] =	vst v63  }
0x7d: {  	_ =	swait.ge [sflag:s20], $0x4000  }
0x7e: {  	[sflag:s20] =	ssyncset.done $0x0  }
0x7f: {  	[sflag:s20] =	ssyncadd.s32 $0xFFFFC000  }
0x80: {  	[tilespmem:s19], [sflag:$0x2] =	stream.linear.gather [spmem:s10], $0x4000, $0x38;
	[tilespmem:$0x18100] =	vst v63  }
0x81: {  	s23 =	sadd.s32 $0x1, s23;
	_ =	swait.ge [sflag:s20], $0x4000  }
0x82: {  	p0 =	sne.s32 s23, s16;
	[sflag:s20] =	ssyncset.done $0x0  }
.Ltmp1:
0x83: {  	[sflag:s20] =	ssyncadd.s32 $0xFFFFC000;
	(pc) =	sbr.rel @p0 .LBB2_1-.Ltmp1, $4  }
0x84: {  	[hbm4b:s15+s3] =	stream.linear.scatter [tilespmem:s19], [sflag:$0x2], $0x4000, $0x38;
	[tilespmem:$0x18100] =	vst v63  }
0x85: {  	_ =	swait.ge [sflag:s20], $0x4000  }
0x86: {  	[sflag:s20] =	ssyncset.done $0x0  }
0x87: {  	[sflag:s20] =	ssyncadd.s32 $0xFFFFC000  }
0x88: {  	_ =	sfence.sel $0x180000  }
0x89: {  	[bflag:$0x0] =	sbarrier.arrive $0xFFFF  }
0x8a: {  	p0 =	sne.s32 s1, $0x0;
	_ =	strace $0x9000004A  }
0x8b: {  	s0 =	sadd.s32 @!p0 $0x100000, s0;
	[bflag:$0x2] =	sbarrier.arrive $0xFFFF  }
0x8c: {  	[sflag:s0] =	ssyncadd.tile.s32 @!p0 $0x1;
	_ =	shalt  }
.Lfunc_end2:
_tile_overlayer_lowered:
.L_overlay_start_2:
0x8d: {  	(tag) =	ssettag $0x2  }
0x8e: {  	s0 =	rddreg [dreg:$0x0];
	s2 =	stileid.u32  }
0x8f: {  	s1 =	rddreg [dreg:$0x1];
	p0 =	sne.s32 s2, $0x0  }
0x90: {  	s3 =	rddreg [dreg:$0x2];
	[bflag:$0x3] =	sbarrier.arrive $0xFFFF;
	s2 =	simm.s32 @!p0 $0x1C02  }
0x91: {  	[timem:s3], [sflag:s2] =	dma.local @!p0 [hbm:s0], s1  }
0x92: {  	s0 =	simm.s32 @!p0 $0x2  }
0x93: {  	_ =	swait.ge @!p0 [sflag:s0], s1  }
0x94: {  	s1 =	ssub.s32 @!p0 $0x0, s1;
	[sflag:s0] =	ssyncset.done @!p0 $0x0  }
0x95: {  	[sflag:s0] =	ssyncadd.s32 @!p0 s1  }
0x96: {  	[bflag:$0x3] =	sbarrier.arrive $0xFFFF  }
0x97: {  	_ =	shalt  }

// kernel: kernel.16.cloned.1.call-start
scs
__scs_entry_jumppad:
0x0: {  	(pc) =	sbr.rel $0x88, $3  }
0x1: {  	(tag) =	ssettag $0x0;
	lr =	simm.s32 $0x1  }
0x2: {  	[smem:$0x3F99] =	sst lr;
	_ =	strace $0xD0000000  }
0x3: {  	_ = 	snop  }
0x4: {  	_ = 	snop  }
0x5: {  	_ = 	snop  }
0x6: {  	_ = 	snop  }
0x7: {  	_ = 	snop  }
__scs_overlays_trampoline_lowered:
0x8: {  	[smem:$0x3FA8] =	sst s0  }
0x9: {  	[smem:$0x3FA9] =	sst s1  }
0xa: {  	[smem:$0x3FAA] =	sst s2  }
0xb: {  	[smem:$0x3FAB] =	sst s3  }
0xc: {  	[smem:$0x3FAC] =	sst s4  }
0xd: {  	[smem:$0x3FAD] =	sst s5  }
0xe: {  	[smem:$0x3FAE] =	sst s6  }
0xf: {  	[smem:$0x3FAF] =	sst s7  }
0x10: {  	[smem:$0x3FB0] =	sst s8  }
0x11: {  	[smem:$0x3FB1] =	sst s9;
	s0 =	simm.s32 @!p0 $0x0  }
0x12: {  	s1 =	sld [smem:$0x3F97];
	s0 =	simm.s32 @p0 $0x1  }
0x13: {  	[smem:$0x3FB2] =	sst s0;
	s0 =	simm.s32 @!p1 $0x0  }
0x14: {  	s2 =	sld [smem:$0x3F96];
	s0 =	simm.s32 @p1 $0x1  }
0x15: {  	[smem:$0x3FB3] =	sst s0;
	s0 =	simm.s32 @!p2 $0x0  }
0x16: {  	s3 =	sld [smem:$0x3FDB];
	s0 =	simm.s32 @p2 $0x1  }
0x17: {  	s4 =	simm.s32 $0x1BF5;
	[smem:$0x3FB5] =	sst s0  }
0x18: {  	s0 =	sld [smem:$0x3F98];
	_ =	swait.ge [sflag:s4], $0x0  }
0x19: {  	s7 =	sld [smem:$0x3F99]  }
0x1a: {  	s8 =	sadd.s32 $0xFFFFE003, lr  }
0x1b: {  	s9 =	sadd.s32 $0xFFFFFEF7, lr;
	s5 =	simm.s32 $0xFFFFFFFF;
	p2 =	slt.u32 s8, $0xFFFFF086  }
0x1c: {  	p1 =	slt.u32 s9, $0xF7A;
	s5 =	simm.s32 @!p2 $0x0  }
0x1d: {  	s5 =	simm.s32 @p1 $0x1;
	p0 =	seq.s32 s7, s2  }
0x1e: {  	s7 =	smul.u32 @!p0 $0xF7A, s2;
	p2 =	seq.s32 @!p0 s5, $0x0  }
0x1f: {  	s9 =	smul.u32 $0xF7A, s1;
	s8 =	simm.s32 @!p0 $0x1BF5;
	p2 =	por !p2, p0  }
0x20: {  	[sflag:s8] =	ssyncset.s32 @!p0 $0xFFFFF086;
	s6 =	sadd.s32 @!p0 s3, s7;
	s7 =	simm.s32 @!p0 $0x108  }
0x21: {  	s3 =	sadd.s32 s3, s9;
	s6 =	sadd.s32 @!p0 $0x88, s6;
	s7 =	simm.s32 @p2 $0x1082  }
0x22: {  	[simem:s7], [sflag:s8] =	dma.local @!p0 [hbm:s6], $0xF7A  }
0x23: {  	s9 =	sor.u32 $0xD0000000, s2;
	s6 =	simm.s32 $0x108;
	_ =	swait.ge @!p0 [sflag:s8], $0x0  }
0x24: {  	s3 =	sadd.s32 $0x88, s3;
	s6 =	simm.s32 @!p1 $0x1082;
	[sflag:s4] =	ssyncset.s32 $0xFFFFF086  }
0x25: {  	[simem:s6], [sflag:s4] =	dma.local [hbm:s3], $0xF7A  }
0x26: {  	[smem:$0x3F99] =	sst s1;
	(tag) =	ssettag s2;
	_ =	strace s9  }
0x27: {  	s1 =	sld [smem:$0x3FA9]  }
0x28: {  	s2 =	sld [smem:$0x3FAA]  }
0x29: {  	s4 =	sld [smem:$0x3FAC]  }
0x2a: {  	p0 =	seq.s32 s5, $0x0;
	s5 =	sld [smem:$0x3FAD]  }
0x2b: {  	s6 =	sld [smem:$0x3FAE]  }
0x2c: {  	s7 =	sld [smem:$0x3FAF]  }
0x2d: {  	s3 =	simm.s32 $0x108;
	s8 =	sld [smem:$0x3FB0]  }
0x2e: {  	s3 =	simm.s32 @!p0 $0x1082;
	s9 =	sld [smem:$0x3FB1]  }
0x2f: {  	lr =	sadd.s32 s0, s3;
	s0 =	sld [smem:$0x3FA8]  }
0x30: {  	s3 =	sld [smem:$0x3FAB]  }
0x31: {  	[smem:$0x3FB4] =	sst s10  }
0x32: {  	s10 =	sld [smem:$0x3FB2];
	_ =	sdelay $0x3  }
0x33: {  	p0 =	seq.s32 s10, $0x1;
	s10 =	sld [smem:$0x3FB4];
	_ =	sdelay $0x3  }
0x34: {  	[smem:$0x3FB4] =	sst s10  }
0x35: {  	s10 =	sld [smem:$0x3FB3];
	_ =	sdelay $0x3  }
0x36: {  	p1 =	seq.s32 s10, $0x1;
	s10 =	sld [smem:$0x3FB4];
	_ =	sdelay $0x3  }
0x37: {  	[smem:$0x3FB4] =	sst s10  }
0x38: {  	s10 =	sld [smem:$0x3FB5]  }
0x39: {  	_ = 	snop;
	(pc) =	sbr.ind lr, $3  }
0x3a: {  	_ = 	snop  }
0x3b: {  	_ = 	snop  }
0x3c: {  	p2 =	seq.s32 s10, $0x1;
	s10 =	sld [smem:$0x3FB4]  }
0x3d: {  	_ =	shalt  }
0x3e: {  	_ =	shalt  }
0x3f: {  	_ =	shalt  }
0x40: {  	_ =	shalt  }
0x41: {  	_ =	shalt  }
0x42: {  	_ =	shalt  }
0x43: {  	_ =	shalt  }
0x44: {  	_ =	shalt  }
0x45: {  	_ =	shalt  }
0x46: {  	_ =	shalt  }
0x47: {  	_ =	shalt  }
0x48: {  	_ =	shalt  }
0x49: {  	_ =	shalt  }
0x4a: {  	_ =	shalt  }
0x4b: {  	_ =	shalt  }
0x4c: {  	_ =	shalt  }
0x4d: {  	_ =	shalt  }
0x4e: {  	_ =	shalt  }
0x4f: {  	_ =	shalt  }
0x50: {  	_ =	shalt  }
0x51: {  	_ =	shalt  }
0x52: {  	_ =	shalt  }
0x53: {  	_ =	shalt  }
0x54: {  	_ =	shalt  }
0x55: {  	_ =	shalt  }
0x56: {  	_ =	shalt  }
0x57: {  	_ =	shalt  }
0x58: {  	_ =	shalt  }
0x59: {  	_ =	shalt  }
0x5a: {  	_ =	shalt  }
0x5b: {  	_ =	shalt  }
0x5c: {  	_ =	shalt  }
0x5d: {  	_ =	shalt  }
0x5e: {  	_ =	shalt  }
0x5f: {  	_ =	shalt  }
0x60: {  	_ =	shalt  }
0x61: {  	_ =	shalt  }
0x62: {  	_ =	shalt  }
0x63: {  	_ =	shalt  }
0x64: {  	_ =	shalt  }
0x65: {  	_ =	shalt  }
0x66: {  	_ =	shalt  }
0x67: {  	_ =	shalt  }
0x68: {  	_ =	shalt  }
0x69: {  	_ =	shalt  }
0x6a: {  	_ =	shalt  }
0x6b: {  	_ =	shalt  }
0x6c: {  	_ =	shalt  }
0x6d: {  	_ =	shalt  }
0x6e: {  	_ =	shalt  }
0x6f: {  	_ =	shalt  }
0x70: {  	_ =	shalt  }
0x71: {  	_ =	shalt  }
0x72: {  	_ =	shalt  }
0x73: {  	_ =	shalt  }
0x74: {  	_ =	shalt  }
0x75: {  	_ =	shalt  }
0x76: {  	_ =	shalt  }
0x77: {  	_ =	shalt  }
0x78: {  	_ =	shalt  }
0x79: {  	_ =	shalt  }
0x7a: {  	_ =	shalt  }
0x7b: {  	_ =	shalt  }
0x7c: {  	_ =	shalt  }
0x7d: {  	_ =	shalt  }
0x7e: {  	_ =	shalt  }
0x7f: {  	_ =	shalt  }
0x80: {  	_ =	shalt  }
0x81: {  	_ =	shalt  }
0x82: {  	_ =	shalt  }
0x83: {  	_ =	shalt  }
0x84: {  	_ =	shalt  }
0x85: {  	_ =	shalt  }
0x86: {  	_ =	shalt  }
0x87: {  	_ =	shalt  }
.Lfunc_end0:
.L_simem_size_0:
called_computation.2_lowered:
.L_overlay_start_0:
0x88: {  	s2 =	sld [smem:$0x3FD9]  }
0x89: {  	s3 =	sld [smem:$0x3FFE];
	_ =	sdelay $0x1  }
0x8a: {  	s1 =	srdreg.scid  }
0x8b: {  	s0 =	sand.u32 $0x1, s1  }
0x8c: {  	s16 =	sshll.u32 s0, $0xA;
	s2 =	sadd.s32 s3, s2  }
0x8d: {  	s2 =	sadd.s32 s2, s16  }
0x8e: {  	[smem:$0x3FC0] =	sst s2  }
0x8f: {  	_ = 	snop  }
0x90: {  	(tm) =	ssettm $0x1  }
0x91: {  	s17 =	sld [smem:$0x3FFB];
	_ =	sdelay $0x3  }
0x92: {  	_ =	strace s17  }
0x93: {  	s2 =	sld [smem:$0x3FFC];
	_ =	sdelay $0x3  }
0x94: {  	_ =	strace s2  }
0x95: {  	s2 =	sld [smem:$0x3FFD];
	_ =	sdelay $0x3  }
0x96: {  	_ =	strace s2  }
0x97: {  	_ =	strace $0x8FFFFFFF  }
0x98: {  	s18 =	sld [smem:$0x3FDB];
	_ =	sdelay $0x1  }
0x99: {  	s19 =	simm.s32 $_scs_section_size  }
0x9a: {  	s4 =	simm.s32 $_size__tile_overlayer_lowered;
	s5 =	simm.s32 $_tile_overlayer_lowered  }
0x9b: {  	s22 =	simm.s32 $0x1BFF;
	s21 =	sshll.u32 s5, $0x1;
	s2 =	sadd.s32 s19, s18  }
0x9c: {  	s6 =	simm.s32 $0x0;
	s20 =	sshll.u32 s4, $0x1;
	s4 =	sadd.s32 s21, s2  }
0x9d: {  	[timem:s6], [sflag:s22] =	dma.local [hbm:s4], s20  }
0x9e: {  	_ =	swait.ge [sflag:s22], s20  }
0x9f: {  	s3 =	ssub.s32 $0x0, s20;
	[sflag:s22] =	ssyncset.done $0x0  }
0xa0: {  	[sflag:s22] =	ssyncadd.s32 s3;
	_ =	sdelay $0x1  }
0xa1: {  	s23 =	simm.s32 $0x1B8B  }
0xa2: {  	_ =	swait.ge [sflag:s23], $0x1  }
0xa3: {  	[sflag:s23] =	ssyncset.done $0x0  }
0xa4: {  	s25 =	simm.s32 $0x1B8E;
	s24 =	sld [smem:$0x3FFE];
	[sflag:s23] =	ssyncadd.s32 $0xFFFFFFFF  }
0xa5: {  	s26 =	simm.s32 $execute0_lowered;
	[smem:$0x3FD2] =	sst s25  }
0xa6: {  	s4 =	sshll.u32 s26, $0x1;
	_ =	strace $0x8000004C;
	[dreg:$0x1] =	wrdreg $0xFFFFFFFF  }
0xa7: {  	s28 =	simm.s32 $_size_execute0_lowered;
	s2 =	sadd.s32 s2, s4;
	[dreg:$0x0] =	wrdreg $0x0  }
0xa8: {  	s4 =	sshll.u32 s28, $0x1;
	[dreg:$0x2] =	wrdreg s2  }
0xa9: {  	[dreg:$0x3] =	wrdreg s4  }
0xaa: {  	[dreg:$0x4] =	wrdreg $0xC0  }
0xab: {  	_ =	task [dreg:s6], $0x5FFFF  }
0xac: {  	[dreg:$0x1] =	wrdreg $0xFFFFFFFF  }
0xad: {  	[dreg:$0x0] =	wrdreg $0x60  }
0xae: {  	[dreg:$0x2] =	wrdreg s24  }
0xaf: {  	[dreg:$0x3] =	wrdreg $0x41000  }
0xb0: {  	[dreg:$0x4] =	wrdreg $0x9  }
0xb1: {  	_ =	task.clear_ibuf [dreg:s6], $0x5FFFF;
	_ =	strace $0x9000004C  }
0xb2: {  	s29 =	simm.s32 $0x9;
	_ =	strace $0x8000004E  }
0xb3: {  	_ =	swait.ge [sflag:s29], $0x1  }
0xb4: {  	[sflag:s29] =	ssyncadd.s32 $0xFFFFFFFF  }
0xb5: {  	_ =	strace $0x9000004E  }
0xb6: {  	_ =	sfence  }
0xb7: {  	s30 =	sld [smem:$0x0];
	_ =	sdelay $0x2  }
0xb8: {  	s31 =	sshll.u32 s1, $0xD;
	s1 =	sshrl.u32 s1, $0x2  }
0xb9: {  	s3 =	sand.u32 $0x4000, s31;
	s1 =	sadd.s32 s1, s30  }
0xba: {  	s0 =	sor.u32 s3, s0;
	s1 =	sshll.u32 s1, $0x11  }
0xbb: {  	s0 =	sor.u32 s1, s0  }
0xbc: {  	s0 =	sadd.s32 $0x8F2B, s0  }
0xbd: {  	[sflag:s0] =	ssyncadd.remote.s32 $0x1  }
0xbe: {  	_ =	sfence.sel $0xFFFF  }
0xbf: {  	[dreg:$0x0] =	wrdreg $0xFFFFFFFF;
	(pc) =	sbr.abs _section_cstart, $3  }
0xc0: {  	[dreg:$0x1] =	wrdreg $0xFFFFFFFF  }
0xc1: {  	_ =	task.clear_ibuf [dreg:s6], $0x2FFFF;
	_ =	strace $0x9FFFFFFF  }
0xc2: {  	(tm) =	ssettm $0x7FFFFFFF  }
0xc3: {  	_ =	shalt  }
tec
execute0_lowered:
.L_overlay_start_1:
0x0: {  	(tag) =	ssettag $0x1  }
0x1: {  	s6 =	rddreg [dreg:$0x0]  }
0x2: {  	s2 =	rddreg [dreg:$0x1]  }
0x3: {  	s0 =	rddreg [dreg:$0x2];
	s1 =	stileid.u32  }
0x4: {  	s3 =	simm.s32 $0x0;
	s7 =	srdreg.scid;
	s5 =	smul.u32 $0x9E0, s1  }
0x5: {  	s22 =	simm.s32 $0x1;
	s23 =	simm.s32 $0x0;
	s25 =	smul.u32 $0x50000, s1  }
0x6: {  	[smem:$0x7FF] =	sst s3;
	s13 =	sand.u32 $0x1, s7;
	s10 =	smul.u32 $0x14000, s1  }
0x7: {  	s4 =	sadd.s32 $0x68C00, s6;
	s16 =	sadd.s32 $0x90C00, s6;
	s19 =	smul.u32 $0x140000, s13  }
0x8: {  	_ =	strace $0x8000004D;
	s8 =	ssub.s32 $0x2, s13;
	s28 =	smul.u32 $0x4F0, s13  }
0x9: {  	s15 =	sadd.s32 s5, s6;
	s5 =	sadd.s32 $0x4000, s6;
	s26 =	sshrl.u32 s8, $0x1  }
0xa: {  	s7 =	sshrl.u32 s25, $0x2;
	s11 =	sadd.s32 $0x4000, s10;
	s14 =	sadd.s32 $0x8000, s10  }
0xb: {  	s18 =	sadd.s32 $0xC000, s10;
	s20 =	sadd.s32 $0x10000, s10;
	s17 =	ssub.s32 s8, s26  }
0xc: {  	s6 =	sadd.s32 s7, s2;
	s7 =	sadd.s32 s11, s2;
	s8 =	sadd.s32 s14, s2  }
0xd: {  	s9 =	sadd.s32 s18, s2;
	s12 =	sadd.s32 s10, s19;
	s11 =	sadd.s32 s19, s11  }
0xe: {  	s10 =	sadd.s32 s20, s2;
	s14 =	sadd.s32 s19, s14;
	s18 =	sadd.s32 s19, s18  }
0xf: {  	s30 =	sadd.s32 s19, s20;
	s31 =	sadd.s32 s28, s15;
	s19 =	simm.s32 $0x100  }
0x10: {  	s20 =	simm.s32 $0x2;
	s12 =	sshrl.u32 s12, $0x3;
	s21 =	sshrl.u32 s11, $0x3  }
0x11: {  	s14 =	sshrl.u32 s14, $0x3;
	s29 =	sshrl.u32 s18, $0x3;
	s18 =	sshrl.u32 s30, $0x3  }
0x12: {  	s11 =	sadd.s32 s16, s12;
	s12 =	sadd.s32 s16, s21;
	s13 =	sadd.s32 s16, s14  }
0x13: {  	s14 =	sadd.s32 s16, s29;
	s15 =	sadd.s32 s16, s18;
	s16 =	smax.u32 s17, $0x1  }
0x14: {  	s17 =	sadd.s32 $0x55000, s31;
	s18 =	sadd.s32 $0x5EE00, s31;
	s21 =	simm.s32 $0x80  }
.LBB2_1:
0x15: {  	[tilespmem:s19], [sflag:$0x2] =	stream.linear.gather [hbm4b:s5+s3], $0x4000, $0x38;
	[tilespmem:$0x18100] =	vst v63  }
0x16: {  	_ =	swait.ge [sflag:s20], $0x4000  }
0x17: {  	[sflag:s20] =	ssyncset.done $0x0  }
0x18: {  	[sflag:s20] =	ssyncadd.s32 $0xFFFFC000  }
0x19: {  	[spmem:s6] =	stream.linear.scatter [tilespmem:s19], [sflag:$0x2], $0x4000, $0x38;
	[tilespmem:$0x18100] =	vst v63  }
0x1a: {  	_ =	swait.ge [sflag:s20], $0x4000  }
0x1b: {  	[sflag:s20] =	ssyncset.done $0x0  }
0x1c: {  	[sflag:s20] =	ssyncadd.s32 $0xFFFFC000  }
0x1d: {  	[spmem:s7] =	stream.linear.scatter [tilespmem:s19], [sflag:$0x2], $0x4000, $0x38;
	[tilespmem:$0x18100] =	vst v63  }
0x1e: {  	_ =	swait.ge [sflag:s20], $0x4000  }
0x1f: {  	[sflag:s20] =	ssyncset.done $0x0  }
0x20: {  	[sflag:s20] =	ssyncadd.s32 $0xFFFFC000  }
0x21: {  	[spmem:s8] =	stream.linear.scatter [tilespmem:s19], [sflag:$0x2], $0x4000, $0x38;
	[tilespmem:$0x18100] =	vst v63  }
0x22: {  	_ =	swait.ge [sflag:s20], $0x4000  }
0x23: {  	[sflag:s20] =	ssyncset.done $0x0  }
0x24: {  	[sflag:s20] =	ssyncadd.s32 $0xFFFFC000  }
0x25: {  	[spmem:s9] =	stream.linear.scatter [tilespmem:s19], [sflag:$0x2], $0x4000, $0x38;
	[tilespmem:$0x18100] =	vst v63  }
0x26: {  	_ =	swait.ge [sflag:s20], $0x4000  }
0x27: {  	[sflag:s20] =	ssyncset.done $0x0  }
0x28: {  	[sflag:s20] =	ssyncadd.s32 $0xFFFFC000  }
0x29: {  	[spmem:s10] =	stream.linear.scatter [tilespmem:s19], [sflag:$0x2], $0x4000, $0x38;
	[tilespmem:$0x18100] =	vst v63  }
0x2a: {  	_ =	swait.ge [sflag:s20], $0x4000  }
0x2b: {  	[sflag:s20] =	ssyncset.done $0x0  }
0x2c: {  	[sflag:s20] =	ssyncadd.s32 $0xFFFFC000  }
0x2d: {  	s24 =	sadd.s32 $0x0, s18;
	[bflag:$0x0] =	sbarrier.arrive $0xFFFF  }
0x2e: {  	[tilespmem:s3], [sflag:$0x2] =	stream.linear.gather [hbm4b:s24+s3], $0x80, $0x38;
	[tilespmem:$0x18100] =	vst v63  }
0x2f: {  	_ =	swait.ge [sflag:s20], $0x80  }
0x30: {  	[sflag:s20] =	ssyncset.done $0x0  }
0x31: {  	[sflag:s20] =	ssyncadd.s32 $0xFFFFFF80  }
0x32: {  	[tilespmem:s19], [sflag:$0x1] =	stream.indirect.gather [hbm4b:s4+s21], $0x80, s3, s21, $0xb8;
	[tilespmem:$0x18100] =	vst v63  }
0x33: {  	_ =	swait.ge [sflag:s22], $0x4000  }
0x34: {  	[sflag:s22] =	ssyncset.done $0x0  }
0x35: {  	s31 =	sadd.s32 $0x0, s17;
	[sflag:s22] =	ssyncadd.s32 $0xFFFFC000  }
0x36: {  	[tilespmem:s21], [sflag:$0x2] =	stream.linear.gather [hbm4b:s31+s3], $0x80, $0x38;
	[tilespmem:$0x18100] =	vst v63  }
0x37: {  	_ =	swait.ge [sflag:s20], $0x80  }
0x38: {  	[sflag:s20] =	ssyncset.done $0x0  }
0x39: {  	[sflag:s20] =	ssyncadd.s32 $0xFFFFFF80  }
0x3a: {  	[spmem:s2] =	stream.indirect.scatter.add.f32 [tilespmem:s19], [sflag:$0x2], $0x80, s21, s21, $0xb8;
	[tilespmem:$0x18100] =	vst v63  }
0x3b: {  	_ =	swait.ge [sflag:s20], $0x4000  }
0x3c: {  	s25 =	simm.s32 $0x20;
	s24 =	simm.s32 $0x10;
	[sflag:s20] =	ssyncset.done $0x0  }
.LBB2_2:
0x3d: {  	s26 =	sadd.s32 s24, s18  }
0x3e: {  	[sflag:s20] =	ssyncadd.s32 $0xFFFFC000;
	s28 =	smov.u32 s25;
	s29 =	sadd.s32 $0x10, s25  }
0x3f: {  	[tilespmem:s3], [sflag:$0x2] =	stream.linear.gather [hbm4b:s26+s3], $0x80, $0x38;
	[tilespmem:$0x18100] =	vst v63  }
0x40: {  	p0 =	sne.s32 s25, $0x4E0;
	_ =	swait.ge [sflag:s20], $0x80  }
0x41: {  	[sflag:s20] =	ssyncset.done $0x0  }
0x42: {  	[sflag:s20] =	ssyncadd.s32 $0xFFFFFF80  }
0x43: {  	[tilespmem:s19], [sflag:$0x1] =	stream.indirect.gather [hbm4b:s4+s21], $0x80, s3, s21, $0xb8;
	[tilespmem:$0x18100] =	vst v63  }
0x44: {  	_ =	swait.ge [sflag:s22], $0x4000  }
0x45: {  	[sflag:s22] =	ssyncset.done $0x0  }
0x46: {  	s25 =	sadd.s32 s24, s17;
	s24 =	smov.u32 s28;
	[sflag:s22] =	ssyncadd.s32 $0xFFFFC000  }
0x47: {  	[tilespmem:s21], [sflag:$0x2] =	stream.linear.gather [hbm4b:s25+s3], $0x80, $0x38;
	[tilespmem:$0x18100] =	vst v63  }
0x48: {  	_ =	swait.ge [sflag:s20], $0x80  }
.Ltmp0:
0x49: {  	[sflag:s20] =	ssyncset.done $0x0;
	(pc) =	sbr.rel @p0 .LBB2_2-.Ltmp0, $4  }
0x4a: {  	[sflag:s20] =	ssyncadd.s32 $0xFFFFFF80  }
0x4b: {  	[spmem:s2] =	stream.indirect.scatter.add.f32 [tilespmem:s19], [sflag:$0x2], $0x80, s21, s21, $0xb8;
	[tilespmem:$0x18100] =	vst v63  }
0x4c: {  	_ =	swait.ge [sflag:s20], $0x4000  }
0x4d: {  	s25 =	smov.u32 s29;
	[sflag:s20] =	ssyncset.done $0x0  }
0x4e: {  	s25 =	sadd.s32 s24, s18;
	[sflag:s20] =	ssyncadd.s32 $0xFFFFC000  }
0x4f: {  	[tilespmem:s3], [sflag:$0x2] =	stream.linear.gather [hbm4b:s25+s3], $0x80, $0x38;
	[tilespmem:$0x18100] =	vst v63  }
0x50: {  	_ =	swait.ge [sflag:s20], $0x80  }
0x51: {  	[sflag:s20] =	ssyncset.done $0x0  }
0x52: {  	[sflag:s20] =	ssyncadd.s32 $0xFFFFFF80  }
0x53: {  	[tilespmem:s19], [sflag:$0x1] =	stream.indirect.gather [hbm4b:s4+s21], $0x80, s3, s21, $0xb8;
	[tilespmem:$0x18100] =	vst v63  }
0x54: {  	_ =	swait.ge [sflag:s22], $0x4000  }
0x55: {  	[sflag:s22] =	ssyncset.done $0x0  }
0x56: {  	s31 =	sadd.s32 s24, s17;
	[sflag:s22] =	ssyncadd.s32 $0xFFFFC000  }
0x57: {  	[tilespmem:s21], [sflag:$0x2] =	stream.linear.gather [hbm4b:s31+s3], $0x80, $0x38;
	[tilespmem:$0x18100] =	vst v63  }
0x58: {  	_ =	swait.ge [sflag:s20], $0x80  }
0x59: {  	[sflag:s20] =	ssyncset.done $0x0  }
0x5a: {  	[sflag:s20] =	ssyncadd.s32 $0xFFFFFF80  }
0x5b: {  	[spmem:s2] =	stream.indirect.scatter.add.f32 [tilespmem:s19], [sflag:$0x2], $0x80, s21, s21, $0xb8;
	[tilespmem:$0x18100] =	vst v63  }
0x5c: {  	_ =	swait.ge [sflag:s20], $0x4000  }
0x5d: {  	[sflag:s20] =	ssyncset.done $0x0  }
0x5e: {  	[sflag:s20] =	ssyncadd.s32 $0xFFFFC000  }
0x5f: {  	[bflag:$0x0] =	sbarrier.arrive $0xFFFF  }
0x60: {  	[tilespmem:s19], [sflag:$0x2] =	stream.linear.gather [spmem:s6], $0x4000, $0x38;
	[tilespmem:$0x18100] =	vst v63  }
0x61: {  	_ =	swait.ge [sflag:s20], $0x4000  }
0x62: {  	[sflag:s20] =	ssyncset.done $0x0  }
0x63: {  	[sflag:s20] =	ssyncadd.s32 $0xFFFFC000  }
0x64: {  	[hbm4b:s11+s3] =	stream.linear.scatter [tilespmem:s19], [sflag:$0x2], $0x4000, $0x38;
	[tilespmem:$0x18100] =	vst v63  }
0x65: {  	_ =	swait.ge [sflag:s20], $0x4000  }
0x66: {  	[sflag:s20] =	ssyncset.done $0x0  }
0x67: {  	[sflag:s20] =	ssyncadd.s32 $0xFFFFC000  }
0x68: {  	[tilespmem:s19], [sflag:$0x2] =	stream.linear.gather [spmem:s7], $0x4000, $0x38;
	[tilespmem:$0x18100] =	vst v63  }
0x69: {  	_ =	swait.ge [sflag:s20], $0x4000  }
0x6a: {  	[sflag:s20] =	ssyncset.done $0x0  }
0x6b: {  	[sflag:s20] =	ssyncadd.s32 $0xFFFFC000  }
0x6c: {  	[hbm4b:s12+s3] =	stream.linear.scatter [tilespmem:s19], [sflag:$0x2], $0x4000, $0x38;
	[tilespmem:$0x18100] =	vst v63  }
0x6d: {  	_ =	swait.ge [sflag:s20], $0x4000  }
0x6e: {  	[sflag:s20] =	ssyncset.done $0x0  }
0x6f: {  	[sflag:s20] =	ssyncadd.s32 $0xFFFFC000  }
0x70: {  	[tilespmem:s19], [sflag:$0x2] =	stream.linear.gather [spmem:s8], $0x4000, $0x38;
	[tilespmem:$0x18100] =	vst v63  }
0x71: {  	_ =	swait.ge [sflag:s20], $0x4000  }
0x72: {  	[sflag:s20] =	ssyncset.done $0x0  }
0x73: {  	[sflag:s20] =	ssyncadd.s32 $0xFFFFC000  }
0x74: {  	[hbm4b:s13+s3] =	stream.linear.scatter [tilespmem:s19], [sflag:$0x2], $0x4000, $0x38;
	[tilespmem:$0x18100] =	vst v63  }
0x75: {  	_ =	swait.ge [sflag:s20], $0x4000  }
0x76: {  	[sflag:s20] =	ssyncset.done $0x0  }
0x77: {  	[sflag:s20] =	ssyncadd.s32 $0xFFFFC000  }
0x78: {  	[tilespmem:s19], [sflag:$0x2] =	stream.linear.gather [spmem:s9], $0x4000, $0x38;
	[tilespmem:$0x18100] =	vst v63  }
0x79: {  	_ =	swait.ge [sflag:s20], $0x4000  }
0x7a: {  	[sflag:s20] =	ssyncset.done $0x0  }
0x7b: {  	[sflag:s20] =	ssyncadd.s32 $0xFFFFC000  }
0x7c: {  	[hbm4b:s14+s3] =	stream.linear.scatter [tilespmem:s19], [sflag:$0x2], $0x4000, $0x38;
	[tilespmem:$0x18100] =	vst v63  }
0x7d: {  	_ =	swait.ge [sflag:s20], $0x4000  }
0x7e: {  	[sflag:s20] =	ssyncset.done $0x0  }
0x7f: {  	[sflag:s20] =	ssyncadd.s32 $0xFFFFC000  }
0x80: {  	[tilespmem:s19], [sflag:$0x2] =	stream.linear.gather [spmem:s10], $0x4000, $0x38;
	[tilespmem:$0x18100] =	vst v63  }
0x81: {  	s23 =	sadd.s32 $0x1, s23;
	_ =	swait.ge [sflag:s20], $0x4000  }
0x82: {  	p0 =	sne.s32 s23, s16;
	[sflag:s20] =	ssyncset.done $0x0  }
.Ltmp1:
0x83: {  	[sflag:s20] =	ssyncadd.s32 $0xFFFFC000;
	(pc) =	sbr.rel @p0 .LBB2_1-.Ltmp1, $4  }
0x84: {  	[hbm4b:s15+s3] =	stream.linear.scatter [tilespmem:s19], [sflag:$0x2], $0x4000, $0x38;
	[tilespmem:$0x18100] =	vst v63  }
0x85: {  	_ =	swait.ge [sflag:s20], $0x4000  }
0x86: {  	[sflag:s20] =	ssyncset.done $0x0  }
0x87: {  	[sflag:s20] =	ssyncadd.s32 $0xFFFFC000  }
0x88: {  	_ =	sfence.sel $0x180000  }
0x89: {  	[bflag:$0x0] =	sbarrier.arrive $0xFFFF  }
0x8a: {  	p0 =	sne.s32 s1, $0x0;
	_ =	strace $0x9000004D  }
0x8b: {  	s0 =	sadd.s32 @!p0 $0x100000, s0;
	[bflag:$0x2] =	sbarrier.arrive $0xFFFF  }
0x8c: {  	[sflag:s0] =	ssyncadd.tile.s32 @!p0 $0x1;
	_ =	shalt  }
.Lfunc_end2:
_tile_overlayer_lowered:
.L_overlay_start_2:
0x8d: {  	(tag) =	ssettag $0x2  }
0x8e: {  	s0 =	rddreg [dreg:$0x0];
	s2 =	stileid.u32  }
0x8f: {  	s1 =	rddreg [dreg:$0x1];
	p0 =	sne.s32 s2, $0x0  }
0x90: {  	s3 =	rddreg [dreg:$0x2];
	[bflag:$0x3] =	sbarrier.arrive $0xFFFF;
	s2 =	simm.s32 @!p0 $0x1C02  }
0x91: {  	[timem:s3], [sflag:s2] =	dma.local @!p0 [hbm:s0], s1  }
0x92: {  	s0 =	simm.s32 @!p0 $0x2  }
0x93: {  	_ =	swait.ge @!p0 [sflag:s0], s1  }
0x94: {  	s1 =	ssub.s32 @!p0 $0x0, s1;
	[sflag:s0] =	ssyncset.done @!p0 $0x0  }
0x95: {  	[sflag:s0] =	ssyncadd.s32 @!p0 s1  }
0x96: {  	[bflag:$0x3] =	sbarrier.arrive $0xFFFF  }
0x97: {  	_ =	shalt  }

// kernel: kernel.19.cloned.1.call-start
scs
__scs_entry_jumppad:
0x0: {  	(pc) =	sbr.rel $0x88, $3  }
0x1: {  	(tag) =	ssettag $0x0;
	lr =	simm.s32 $0x1  }
0x2: {  	[smem:$0x3F99] =	sst lr;
	_ =	strace $0xD0000000  }
0x3: {  	_ = 	snop  }
0x4: {  	_ = 	snop  }
0x5: {  	_ = 	snop  }
0x6: {  	_ = 	snop  }
0x7: {  	_ = 	snop  }
__scs_overlays_trampoline_lowered:
0x8: {  	[smem:$0x3FA8] =	sst s0  }
0x9: {  	[smem:$0x3FA9] =	sst s1  }
0xa: {  	[smem:$0x3FAA] =	sst s2  }
0xb: {  	[smem:$0x3FAB] =	sst s3  }
0xc: {  	[smem:$0x3FAC] =	sst s4  }
0xd: {  	[smem:$0x3FAD] =	sst s5  }
0xe: {  	[smem:$0x3FAE] =	sst s6  }
0xf: {  	[smem:$0x3FAF] =	sst s7  }
0x10: {  	[smem:$0x3FB0] =	sst s8  }
0x11: {  	[smem:$0x3FB1] =	sst s9;
	s0 =	simm.s32 @!p0 $0x0  }
0x12: {  	s1 =	sld [smem:$0x3F97];
	s0 =	simm.s32 @p0 $0x1  }
0x13: {  	[smem:$0x3FB2] =	sst s0;
	s0 =	simm.s32 @!p1 $0x0  }
0x14: {  	s2 =	sld [smem:$0x3F96];
	s0 =	simm.s32 @p1 $0x1  }
0x15: {  	[smem:$0x3FB3] =	sst s0;
	s0 =	simm.s32 @!p2 $0x0  }
0x16: {  	s3 =	sld [smem:$0x3FDB];
	s0 =	simm.s32 @p2 $0x1  }
0x17: {  	s4 =	simm.s32 $0x1BF5;
	[smem:$0x3FB5] =	sst s0  }
0x18: {  	s0 =	sld [smem:$0x3F98];
	_ =	swait.ge [sflag:s4], $0x0  }
0x19: {  	s7 =	sld [smem:$0x3F99]  }
0x1a: {  	s8 =	sadd.s32 $0xFFFFE003, lr  }
0x1b: {  	s9 =	sadd.s32 $0xFFFFFEF7, lr;
	s5 =	simm.s32 $0xFFFFFFFF;
	p2 =	slt.u32 s8, $0xFFFFF086  }
0x1c: {  	p1 =	slt.u32 s9, $0xF7A;
	s5 =	simm.s32 @!p2 $0x0  }
0x1d: {  	s5 =	simm.s32 @p1 $0x1;
	p0 =	seq.s32 s7, s2  }
0x1e: {  	s7 =	smul.u32 @!p0 $0xF7A, s2;
	p2 =	seq.s32 @!p0 s5, $0x0  }
0x1f: {  	s9 =	smul.u32 $0xF7A, s1;
	s8 =	simm.s32 @!p0 $0x1BF5;
	p2 =	por !p2, p0  }
0x20: {  	[sflag:s8] =	ssyncset.s32 @!p0 $0xFFFFF086;
	s6 =	sadd.s32 @!p0 s3, s7;
	s7 =	simm.s32 @!p0 $0x108  }
0x21: {  	s3 =	sadd.s32 s3, s9;
	s6 =	sadd.s32 @!p0 $0x88, s6;
	s7 =	simm.s32 @p2 $0x1082  }
0x22: {  	[simem:s7], [sflag:s8] =	dma.local @!p0 [hbm:s6], $0xF7A  }
0x23: {  	s9 =	sor.u32 $0xD0000000, s2;
	s6 =	simm.s32 $0x108;
	_ =	swait.ge @!p0 [sflag:s8], $0x0  }
0x24: {  	s3 =	sadd.s32 $0x88, s3;
	s6 =	simm.s32 @!p1 $0x1082;
	[sflag:s4] =	ssyncset.s32 $0xFFFFF086  }
0x25: {  	[simem:s6], [sflag:s4] =	dma.local [hbm:s3], $0xF7A  }
0x26: {  	[smem:$0x3F99] =	sst s1;
	(tag) =	ssettag s2;
	_ =	strace s9  }
0x27: {  	s1 =	sld [smem:$0x3FA9]  }
0x28: {  	s2 =	sld [smem:$0x3FAA]  }
0x29: {  	s4 =	sld [smem:$0x3FAC]  }
0x2a: {  	p0 =	seq.s32 s5, $0x0;
	s5 =	sld [smem:$0x3FAD]  }
0x2b: {  	s6 =	sld [smem:$0x3FAE]  }
0x2c: {  	s7 =	sld [smem:$0x3FAF]  }
0x2d: {  	s3 =	simm.s32 $0x108;
	s8 =	sld [smem:$0x3FB0]  }
0x2e: {  	s3 =	simm.s32 @!p0 $0x1082;
	s9 =	sld [smem:$0x3FB1]  }
0x2f: {  	lr =	sadd.s32 s0, s3;
	s0 =	sld [smem:$0x3FA8]  }
0x30: {  	s3 =	sld [smem:$0x3FAB]  }
0x31: {  	[smem:$0x3FB4] =	sst s10  }
0x32: {  	s10 =	sld [smem:$0x3FB2];
	_ =	sdelay $0x3  }
0x33: {  	p0 =	seq.s32 s10, $0x1;
	s10 =	sld [smem:$0x3FB4];
	_ =	sdelay $0x3  }
0x34: {  	[smem:$0x3FB4] =	sst s10  }
0x35: {  	s10 =	sld [smem:$0x3FB3];
	_ =	sdelay $0x3  }
0x36: {  	p1 =	seq.s32 s10, $0x1;
	s10 =	sld [smem:$0x3FB4];
	_ =	sdelay $0x3  }
0x37: {  	[smem:$0x3FB4] =	sst s10  }
0x38: {  	s10 =	sld [smem:$0x3FB5]  }
0x39: {  	_ = 	snop;
	(pc) =	sbr.ind lr, $3  }
0x3a: {  	_ = 	snop  }
0x3b: {  	_ = 	snop  }
0x3c: {  	p2 =	seq.s32 s10, $0x1;
	s10 =	sld [smem:$0x3FB4]  }
0x3d: {  	_ =	shalt  }
0x3e: {  	_ =	shalt  }
0x3f: {  	_ =	shalt  }
0x40: {  	_ =	shalt  }
0x41: {  	_ =	shalt  }
0x42: {  	_ =	shalt  }
0x43: {  	_ =	shalt  }
0x44: {  	_ =	shalt  }
0x45: {  	_ =	shalt  }
0x46: {  	_ =	shalt  }
0x47: {  	_ =	shalt  }
0x48: {  	_ =	shalt  }
0x49: {  	_ =	shalt  }
0x4a: {  	_ =	shalt  }
0x4b: {  	_ =	shalt  }
0x4c: {  	_ =	shalt  }
0x4d: {  	_ =	shalt  }
0x4e: {  	_ =	shalt  }
0x4f: {  	_ =	shalt  }
0x50: {  	_ =	shalt  }
0x51: {  	_ =	shalt  }
0x52: {  	_ =	shalt  }
0x53: {  	_ =	shalt  }
0x54: {  	_ =	shalt  }
0x55: {  	_ =	shalt  }
0x56: {  	_ =	shalt  }
0x57: {  	_ =	shalt  }
0x58: {  	_ =	shalt  }
0x59: {  	_ =	shalt  }
0x5a: {  	_ =	shalt  }
0x5b: {  	_ =	shalt  }
0x5c: {  	_ =	shalt  }
0x5d: {  	_ =	shalt  }
0x5e: {  	_ =	shalt  }
0x5f: {  	_ =	shalt  }
0x60: {  	_ =	shalt  }
0x61: {  	_ =	shalt  }
0x62: {  	_ =	shalt  }
0x63: {  	_ =	shalt  }
0x64: {  	_ =	shalt  }
0x65: {  	_ =	shalt  }
0x66: {  	_ =	shalt  }
0x67: {  	_ =	shalt  }
0x68: {  	_ =	shalt  }
0x69: {  	_ =	shalt  }
0x6a: {  	_ =	shalt  }
0x6b: {  	_ =	shalt  }
0x6c: {  	_ =	shalt  }
0x6d: {  	_ =	shalt  }
0x6e: {  	_ =	shalt  }
0x6f: {  	_ =	shalt  }
0x70: {  	_ =	shalt  }
0x71: {  	_ =	shalt  }
0x72: {  	_ =	shalt  }
0x73: {  	_ =	shalt  }
0x74: {  	_ =	shalt  }
0x75: {  	_ =	shalt  }
0x76: {  	_ =	shalt  }
0x77: {  	_ =	shalt  }
0x78: {  	_ =	shalt  }
0x79: {  	_ =	shalt  }
0x7a: {  	_ =	shalt  }
0x7b: {  	_ =	shalt  }
0x7c: {  	_ =	shalt  }
0x7d: {  	_ =	shalt  }
0x7e: {  	_ =	shalt  }
0x7f: {  	_ =	shalt  }
0x80: {  	_ =	shalt  }
0x81: {  	_ =	shalt  }
0x82: {  	_ =	shalt  }
0x83: {  	_ =	shalt  }
0x84: {  	_ =	shalt  }
0x85: {  	_ =	shalt  }
0x86: {  	_ =	shalt  }
0x87: {  	_ =	shalt  }
.Lfunc_end0:
.L_simem_size_0:
called_computation.3_lowered:
.L_overlay_start_0:
0x88: {  	s2 =	sld [smem:$0x3FD9]  }
0x89: {  	s3 =	sld [smem:$0x3FFE];
	_ =	sdelay $0x1  }
0x8a: {  	s1 =	srdreg.scid  }
0x8b: {  	s0 =	sand.u32 $0x1, s1  }
0x8c: {  	s16 =	sshll.u32 s0, $0xA;
	s2 =	sadd.s32 s3, s2  }
0x8d: {  	s2 =	sadd.s32 s2, s16  }
0x8e: {  	[smem:$0x3FC0] =	sst s2  }
0x8f: {  	_ = 	snop  }
0x90: {  	(tm) =	ssettm $0x1  }
0x91: {  	s17 =	sld [smem:$0x3FFB];
	_ =	sdelay $0x3  }
0x92: {  	_ =	strace s17  }
0x93: {  	s2 =	sld [smem:$0x3FFC];
	_ =	sdelay $0x3  }
0x94: {  	_ =	strace s2  }
0x95: {  	s2 =	sld [smem:$0x3FFD];
	_ =	sdelay $0x3  }
0x96: {  	_ =	strace s2  }
0x97: {  	_ =	strace $0x8FFFFFFF  }
0x98: {  	s18 =	sld [smem:$0x3FDB];
	_ =	sdelay $0x1  }
0x99: {  	s19 =	simm.s32 $_scs_section_size  }
0x9a: {  	s4 =	simm.s32 $_size__tile_overlayer_lowered;
	s5 =	simm.s32 $_tile_overlayer_lowered  }
0x9b: {  	s22 =	simm.s32 $0x1BFF;
	s21 =	sshll.u32 s5, $0x1;
	s2 =	sadd.s32 s19, s18  }
0x9c: {  	s6 =	simm.s32 $0x0;
	s20 =	sshll.u32 s4, $0x1;
	s4 =	sadd.s32 s21, s2  }
0x9d: {  	[timem:s6], [sflag:s22] =	dma.local [hbm:s4], s20  }
0x9e: {  	_ =	swait.ge [sflag:s22], s20  }
0x9f: {  	s3 =	ssub.s32 $0x0, s20;
	[sflag:s22] =	ssyncset.done $0x0  }
0xa0: {  	[sflag:s22] =	ssyncadd.s32 s3;
	_ =	sdelay $0x1  }
0xa1: {  	s23 =	simm.s32 $0x1B8B  }
0xa2: {  	_ =	swait.ge [sflag:s23], $0x1  }
0xa3: {  	[sflag:s23] =	ssyncset.done $0x0  }
0xa4: {  	s25 =	simm.s32 $0x1B8E;
	s24 =	sld [smem:$0x3FFE];
	[sflag:s23] =	ssyncadd.s32 $0xFFFFFFFF  }
0xa5: {  	s26 =	simm.s32 $execute0_lowered;
	[smem:$0x3FD2] =	sst s25  }
0xa6: {  	s4 =	sshll.u32 s26, $0x1;
	_ =	strace $0x8000004F;
	[dreg:$0x1] =	wrdreg $0xFFFFFFFF  }
0xa7: {  	s28 =	simm.s32 $_size_execute0_lowered;
	s2 =	sadd.s32 s2, s4;
	[dreg:$0x0] =	wrdreg $0x0  }
0xa8: {  	s4 =	sshll.u32 s28, $0x1;
	[dreg:$0x2] =	wrdreg s2  }
0xa9: {  	[dreg:$0x3] =	wrdreg s4  }
0xaa: {  	[dreg:$0x4] =	wrdreg $0xC0  }
0xab: {  	_ =	task [dreg:s6], $0x5FFFF  }
0xac: {  	[dreg:$0x1] =	wrdreg $0xFFFFFFFF  }
0xad: {  	[dreg:$0x0] =	wrdreg $0x60  }
0xae: {  	[dreg:$0x2] =	wrdreg s24  }
0xaf: {  	[dreg:$0x3] =	wrdreg $0x41000  }
0xb0: {  	[dreg:$0x4] =	wrdreg $0x9  }
0xb1: {  	_ =	task.clear_ibuf [dreg:s6], $0x5FFFF;
	_ =	strace $0x9000004F  }
0xb2: {  	s29 =	simm.s32 $0x9;
	_ =	strace $0x80000051  }
0xb3: {  	_ =	swait.ge [sflag:s29], $0x1  }
0xb4: {  	[sflag:s29] =	ssyncadd.s32 $0xFFFFFFFF  }
0xb5: {  	_ =	strace $0x90000051  }
0xb6: {  	_ =	sfence  }
0xb7: {  	s30 =	sld [smem:$0x0];
	_ =	sdelay $0x2  }
0xb8: {  	s31 =	sshll.u32 s1, $0xD;
	s1 =	sshrl.u32 s1, $0x2  }
0xb9: {  	s3 =	sand.u32 $0x4000, s31;
	s1 =	sadd.s32 s1, s30  }
0xba: {  	s0 =	sor.u32 s3, s0;
	s1 =	sshll.u32 s1, $0x11  }
0xbb: {  	s0 =	sor.u32 s1, s0  }
0xbc: {  	s0 =	sadd.s32 $0x8F2B, s0  }
0xbd: {  	[sflag:s0] =	ssyncadd.remote.s32 $0x1  }
0xbe: {  	_ =	sfence.sel $0xFFFF  }
0xbf: {  	[dreg:$0x0] =	wrdreg $0xFFFFFFFF;
	(pc) =	sbr.abs _section_cstart, $3  }
0xc0: {  	[dreg:$0x1] =	wrdreg $0xFFFFFFFF  }
0xc1: {  	_ =	task.clear_ibuf [dreg:s6], $0x2FFFF;
	_ =	strace $0x9FFFFFFF  }
0xc2: {  	(tm) =	ssettm $0x7FFFFFFF  }
0xc3: {  	_ =	shalt  }
tec
execute0_lowered:
.L_overlay_start_1:
0x0: {  	(tag) =	ssettag $0x1  }
0x1: {  	s6 =	rddreg [dreg:$0x0]  }
0x2: {  	s2 =	rddreg [dreg:$0x1]  }
0x3: {  	s0 =	rddreg [dreg:$0x2];
	s1 =	stileid.u32  }
0x4: {  	s3 =	simm.s32 $0x0;
	s7 =	srdreg.scid;
	s5 =	smul.u32 $0x9E0, s1  }
0x5: {  	s22 =	simm.s32 $0x1;
	s23 =	simm.s32 $0x0;
	s25 =	smul.u32 $0x50000, s1  }
0x6: {  	[smem:$0x7FF] =	sst s3;
	s13 =	sand.u32 $0x1, s7;
	s10 =	smul.u32 $0x14000, s1  }
0x7: {  	s4 =	sadd.s32 $0x68C00, s6;
	s16 =	sadd.s32 $0x90C00, s6;
	s19 =	smul.u32 $0x140000, s13  }
0x8: {  	_ =	strace $0x80000050;
	s8 =	ssub.s32 $0x2, s13;
	s28 =	smul.u32 $0x4F0, s13  }
0x9: {  	s15 =	sadd.s32 s5, s6;
	s5 =	sadd.s32 $0x4000, s6;
	s26 =	sshrl.u32 s8, $0x1  }
0xa: {  	s7 =	sshrl.u32 s25, $0x2;
	s11 =	sadd.s32 $0x4000, s10;
	s14 =	sadd.s32 $0x8000, s10  }
0xb: {  	s18 =	sadd.s32 $0xC000, s10;
	s20 =	sadd.s32 $0x10000, s10;
	s17 =	ssub.s32 s8, s26  }
0xc: {  	s6 =	sadd.s32 s7, s2;
	s7 =	sadd.s32 s11, s2;
	s8 =	sadd.s32 s14, s2  }
0xd: {  	s9 =	sadd.s32 s18, s2;
	s12 =	sadd.s32 s10, s19;
	s11 =	sadd.s32 s19, s11  }
0xe: {  	s10 =	sadd.s32 s20, s2;
	s14 =	sadd.s32 s19, s14;
	s18 =	sadd.s32 s19, s18  }
0xf: {  	s30 =	sadd.s32 s19, s20;
	s31 =	sadd.s32 s28, s15;
	s19 =	simm.s32 $0x100  }
0x10: {  	s20 =	simm.s32 $0x2;
	s12 =	sshrl.u32 s12, $0x3;
	s21 =	sshrl.u32 s11, $0x3  }
0x11: {  	s14 =	sshrl.u32 s14, $0x3;
	s29 =	sshrl.u32 s18, $0x3;
	s18 =	sshrl.u32 s30, $0x3  }
0x12: {  	s11 =	sadd.s32 s16, s12;
	s12 =	sadd.s32 s16, s21;
	s13 =	sadd.s32 s16, s14  }
0x13: {  	s14 =	sadd.s32 s16, s29;
	s15 =	sadd.s32 s16, s18;
	s16 =	smax.u32 s17, $0x1  }
0x14: {  	s17 =	sadd.s32 $0x55000, s31;
	s18 =	sadd.s32 $0x5EE00, s31;
	s21 =	simm.s32 $0x80  }
.LBB2_1:
0x15: {  	[tilespmem:s19], [sflag:$0x2] =	stream.linear.gather [hbm4b:s5+s3], $0x4000, $0x38;
	[tilespmem:$0x18100] =	vst v63  }
0x16: {  	_ =	swait.ge [sflag:s20], $0x4000  }
0x17: {  	[sflag:s20] =	ssyncset.done $0x0  }
0x18: {  	[sflag:s20] =	ssyncadd.s32 $0xFFFFC000  }
0x19: {  	[spmem:s6] =	stream.linear.scatter [tilespmem:s19], [sflag:$0x2], $0x4000, $0x38;
	[tilespmem:$0x18100] =	vst v63  }
0x1a: {  	_ =	swait.ge [sflag:s20], $0x4000  }
0x1b: {  	[sflag:s20] =	ssyncset.done $0x0  }
0x1c: {  	[sflag:s20] =	ssyncadd.s32 $0xFFFFC000  }
0x1d: {  	[spmem:s7] =	stream.linear.scatter [tilespmem:s19], [sflag:$0x2], $0x4000, $0x38;
	[tilespmem:$0x18100] =	vst v63  }
0x1e: {  	_ =	swait.ge [sflag:s20], $0x4000  }
0x1f: {  	[sflag:s20] =	ssyncset.done $0x0  }
0x20: {  	[sflag:s20] =	ssyncadd.s32 $0xFFFFC000  }
0x21: {  	[spmem:s8] =	stream.linear.scatter [tilespmem:s19], [sflag:$0x2], $0x4000, $0x38;
	[tilespmem:$0x18100] =	vst v63  }
0x22: {  	_ =	swait.ge [sflag:s20], $0x4000  }
0x23: {  	[sflag:s20] =	ssyncset.done $0x0  }
0x24: {  	[sflag:s20] =	ssyncadd.s32 $0xFFFFC000  }
0x25: {  	[spmem:s9] =	stream.linear.scatter [tilespmem:s19], [sflag:$0x2], $0x4000, $0x38;
	[tilespmem:$0x18100] =	vst v63  }
0x26: {  	_ =	swait.ge [sflag:s20], $0x4000  }
0x27: {  	[sflag:s20] =	ssyncset.done $0x0  }
0x28: {  	[sflag:s20] =	ssyncadd.s32 $0xFFFFC000  }
0x29: {  	[spmem:s10] =	stream.linear.scatter [tilespmem:s19], [sflag:$0x2], $0x4000, $0x38;
	[tilespmem:$0x18100] =	vst v63  }
0x2a: {  	_ =	swait.ge [sflag:s20], $0x4000  }
0x2b: {  	[sflag:s20] =	ssyncset.done $0x0  }
0x2c: {  	[sflag:s20] =	ssyncadd.s32 $0xFFFFC000  }
0x2d: {  	s24 =	sadd.s32 $0x0, s18;
	[bflag:$0x0] =	sbarrier.arrive $0xFFFF  }
0x2e: {  	[tilespmem:s3], [sflag:$0x2] =	stream.linear.gather [hbm4b:s24+s3], $0x80, $0x38;
	[tilespmem:$0x18100] =	vst v63  }
0x2f: {  	_ =	swait.ge [sflag:s20], $0x80  }
0x30: {  	[sflag:s20] =	ssyncset.done $0x0  }
0x31: {  	[sflag:s20] =	ssyncadd.s32 $0xFFFFFF80  }
0x32: {  	[tilespmem:s19], [sflag:$0x1] =	stream.indirect.gather [hbm4b:s4+s21], $0x80, s3, s21, $0xb8;
	[tilespmem:$0x18100] =	vst v63  }
0x33: {  	_ =	swait.ge [sflag:s22], $0x4000  }
0x34: {  	[sflag:s22] =	ssyncset.done $0x0  }
0x35: {  	s31 =	sadd.s32 $0x0, s17;
	[sflag:s22] =	ssyncadd.s32 $0xFFFFC000  }
0x36: {  	[tilespmem:s21], [sflag:$0x2] =	stream.linear.gather [hbm4b:s31+s3], $0x80, $0x38;
	[tilespmem:$0x18100] =	vst v63  }
0x37: {  	_ =	swait.ge [sflag:s20], $0x80  }
0x38: {  	[sflag:s20] =	ssyncset.done $0x0  }
0x39: {  	[sflag:s20] =	ssyncadd.s32 $0xFFFFFF80  }
0x3a: {  	[spmem:s2] =	stream.indirect.scatter.add.f32 [tilespmem:s19], [sflag:$0x2], $0x80, s21, s21, $0xb8;
	[tilespmem:$0x18100] =	vst v63  }
0x3b: {  	_ =	swait.ge [sflag:s20], $0x4000  }
0x3c: {  	s25 =	simm.s32 $0x20;
	s24 =	simm.s32 $0x10;
	[sflag:s20] =	ssyncset.done $0x0  }
.LBB2_2:
0x3d: {  	s26 =	sadd.s32 s24, s18  }
0x3e: {  	[sflag:s20] =	ssyncadd.s32 $0xFFFFC000;
	s28 =	smov.u32 s25;
	s29 =	sadd.s32 $0x10, s25  }
0x3f: {  	[tilespmem:s3], [sflag:$0x2] =	stream.linear.gather [hbm4b:s26+s3], $0x80, $0x38;
	[tilespmem:$0x18100] =	vst v63  }
0x40: {  	p0 =	sne.s32 s25, $0x4E0;
	_ =	swait.ge [sflag:s20], $0x80  }
0x41: {  	[sflag:s20] =	ssyncset.done $0x0  }
0x42: {  	[sflag:s20] =	ssyncadd.s32 $0xFFFFFF80  }
0x43: {  	[tilespmem:s19], [sflag:$0x1] =	stream.indirect.gather [hbm4b:s4+s21], $0x80, s3, s21, $0xb8;
	[tilespmem:$0x18100] =	vst v63  }
0x44: {  	_ =	swait.ge [sflag:s22], $0x4000  }
0x45: {  	[sflag:s22] =	ssyncset.done $0x0  }
0x46: {  	s25 =	sadd.s32 s24, s17;
	s24 =	smov.u32 s28;
	[sflag:s22] =	ssyncadd.s32 $0xFFFFC000  }
0x47: {  	[tilespmem:s21], [sflag:$0x2] =	stream.linear.gather [hbm4b:s25+s3], $0x80, $0x38;
	[tilespmem:$0x18100] =	vst v63  }
0x48: {  	_ =	swait.ge [sflag:s20], $0x80  }
.Ltmp0:
0x49: {  	[sflag:s20] =	ssyncset.done $0x0;
	(pc) =	sbr.rel @p0 .LBB2_2-.Ltmp0, $4  }
0x4a: {  	[sflag:s20] =	ssyncadd.s32 $0xFFFFFF80  }
0x4b: {  	[spmem:s2] =	stream.indirect.scatter.add.f32 [tilespmem:s19], [sflag:$0x2], $0x80, s21, s21, $0xb8;
	[tilespmem:$0x18100] =	vst v63  }
0x4c: {  	_ =	swait.ge [sflag:s20], $0x4000  }
0x4d: {  	s25 =	smov.u32 s29;
	[sflag:s20] =	ssyncset.done $0x0  }
0x4e: {  	s25 =	sadd.s32 s24, s18;
	[sflag:s20] =	ssyncadd.s32 $0xFFFFC000  }
0x4f: {  	[tilespmem:s3], [sflag:$0x2] =	stream.linear.gather [hbm4b:s25+s3], $0x80, $0x38;
	[tilespmem:$0x18100] =	vst v63  }
0x50: {  	_ =	swait.ge [sflag:s20], $0x80  }
0x51: {  	[sflag:s20] =	ssyncset.done $0x0  }
0x52: {  	[sflag:s20] =	ssyncadd.s32 $0xFFFFFF80  }
0x53: {  	[tilespmem:s19], [sflag:$0x1] =	stream.indirect.gather [hbm4b:s4+s21], $0x80, s3, s21, $0xb8;
	[tilespmem:$0x18100] =	vst v63  }
0x54: {  	_ =	swait.ge [sflag:s22], $0x4000  }
0x55: {  	[sflag:s22] =	ssyncset.done $0x0  }
0x56: {  	s31 =	sadd.s32 s24, s17;
	[sflag:s22] =	ssyncadd.s32 $0xFFFFC000  }
0x57: {  	[tilespmem:s21], [sflag:$0x2] =	stream.linear.gather [hbm4b:s31+s3], $0x80, $0x38;
	[tilespmem:$0x18100] =	vst v63  }
0x58: {  	_ =	swait.ge [sflag:s20], $0x80  }
0x59: {  	[sflag:s20] =	ssyncset.done $0x0  }
0x5a: {  	[sflag:s20] =	ssyncadd.s32 $0xFFFFFF80  }
0x5b: {  	[spmem:s2] =	stream.indirect.scatter.add.f32 [tilespmem:s19], [sflag:$0x2], $0x80, s21, s21, $0xb8;
	[tilespmem:$0x18100] =	vst v63  }
0x5c: {  	_ =	swait.ge [sflag:s20], $0x4000  }
0x5d: {  	[sflag:s20] =	ssyncset.done $0x0  }
0x5e: {  	[sflag:s20] =	ssyncadd.s32 $0xFFFFC000  }
0x5f: {  	[bflag:$0x0] =	sbarrier.arrive $0xFFFF  }
0x60: {  	[tilespmem:s19], [sflag:$0x2] =	stream.linear.gather [spmem:s6], $0x4000, $0x38;
	[tilespmem:$0x18100] =	vst v63  }
0x61: {  	_ =	swait.ge [sflag:s20], $0x4000  }
0x62: {  	[sflag:s20] =	ssyncset.done $0x0  }
0x63: {  	[sflag:s20] =	ssyncadd.s32 $0xFFFFC000  }
0x64: {  	[hbm4b:s11+s3] =	stream.linear.scatter [tilespmem:s19], [sflag:$0x2], $0x4000, $0x38;
	[tilespmem:$0x18100] =	vst v63  }
0x65: {  	_ =	swait.ge [sflag:s20], $0x4000  }
0x66: {  	[sflag:s20] =	ssyncset.done $0x0  }
0x67: {  	[sflag:s20] =	ssyncadd.s32 $0xFFFFC000  }
0x68: {  	[tilespmem:s19], [sflag:$0x2] =	stream.linear.gather [spmem:s7], $0x4000, $0x38;
	[tilespmem:$0x18100] =	vst v63  }
0x69: {  	_ =	swait.ge [sflag:s20], $0x4000  }
0x6a: {  	[sflag:s20] =	ssyncset.done $0x0  }
0x6b: {  	[sflag:s20] =	ssyncadd.s32 $0xFFFFC000  }
0x6c: {  	[hbm4b:s12+s3] =	stream.linear.scatter [tilespmem:s19], [sflag:$0x2], $0x4000, $0x38;
	[tilespmem:$0x18100] =	vst v63  }
0x6d: {  	_ =	swait.ge [sflag:s20], $0x4000  }
0x6e: {  	[sflag:s20] =	ssyncset.done $0x0  }
0x6f: {  	[sflag:s20] =	ssyncadd.s32 $0xFFFFC000  }
0x70: {  	[tilespmem:s19], [sflag:$0x2] =	stream.linear.gather [spmem:s8], $0x4000, $0x38;
	[tilespmem:$0x18100] =	vst v63  }
0x71: {  	_ =	swait.ge [sflag:s20], $0x4000  }
0x72: {  	[sflag:s20] =	ssyncset.done $0x0  }
0x73: {  	[sflag:s20] =	ssyncadd.s32 $0xFFFFC000  }
0x74: {  	[hbm4b:s13+s3] =	stream.linear.scatter [tilespmem:s19], [sflag:$0x2], $0x4000, $0x38;
	[tilespmem:$0x18100] =	vst v63  }
0x75: {  	_ =	swait.ge [sflag:s20], $0x4000  }
0x76: {  	[sflag:s20] =	ssyncset.done $0x0  }
0x77: {  	[sflag:s20] =	ssyncadd.s32 $0xFFFFC000  }
0x78: {  	[tilespmem:s19], [sflag:$0x2] =	stream.linear.gather [spmem:s9], $0x4000, $0x38;
	[tilespmem:$0x18100] =	vst v63  }
0x79: {  	_ =	swait.ge [sflag:s20], $0x4000  }
0x7a: {  	[sflag:s20] =	ssyncset.done $0x0  }
0x7b: {  	[sflag:s20] =	ssyncadd.s32 $0xFFFFC000  }
0x7c: {  	[hbm4b:s14+s3] =	stream.linear.scatter [tilespmem:s19], [sflag:$0x2], $0x4000, $0x38;
	[tilespmem:$0x18100] =	vst v63  }
0x7d: {  	_ =	swait.ge [sflag:s20], $0x4000  }
0x7e: {  	[sflag:s20] =	ssyncset.done $0x0  }
0x7f: {  	[sflag:s20] =	ssyncadd.s32 $0xFFFFC000  }
0x80: {  	[tilespmem:s19], [sflag:$0x2] =	stream.linear.gather [spmem:s10], $0x4000, $0x38;
	[tilespmem:$0x18100] =	vst v63  }
0x81: {  	s23 =	sadd.s32 $0x1, s23;
	_ =	swait.ge [sflag:s20], $0x4000  }
0x82: {  	p0 =	sne.s32 s23, s16;
	[sflag:s20] =	ssyncset.done $0x0  }
.Ltmp1:
0x83: {  	[sflag:s20] =	ssyncadd.s32 $0xFFFFC000;
	(pc) =	sbr.rel @p0 .LBB2_1-.Ltmp1, $4  }
0x84: {  	[hbm4b:s15+s3] =	stream.linear.scatter [tilespmem:s19], [sflag:$0x2], $0x4000, $0x38;
	[tilespmem:$0x18100] =	vst v63  }
0x85: {  	_ =	swait.ge [sflag:s20], $0x4000  }
0x86: {  	[sflag:s20] =	ssyncset.done $0x0  }
0x87: {  	[sflag:s20] =	ssyncadd.s32 $0xFFFFC000  }
0x88: {  	_ =	sfence.sel $0x180000  }
0x89: {  	[bflag:$0x0] =	sbarrier.arrive $0xFFFF  }
0x8a: {  	p0 =	sne.s32 s1, $0x0;
	_ =	strace $0x90000050  }
0x8b: {  	s0 =	sadd.s32 @!p0 $0x100000, s0;
	[bflag:$0x2] =	sbarrier.arrive $0xFFFF  }
0x8c: {  	[sflag:s0] =	ssyncadd.tile.s32 @!p0 $0x1;
	_ =	shalt  }
.Lfunc_end2:
_tile_overlayer_lowered:
.L_overlay_start_2:
0x8d: {  	(tag) =	ssettag $0x2  }
0x8e: {  	s0 =	rddreg [dreg:$0x0];
	s2 =	stileid.u32  }
0x8f: {  	s1 =	rddreg [dreg:$0x1];
	p0 =	sne.s32 s2, $0x0  }
0x90: {  	s3 =	rddreg [dreg:$0x2];
	[bflag:$0x3] =	sbarrier.arrive $0xFFFF;
	s2 =	simm.s32 @!p0 $0x1C02  }
0x91: {  	[timem:s3], [sflag:s2] =	dma.local @!p0 [hbm:s0], s1  }
0x92: {  	s0 =	simm.s32 @!p0 $0x2  }
0x93: {  	_ =	swait.ge @!p0 [sflag:s0], s1  }
0x94: {  	s1 =	ssub.s32 @!p0 $0x0, s1;
	[sflag:s0] =	ssyncset.done @!p0 $0x0  }
0x95: {  	[sflag:s0] =	ssyncadd.s32 @!p0 s1  }
0x96: {  	[bflag:$0x3] =	sbarrier.arrive $0xFFFF  }
0x97: {  	_ =	shalt  }

</sc_bundles>
